<compile_context>
chip_gen: v7x
topology: tpu7x:2x2x1
jax: 0.10.2.dev20260603
libtpu: 0.0.44.dev20260713+nightly
codegen_flags: <defaults>
</compile_context>

<pallas_src>
import functools

import jax
import jax.numpy as jnp
from jax import lax
from jax.experimental import pallas as pl
from jax.experimental.pallas import tpu as pltpu
from jax.experimental.pallas import tpu_sc as plsc

N_SURF = 8192
N_GRAPH = 2048
H = 128
NGDF = 16
K = 16
HI = jax.lax.Precision.HIGHEST
F32 = jnp.float32


def _sg(x):
    return 1.0 / (1.0 + jnp.exp(-x))


def _silu(x):
    return x * _sg(x)


def _sp(x):
    return jnp.maximum(x, 0.0) + jnp.log(1.0 + jnp.exp(-jnp.abs(x)))


def _bn_full(z, g, b):
    m = jnp.mean(z, axis=0, keepdims=True)
    v = jnp.mean((z - m) ** 2, axis=0, keepdims=True)
    return (z - m) / jnp.sqrt(v + 1e-5) * g + b


def _gate(y):
    return _sg(y[:, :H]) * _sp(y[:, H:])


def _dot(a, b):
    return jnp.dot(a, b, precision=HI, preferred_element_type=F32)


def _dotd(a, b):
    return jnp.dot(a, b, precision=jax.lax.Precision.DEFAULT,
                   preferred_element_type=F32)


def _node_body(x_ref, w1t, b1, g1, bb1, w2t, b2, g2, bb2, o_ref):
    z1 = _dotd(x_ref[...], w1t[...]) + b1[...]
    h = _silu(_bn_full(z1, g1[...], bb1[...]))
    z2 = _dotd(h, w2t[...]) + b2[...]
    o_ref[...] = _gate(_bn_full(z2, g2[...], bb2[...]))


def _node_mlp(x, p, pre, n):
    args = (x, p[pre + '_w1'].T, p[pre + '_b1'][None], p[pre + '_g1'][None],
            p[pre + '_bb1'][None], p[pre + '_w2'].T, p[pre + '_b2'][None],
            p[pre + '_g2'][None], p[pre + '_bb2'][None])
    return pl.pallas_call(
        _node_body,
        out_shape=jax.ShapeDtypeStruct((n, H), F32),
    )(*args)


def _mix_body(a_ref, c_ref, w1at, w1bt, b1, g1, bb1, w2t, b2, g2, bb2, o_ref):
    z1 = _dotd(a_ref[...], w1at[...]) + _dotd(c_ref[...], w1bt[...]) + b1[...]
    h = _silu(_bn_full(z1, g1[...], bb1[...]))
    z2 = _dotd(h, w2t[...]) + b2[...]
    o_ref[...] = _bn_full(z2, g2[...], bb2[...])


def _mix_mlp(a, c, p, pre, n):
    w1t = p[pre + '_w1'].T
    args = (a, c, w1t[:H], w1t[H:], p[pre + '_b1'][None], p[pre + '_g1'][None],
            p[pre + '_bb1'][None], p[pre + '_w2'].T, p[pre + '_b2'][None],
            p[pre + '_g2'][None], p[pre + '_bb2'][None])
    return pl.pallas_call(
        _mix_body,
        out_shape=jax.ShapeDtypeStruct((n, H), F32),
    )(*args)


def _topk_body(a_ref, bt_ref, o_ref, *, ncols):
    a = a_ref[...]
    bt = bt_ref[...]
    rows = a.shape[0]
    cross = jnp.dot(a, bt, precision=jax.lax.Precision.DEFAULT,
                    preferred_element_type=F32)
    asq = jnp.sum(a * a, axis=1, keepdims=True)
    bsq = jnp.sum(bt * bt, axis=0, keepdims=True)
    d2 = jnp.sqrt(jnp.maximum((asq + bsq) - 2.0 * cross, 1e-12))
    lane = lax.broadcasted_iota(jnp.int32, (rows, ncols), 1)
    for k in range(K):
        mn = jnp.min(d2, axis=1, keepdims=True)
        am = jnp.min(jnp.where(d2 == mn, lane, ncols), axis=1, keepdims=True)
        o_ref[:, k:k + 1] = am
        d2 = jnp.where(lane == am, jnp.inf, d2)


def _topk(a, bt, nrows, ncols, tile):
    import functools
    return pl.pallas_call(
        functools.partial(_topk_body, ncols=ncols),
        grid=(nrows // tile,),
        in_specs=[pl.BlockSpec((tile, 3), lambda i: (i, 0)),
                  pl.BlockSpec((3, ncols), lambda i: (0, 0))],
        out_specs=pl.BlockSpec((tile, K), lambda i: (i, 0)),
        out_shape=jax.ShapeDtypeStruct((nrows, K), jnp.int32),
    )(a, bt)


def _sc_gather(table, idx):
    B = idx.shape[0]
    D = table.shape[1]
    NW, CH = 32, 512
    b_per_w = B // NW
    iters = b_per_w // CH
    mesh = plsc.VectorSubcoreMesh(core_axis_name="c", subcore_axis_name="s")

    @functools.partial(
        pl.kernel, mesh=mesh,
        out_type=jax.ShapeDtypeStruct((B, D), F32),
        scratch_types=[pltpu.VMEM((CH,), jnp.int32),
                       pltpu.VMEM((CH, D), F32),
                       pltpu.SemaphoreType.DMA],
    )
    def k(table_hbm, idx_hbm, out_hbm, idx_v, rows_v, sem):
        wid = lax.axis_index("s") * 2 + lax.axis_index("c")
        base = wid * b_per_w

        def body(c, carry):
            off = base + c * CH
            pltpu.sync_copy(idx_hbm.at[pl.ds(off, CH)], idx_v)
            pltpu.async_copy(table_hbm.at[idx_v], rows_v, sem).wait()
            pltpu.sync_copy(rows_v, out_hbm.at[pl.ds(off, CH)])
            return carry

        lax.fori_loop(0, iters, body, 0)

    return k(table, idx)


def _p1_body(feats_ref, aux_ref, src_ref, nrm_ref,
             w1at, w1bt, w1ct, b1, z1_ref, st_ref, *, tile, flip):
    i = pl.program_id(0)
    feats = feats_ref[...]
    aux = aux_ref[...]
    pos_g = aux[:, 0:3]
    nv = tile // K
    rl = lax.broadcasted_iota(jnp.int32, (tile, nv), 0) // K
    cl = lax.broadcasted_iota(jnp.int32, (tile, nv), 1)
    ohv = (rl == cl).astype(F32)
    pos_s = _dot(ohv, src_ref[...])
    if flip:
        nrm = aux[:, 3:6]
    else:
        nrm = _dot(ohv, nrm_ref[...])
    ev = pos_g - pos_s
    d2 = ev[:, 0:1] * ev[:, 0:1] + ev[:, 1:2] * ev[:, 1:2] + ev[:, 2:3] * ev[:, 2:3]
    dist = jnp.sqrt(d2)
    nd = ev / dist
    ang = nd[:, 0:1] * nrm[:, 0:1] + nd[:, 1:2] * nrm[:, 1:2] + nd[:, 2:3] * nrm[:, 2:3]
    gdf = lax.broadcasted_iota(jnp.int32, (tile, NGDF), 1).astype(F32)
    mu_d = gdf * (8.0 / 15.0)
    mu_a = gdf * (2.0 / 15.0) - 1.0
    enc_d = jnp.exp(-(((dist - mu_d) / 0.5) ** 2))
    enc_a = jnp.exp(-(((ang - mu_a) / 0.125) ** 2))
    z1 = _dotd(feats, w1at[...]) + _dotd(enc_d, w1bt[...]) + _dotd(enc_a, w1ct[...]) + b1[...]
    z1_ref[...] = z1

    @pl.when(i == 0)
    def _():
        st_ref[...] = jnp.zeros_like(st_ref)

    st_ref[0:1, :] = st_ref[0:1, :] + jnp.sum(z1, axis=0, keepdims=True)
    st_ref[1:2, :] = st_ref[1:2, :] + jnp.sum(z1 * z1, axis=0, keepdims=True)


def _edge_p1(feats, aux, src, nrm, p, pre, ne, tile, flip):
    w1t = p[pre + '_w1'].T
    grid = ne // tile
    nv = tile // K
    return pl.pallas_call(
        functools.partial(_p1_body, tile=tile, flip=flip),
        grid=(grid,),
        in_specs=[pl.BlockSpec((tile, H), lambda i: (i, 0)),
                  pl.BlockSpec((tile, 128), lambda i: (i, 0)),
                  pl.BlockSpec((nv, 3), lambda i: (i, 0)),
                  pl.BlockSpec((nv, 3), lambda i: (i, 0)),
                  pl.BlockSpec((H, H), lambda i: (0, 0)),
                  pl.BlockSpec((NGDF, H), lambda i: (0, 0)),
                  pl.BlockSpec((NGDF, H), lambda i: (0, 0)),
                  pl.BlockSpec((1, H), lambda i: (0, 0))],
        out_specs=[pl.BlockSpec((tile, H), lambda i: (i, 0)),
                   pl.BlockSpec((8, H), lambda i: (0, 0))],
        out_shape=[jax.ShapeDtypeStruct((ne, H), F32),
                   jax.ShapeDtypeStruct((8, H), F32)],
    )(feats, aux, src, nrm, w1t[:H], w1t[H:H + NGDF],
      w1t[H + NGDF:], p[pre + '_b1'][None])


def _p2_body(z1_ref, st1_ref, g1, bb1, w2t, b2, st2_ref, *, ne):
    i = pl.program_id(0)
    m1 = st1_ref[0:1, :] / ne
    v1 = st1_ref[1:2, :] / ne - m1 * m1
    x = (z1_ref[...] - m1) / jnp.sqrt(v1 + 1e-5) * g1[...] + bb1[...]
    z2 = _dotd(_silu(x), w2t[...]) + b2[...]

    @pl.when(i == 0)
    def _():
        st2_ref[...] = jnp.zeros_like(st2_ref)

    st2_ref[0:1, :] = st2_ref[0:1, :] + jnp.sum(z2, axis=0, keepdims=True)
    st2_ref[1:2, :] = st2_ref[1:2, :] + jnp.sum(z2 * z2, axis=0, keepdims=True)


def _edge_p2(z1, st1, p, pre, ne, tile):
    import functools
    return pl.pallas_call(
        functools.partial(_p2_body, ne=ne),
        grid=(ne // tile,),
        in_specs=[pl.BlockSpec((tile, H), lambda i: (i, 0)),
                  pl.BlockSpec((8, H), lambda i: (0, 0)),
                  pl.BlockSpec((1, H), lambda i: (0, 0)),
                  pl.BlockSpec((1, H), lambda i: (0, 0)),
                  pl.BlockSpec((H, 2 * H), lambda i: (0, 0)),
                  pl.BlockSpec((1, 2 * H), lambda i: (0, 0))],
        out_specs=pl.BlockSpec((8, 2 * H), lambda i: (0, 0)),
        out_shape=jax.ShapeDtypeStruct((8, 2 * H), F32),
    )(z1, st1, p[pre + '_g1'][None], p[pre + '_bb1'][None],
      p[pre + '_w2'].T, p[pre + '_b2'][None])


def _p3_body(z1_ref, st1_ref, st2_ref, g1, bb1, w2t, b2, g2, bb2, o_ref,
             *, ne, tile):
    m1 = st1_ref[0:1, :] / ne
    v1 = st1_ref[1:2, :] / ne - m1 * m1
    x = (z1_ref[...] - m1) / jnp.sqrt(v1 + 1e-5) * g1[...] + bb1[...]
    z2 = _dotd(_silu(x), w2t[...]) + b2[...]
    m2 = st2_ref[0:1, :] / ne
    v2 = st2_ref[1:2, :] / ne - m2 * m2
    y = (z2 - m2) / jnp.sqrt(v2 + 1e-5) * g2[...] + bb2[...]
    g = _gate(y)
    nv = tile // K
    rl = lax.broadcasted_iota(jnp.int32, (tile, nv), 0) // K
    cl = lax.broadcasted_iota(jnp.int32, (tile, nv), 1)
    ohv = (rl == cl).astype(F32)
    o_ref[...] = jax.lax.dot_general(
        ohv, g, dimension_numbers=(((0,), (0,)), ((), ())),
        precision=HI, preferred_element_type=F32)


def _edge_p3(z1, st1, st2, p, pre, ne, nseg, tile):
    import functools
    return pl.pallas_call(
        functools.partial(_p3_body, ne=ne, tile=tile),
        grid=(ne // tile,),
        in_specs=[pl.BlockSpec((tile, H), lambda i: (i, 0)),
                  pl.BlockSpec((8, H), lambda i: (0, 0)),
                  pl.BlockSpec((8, 2 * H), lambda i: (0, 0)),
                  pl.BlockSpec((1, H), lambda i: (0, 0)),
                  pl.BlockSpec((1, H), lambda i: (0, 0)),
                  pl.BlockSpec((H, 2 * H), lambda i: (0, 0)),
                  pl.BlockSpec((1, 2 * H), lambda i: (0, 0)),
                  pl.BlockSpec((1, 2 * H), lambda i: (0, 0)),
                  pl.BlockSpec((1, 2 * H), lambda i: (0, 0))],
        out_specs=pl.BlockSpec((tile // K, H), lambda i: (i, 0)),
        out_shape=jax.ShapeDtypeStruct((nseg, H), F32),
    )(z1, st1, st2, p[pre + '_g1'][None], p[pre + '_bb1'][None],
      p[pre + '_w2'].T, p[pre + '_b2'][None], p[pre + '_g2'][None],
      p[pre + '_bb2'][None])


def kernel(graph_x, surface_x, surface_verts, graph_node_pos, vnormals, params):
    p = params
    h_geom = _node_mlp(surface_x, p, 'geom', N_SURF)
    h_chem = _node_mlp(graph_x, p, 'chem', N_GRAPH)

    idx_v = _topk(surface_verts, graph_node_pos.T, N_SURF, N_GRAPH, 256)
    idx_g = _topk(graph_node_pos, surface_verts.T, N_GRAPH, N_SURF, 128)

    gp16 = jnp.pad(graph_node_pos, ((0, 0), (0, 125)))
    svvn16 = jnp.pad(jnp.concatenate([surface_verts, vnormals], axis=1),
                     ((0, 0), (0, 122)))

    e1 = N_SURF * K
    t1 = 4096
    fl_v = idx_v.reshape(-1)
    feats_s = _sc_gather(h_chem, fl_v)
    aux_s = _sc_gather(gp16, fl_v)
    z1s, st1s = _edge_p1(feats_s, aux_s, surface_verts, vnormals,
                         p, 'surfchem', e1, t1, False)
    st2s = _edge_p2(z1s, st1s, p, 'surfchem', e1, 4096)
    hcg = _edge_p3(z1s, st1s, st2s, p, 'surfchem', e1, N_SURF, 4096)
    h_geom_mix = _mix_mlp(hcg, h_geom, p, 'cg', N_SURF)

    e2 = N_GRAPH * K
    t2 = 4096
    fl_g = idx_g.reshape(-1)
    feats_g = _sc_gather(h_geom, fl_g)
    aux_g = _sc_gather(svvn16, fl_g)
    z1g, st1g = _edge_p1(feats_g, aux_g, graph_node_pos, graph_node_pos,
                         p, 'graphgeom', e2, t2, True)
    st2g = _edge_p2(z1g, st1g, p, 'graphgeom', e2, 4096)
    hgc = _edge_p3(z1g, st1g, st2g, p, 'graphgeom', e2, N_GRAPH, 4096)
    h_chem_mix = _mix_mlp(hgc, h_chem, p, 'gc', N_GRAPH)

    return (h_geom_mix, h_chem_mix)

# --- scband reference (transcript-rebuilt; emitter-appended) ---
"""Pipeline reference for scband-bi-hmrinput-encoder-22668837388642 (READ-ONLY COPY).

The authoritative reference and input builder live on the scoring server;
editing this copy changes nothing except your own understanding.
"""

import jax, jax.numpy as jnp
import numpy as np

N_SURF = 8192
N_GRAPH = 2048
H = 128
NUM_GDF = 16
K = 16
CHEM_DIM = 30
GEOM_DIM = 22


def _rbf(D, D_min, D_max, D_count):
    D_mu = jnp.linspace(D_min, D_max, D_count)
    D_sigma = (D_max - D_min) / D_count
    return jnp.exp(-(((D[..., None] - D_mu) / D_sigma) ** 2))


def _bn(x, g, b, eps=1e-5):
    m = jnp.mean(x, axis=0, keepdims=True)
    v = jnp.var(x, axis=0, keepdims=True)
    return (x - m) / jnp.sqrt(v + eps) * g + b


def _mlp(x, p, pre):
    x = x @ p[pre + '_w1'].T + p[pre + '_b1']
    x = _bn(x, p[pre + '_g1'], p[pre + '_bb1'])
    x = jax.nn.silu(x)
    x = x @ p[pre + '_w2'].T + p[pre + '_b2']
    x = _bn(x, p[pre + '_g2'], p[pre + '_bb2'])
    return x


def _mk_mlp(rs, pre, din, dhid, dout, p):
    p[pre + '_w1'] = jnp.asarray((rs.randn(dhid, din) / np.sqrt(din)).astype(np.float32))
    p[pre + '_b1'] = jnp.zeros((dhid,), jnp.float32)
    p[pre + '_g1'] = jnp.ones((dhid,), jnp.float32)
    p[pre + '_bb1'] = jnp.zeros((dhid,), jnp.float32)
    p[pre + '_w2'] = jnp.asarray((rs.randn(dout, dhid) / np.sqrt(dhid)).astype(np.float32))
    p[pre + '_b2'] = jnp.zeros((dout,), jnp.float32)
    p[pre + '_g2'] = jnp.ones((dout,), jnp.float32)
    p[pre + '_bb2'] = jnp.zeros((dout,), jnp.float32)


def setup_inputs():
    rs = np.random.RandomState(0)
    graph_x = jnp.asarray(rs.randn(N_GRAPH, CHEM_DIM).astype(np.float32))
    surface_x = jnp.asarray(rs.randn(N_SURF, GEOM_DIM).astype(np.float32))
    surface_verts = jnp.asarray((rs.rand(N_SURF, 3) * 8.0).astype(np.float32))
    graph_node_pos = jnp.asarray((rs.rand(N_GRAPH, 3) * 8.0).astype(np.float32))
    vn = rs.randn(N_SURF, 3).astype(np.float32)
    vn = vn / np.linalg.norm(vn, axis=1, keepdims=True)
    vnormals = jnp.asarray(vn)
    p = {}
    _mk_mlp(rs, 'chem', CHEM_DIM, H, 2 * H, p)
    _mk_mlp(rs, 'geom', GEOM_DIM, H, 2 * H, p)
    _mk_mlp(rs, 'surfchem', H + 2 * NUM_GDF, H, 2 * H, p)
    _mk_mlp(rs, 'graphgeom', H + 2 * NUM_GDF, H, 2 * H, p)
    _mk_mlp(rs, 'cg', 2 * H, H, H, p)
    _mk_mlp(rs, 'gc', 2 * H, H, H, p)
    return {'graph_x': graph_x, 'surface_x': surface_x, 'surface_verts': surface_verts,
            'graph_node_pos': graph_node_pos, 'vnormals': vnormals, 'params': p}


def reference(graph_x, surface_x, surface_verts, graph_node_pos, vnormals, params):
    h_geom = _mlp(surface_x, params, 'geom')
    nf, nc = jnp.split(h_geom, 2, axis=-1)
    h_geom = jax.nn.sigmoid(nf) * jax.nn.softplus(nc)
    h_chem = _mlp(graph_x, params, 'chem')
    nf, nc = jnp.split(h_chem, 2, axis=-1)
    h_chem = jax.nn.sigmoid(nf) * jax.nn.softplus(nc)
    # kNN neighbor computation (no_grad in torch -> stop_gradient)
    sv = jax.lax.stop_gradient(surface_verts)
    gp = jax.lax.stop_gradient(graph_node_pos)
    d2 = jnp.sum(sv ** 2, axis=1)[:, None] + jnp.sum(gp ** 2, axis=1)[None, :] - 2.0 * (sv @ gp.T)
    dists = jnp.sqrt(jnp.maximum(d2, 1e-12))
    idx_v = jax.lax.top_k(-dists, K)[1]
    idx_g = jax.lax.top_k(-dists.T, K)[1]
    # surface <- chem messages
    neigh_verts = jnp.repeat(jnp.arange(N_SURF), K)
    neigh_graphs = idx_v.reshape(-1)
    all_chem_feats = h_chem[neigh_graphs]
    all_normals = vnormals[neigh_verts]
    edge_vecs = graph_node_pos[neigh_graphs] - surface_verts[neigh_verts]
    edge_dists = jnp.linalg.norm(edge_vecs, axis=-1)
    normed = edge_vecs / edge_dists[:, None]
    nbr_angular = jnp.sum(normed * all_normals, axis=-1)
    enc_d = _rbf(edge_dists, 0.0, 8.0, NUM_GDF)
    enc_a = _rbf(nbr_angular, -1.0, 1.0, NUM_GDF)
    msg = jnp.concatenate([all_chem_feats, enc_d, enc_a], axis=-1)
    emb = _mlp(msg, params, 'surfchem')
    nf, nc = jnp.split(emb, 2, axis=-1)
    h_chem_geom = jax.nn.sigmoid(nf) * jax.nn.softplus(nc)
    h_chem_geom = jax.ops.segment_sum(h_chem_geom, neigh_verts, num_segments=N_SURF)
    h_geom_mix = _mlp(jnp.concatenate([h_chem_geom, h_geom], axis=-1), params, 'cg')
    # graph <- geom messages
    neigh_graphs2 = jnp.repeat(jnp.arange(N_GRAPH), K)
    neigh_verts2 = idx_g.reshape(-1)
    all_geom_feats = h_geom[neigh_verts2]
    all_normals2 = vnormals[neigh_verts2]
    edge_vecs2 = surface_verts[neigh_verts2] - graph_node_pos[neigh_graphs2]
    edge_dists2 = jnp.linalg.norm(edge_vecs2, axis=-1)
    normed2 = edge_vecs2 / edge_dists2[:, None]
    nbr_angular2 = jnp.sum(normed2 * all_normals2, axis=-1)
    enc_d2 = _rbf(edge_dists2, 0.0, 8.0, NUM_GDF)
    enc_a2 = _rbf(nbr_angular2, -1.0, 1.0, NUM_GDF)
    msg2 = jnp.concatenate([all_geom_feats, enc_d2, enc_a2], axis=-1)
    emb2 = _mlp(msg2, params, 'graphgeom')
    nf, nc = jnp.split(emb2, 2, axis=-1)
    h_geom_chem = jax.nn.sigmoid(nf) * jax.nn.softplus(nc)
    h_geom_chem = jax.ops.segment_sum(h_geom_chem, neigh_graphs2, num_segments=N_GRAPH)
    h_chem_mix = _mlp(jnp.concatenate([h_geom_chem, h_chem], axis=-1), params, 'gc')
    return (h_geom_mix, h_chem_mix)

if __name__ == "__main__":
    import jax
    _d = setup_inputs()
    print(jax.jit(kernel)(*tuple(_d.values())))

</pallas_src>

<mosaic_0001>
#map = affine_map<(d0, d1) -> (0, 0)>
#map1 = affine_map<(d0, d1) -> (0)>
module attributes {stable_mosaic.version = 14 : i64} {
  func.func @k(%arg0: i32, %arg1: i32, %arg2: memref<8192x128xf32, #tpu.memory_space<hbm>>, %arg3: memref<32768xi32, #tpu.memory_space<hbm>>, %arg4: memref<32768x128xf32, #tpu.memory_space<hbm>>, %arg5: memref<512xi32, #tpu.memory_space<vmem>>, %arg6: memref<512x128xf32, #tpu.memory_space<vmem>>, %arg7: memref<!tpu.dma_semaphore, #tpu.memory_space<semaphore_mem>>) attributes {dimension_semantics = [#tpu.dimension_semantics<core_parallel>, #tpu.dimension_semantics<subcore_parallel>], iteration_bounds = array<i64: 2, 16>, scalar_prefetch = 0 : i64, scratch_operands = 3 : i64, tpu.core_type = #tpu.core_type<sc_vector_subcore>, window_params = [{transform_indices = #map}, {transform_indices = #map1}, {transform_indices = #map}]} {
    %mul3A = arith.constant 2 : i32
    %mul3A_0 = arith.muli %arg1, %mul3A : i32
    %add3A = arith.addi %mul3A_0, %arg0 : i32
    %mul3A_1 = arith.constant 1024 : i32
    %mul3A_2 = arith.muli %add3A, %mul3A_1 : i32
    %scan3A = arith.constant 0 : i32
    %scan3A_3 = arith.constant 0 : i32
    %scan3A_4 = arith.constant 2 : i32
    %scan3A_5 = arith.addi %scan3A_3, %scan3A_4 : i32
    %scan3A_6 = arith.constant 1 : i32
    scf.for %scan3A_8 = %scan3A_3 to %scan3A_5 step %scan3A_6  : i32 {
      %mul3A_9 = arith.constant 512 : i32
      %mul3A_10 = arith.muli %scan3A_8, %mul3A_9 : i32
      %add3A_11 = arith.addi %mul3A_2, %mul3A_10 : i32
      "tpu.region"() ({
        %run_scoped3A = tpu.sem_alloc : memref<!tpu.dma_semaphore, #tpu.memory_space<semaphore_mem>>
        %dma_start3A_16 = tpu.memref_slice %arg3[%add3A_11] : memref<32768xi32, #tpu.memory_space<hbm>> -> memref<512xi32, #tpu.memory_space<hbm>>
        %dma_start3A_17 = tpu.memref_slice %arg3[%add3A_11] : memref<32768xi32, #tpu.memory_space<hbm>> -> memref<512xi32, #tpu.memory_space<hbm>>
        tpu.enqueue_dma source(%dma_start3A_17 : memref<512xi32, #tpu.memory_space<hbm>>) target(%arg5 : memref<512xi32, #tpu.memory_space<vmem>>) target_semaphore(%run_scoped3A : memref<!tpu.dma_semaphore, #tpu.memory_space<semaphore_mem>>)
        %dma_wait3A_18 = tpu.memref_slice %arg3[%add3A_11] : memref<32768xi32, #tpu.memory_space<hbm>> -> memref<512xi32, #tpu.memory_space<hbm>>
        %dma_wait3A_19 = tpu.memref_slice %arg3[%add3A_11] : memref<32768xi32, #tpu.memory_space<hbm>> -> memref<512xi32, #tpu.memory_space<hbm>>
        tpu.wait_dma2 semaphore(%run_scoped3A : memref<!tpu.dma_semaphore, #tpu.memory_space<semaphore_mem>>) src(%dma_wait3A_19 : memref<512xi32, #tpu.memory_space<hbm>>) dst(%arg5 : memref<512xi32, #tpu.memory_space<vmem>>)
        tpu.yield
      }) : () -> ()
      %dma_start3A = arith.constant 0 : i32
      %dma_start3A_12 = arith.constant 0 : i32
      %dma_start3A_13 = tpu.memref_slice %arg2[%dma_start3A, %dma_start3A_12] : memref<8192x128xf32, #tpu.memory_space<hbm>> -> memref<8192x128xf32, #tpu.memory_space<hbm>>
      tpu.enqueue_indirect_dma source(%dma_start3A_13 : memref<8192x128xf32, #tpu.memory_space<hbm>>) target(%arg6 : memref<512x128xf32, #tpu.memory_space<vmem>>) offsets(%arg5 : memref<512xi32, #tpu.memory_space<vmem>>) semaphore(%arg7 : memref<!tpu.dma_semaphore, #tpu.memory_space<semaphore_mem>>)
      %dma_wait3A = arith.constant 0 : i32
      %dma_wait3A_14 = arith.constant 0 : i32
      %dma_wait3A_15 = tpu.memref_slice %arg2[%dma_wait3A, %dma_wait3A_14] : memref<8192x128xf32, #tpu.memory_space<hbm>> -> memref<8192x128xf32, #tpu.memory_space<hbm>>
      tpu.wait_indirect_dma semaphore(%arg7 : memref<!tpu.dma_semaphore, #tpu.memory_space<semaphore_mem>>) src(%dma_wait3A_15 : memref<8192x128xf32, #tpu.memory_space<hbm>>) dst(%arg6 : memref<512x128xf32, #tpu.memory_space<vmem>>)
      "tpu.region"() ({
        %run_scoped3A = tpu.sem_alloc : memref<!tpu.dma_semaphore, #tpu.memory_space<semaphore_mem>>
        %dma_start3A_16 = arith.constant 0 : i32
        %dma_start3A_17 = tpu.memref_slice %arg4[%add3A_11, %dma_start3A_16] : memref<32768x128xf32, #tpu.memory_space<hbm>> -> memref<512x128xf32, #tpu.memory_space<hbm>>
        %dma_start3A_18 = arith.constant 0 : i32
        %dma_start3A_19 = tpu.memref_slice %arg4[%add3A_11, %dma_start3A_18] : memref<32768x128xf32, #tpu.memory_space<hbm>> -> memref<512x128xf32, #tpu.memory_space<hbm>>
        tpu.enqueue_dma source(%arg6 : memref<512x128xf32, #tpu.memory_space<vmem>>) target(%dma_start3A_19 : memref<512x128xf32, #tpu.memory_space<hbm>>) target_semaphore(%run_scoped3A : memref<!tpu.dma_semaphore, #tpu.memory_space<semaphore_mem>>)
        %dma_wait3A_20 = arith.constant 0 : i32
        %dma_wait3A_21 = tpu.memref_slice %arg4[%add3A_11, %dma_wait3A_20] : memref<32768x128xf32, #tpu.memory_space<hbm>> -> memref<512x128xf32, #tpu.memory_space<hbm>>
        %dma_wait3A_22 = arith.constant 0 : i32
        %dma_wait3A_23 = tpu.memref_slice %arg4[%add3A_11, %dma_wait3A_22] : memref<32768x128xf32, #tpu.memory_space<hbm>> -> memref<512x128xf32, #tpu.memory_space<hbm>>
        tpu.wait_dma2 semaphore(%run_scoped3A : memref<!tpu.dma_semaphore, #tpu.memory_space<semaphore_mem>>) src(%arg6 : memref<512x128xf32, #tpu.memory_space<vmem>>) dst(%dma_wait3A_23 : memref<512x128xf32, #tpu.memory_space<hbm>>)
        tpu.yield
      }) : () -> ()
    }
    %scan3A_7 = arith.constant 2 : i32
    return
  }
}

#map = affine_map<(d0, d1) -> (0, 0)>
#map1 = affine_map<(d0, d1) -> (0)>
module attributes {stable_mosaic.version = 14 : i64} {
  func.func @k(%arg0: i32, %arg1: i32, %arg2: memref<2048x128xf32, #tpu.memory_space<hbm>>, %arg3: memref<131072xi32, #tpu.memory_space<hbm>>, %arg4: memref<131072x128xf32, #tpu.memory_space<hbm>>, %arg5: memref<512xi32, #tpu.memory_space<vmem>>, %arg6: memref<512x128xf32, #tpu.memory_space<vmem>>, %arg7: memref<!tpu.dma_semaphore, #tpu.memory_space<semaphore_mem>>) attributes {dimension_semantics = [#tpu.dimension_semantics<core_parallel>, #tpu.dimension_semantics<subcore_parallel>], iteration_bounds = array<i64: 2, 16>, scalar_prefetch = 0 : i64, scratch_operands = 3 : i64, tpu.core_type = #tpu.core_type<sc_vector_subcore>, window_params = [{transform_indices = #map}, {transform_indices = #map1}, {transform_indices = #map}]} {
    %mul3A = arith.constant 2 : i32
    %mul3A_0 = arith.muli %arg1, %mul3A : i32
    %add3A = arith.addi %mul3A_0, %arg0 : i32
    %mul3A_1 = arith.constant 4096 : i32
    %mul3A_2 = arith.muli %add3A, %mul3A_1 : i32
    %scan3A = arith.constant 0 : i32
    %scan3A_3 = arith.constant 0 : i32
    %scan3A_4 = arith.constant 8 : i32
    %scan3A_5 = arith.addi %scan3A_3, %scan3A_4 : i32
    %scan3A_6 = arith.constant 1 : i32
    scf.for %scan3A_8 = %scan3A_3 to %scan3A_5 step %scan3A_6  : i32 {
      %mul3A_9 = arith.constant 512 : i32
      %mul3A_10 = arith.muli %scan3A_8, %mul3A_9 : i32
      %add3A_11 = arith.addi %mul3A_2, %mul3A_10 : i32
      "tpu.region"() ({
        %run_scoped3A = tpu.sem_alloc : memref<!tpu.dma_semaphore, #tpu.memory_space<semaphore_mem>>
        %dma_start3A_16 = tpu.memref_slice %arg3[%add3A_11] : memref<131072xi32, #tpu.memory_space<hbm>> -> memref<512xi32, #tpu.memory_space<hbm>>
        %dma_start3A_17 = tpu.memref_slice %arg3[%add3A_11] : memref<131072xi32, #tpu.memory_space<hbm>> -> memref<512xi32, #tpu.memory_space<hbm>>
        tpu.enqueue_dma source(%dma_start3A_17 : memref<512xi32, #tpu.memory_space<hbm>>) target(%arg5 : memref<512xi32, #tpu.memory_space<vmem>>) target_semaphore(%run_scoped3A : memref<!tpu.dma_semaphore, #tpu.memory_space<semaphore_mem>>)
        %dma_wait3A_18 = tpu.memref_slice %arg3[%add3A_11] : memref<131072xi32, #tpu.memory_space<hbm>> -> memref<512xi32, #tpu.memory_space<hbm>>
        %dma_wait3A_19 = tpu.memref_slice %arg3[%add3A_11] : memref<131072xi32, #tpu.memory_space<hbm>> -> memref<512xi32, #tpu.memory_space<hbm>>
        tpu.wait_dma2 semaphore(%run_scoped3A : memref<!tpu.dma_semaphore, #tpu.memory_space<semaphore_mem>>) src(%dma_wait3A_19 : memref<512xi32, #tpu.memory_space<hbm>>) dst(%arg5 : memref<512xi32, #tpu.memory_space<vmem>>)
        tpu.yield
      }) : () -> ()
      %dma_start3A = arith.constant 0 : i32
      %dma_start3A_12 = arith.constant 0 : i32
      %dma_start3A_13 = tpu.memref_slice %arg2[%dma_start3A, %dma_start3A_12] : memref<2048x128xf32, #tpu.memory_space<hbm>> -> memref<2048x128xf32, #tpu.memory_space<hbm>>
      tpu.enqueue_indirect_dma source(%dma_start3A_13 : memref<2048x128xf32, #tpu.memory_space<hbm>>) target(%arg6 : memref<512x128xf32, #tpu.memory_space<vmem>>) offsets(%arg5 : memref<512xi32, #tpu.memory_space<vmem>>) semaphore(%arg7 : memref<!tpu.dma_semaphore, #tpu.memory_space<semaphore_mem>>)
      %dma_wait3A = arith.constant 0 : i32
      %dma_wait3A_14 = arith.constant 0 : i32
      %dma_wait3A_15 = tpu.memref_slice %arg2[%dma_wait3A, %dma_wait3A_14] : memref<2048x128xf32, #tpu.memory_space<hbm>> -> memref<2048x128xf32, #tpu.memory_space<hbm>>
      tpu.wait_indirect_dma semaphore(%arg7 : memref<!tpu.dma_semaphore, #tpu.memory_space<semaphore_mem>>) src(%dma_wait3A_15 : memref<2048x128xf32, #tpu.memory_space<hbm>>) dst(%arg6 : memref<512x128xf32, #tpu.memory_space<vmem>>)
      "tpu.region"() ({
        %run_scoped3A = tpu.sem_alloc : memref<!tpu.dma_semaphore, #tpu.memory_space<semaphore_mem>>
        %dma_start3A_16 = arith.constant 0 : i32
        %dma_start3A_17 = tpu.memref_slice %arg4[%add3A_11, %dma_start3A_16] : memref<131072x128xf32, #tpu.memory_space<hbm>> -> memref<512x128xf32, #tpu.memory_space<hbm>>
        %dma_start3A_18 = arith.constant 0 : i32
        %dma_start3A_19 = tpu.memref_slice %arg4[%add3A_11, %dma_start3A_18] : memref<131072x128xf32, #tpu.memory_space<hbm>> -> memref<512x128xf32, #tpu.memory_space<hbm>>
        tpu.enqueue_dma source(%arg6 : memref<512x128xf32, #tpu.memory_space<vmem>>) target(%dma_start3A_19 : memref<512x128xf32, #tpu.memory_space<hbm>>) target_semaphore(%run_scoped3A : memref<!tpu.dma_semaphore, #tpu.memory_space<semaphore_mem>>)
        %dma_wait3A_20 = arith.constant 0 : i32
        %dma_wait3A_21 = tpu.memref_slice %arg4[%add3A_11, %dma_wait3A_20] : memref<131072x128xf32, #tpu.memory_space<hbm>> -> memref<512x128xf32, #tpu.memory_space<hbm>>
        %dma_wait3A_22 = arith.constant 0 : i32
        %dma_wait3A_23 = tpu.memref_slice %arg4[%add3A_11, %dma_wait3A_22] : memref<131072x128xf32, #tpu.memory_space<hbm>> -> memref<512x128xf32, #tpu.memory_space<hbm>>
        tpu.wait_dma2 semaphore(%run_scoped3A : memref<!tpu.dma_semaphore, #tpu.memory_space<semaphore_mem>>) src(%arg6 : memref<512x128xf32, #tpu.memory_space<vmem>>) dst(%dma_wait3A_23 : memref<512x128xf32, #tpu.memory_space<hbm>>)
        tpu.yield
      }) : () -> ()
    }
    %scan3A_7 = arith.constant 8 : i32
    return
  }
}

#map = affine_map<(d0, d1) -> (0, 0)>
#map1 = affine_map<(d0, d1) -> (0)>
module attributes {stable_mosaic.version = 14 : i64} {
  func.func @k(%arg0: i32, %arg1: i32, %arg2: memref<2048x128xf32, #tpu.memory_space<hbm>>, %arg3: memref<131072xi32, #tpu.memory_space<hbm>>, %arg4: memref<131072x128xf32, #tpu.memory_space<hbm>>, %arg5: memref<512xi32, #tpu.memory_space<vmem>>, %arg6: memref<512x128xf32, #tpu.memory_space<vmem>>, %arg7: memref<!tpu.dma_semaphore, #tpu.memory_space<semaphore_mem>>) attributes {dimension_semantics = [#tpu.dimension_semantics<core_parallel>, #tpu.dimension_semantics<subcore_parallel>], iteration_bounds = array<i64: 2, 16>, scalar_prefetch = 0 : i64, scratch_operands = 3 : i64, tpu.core_type = #tpu.core_type<sc_vector_subcore>, window_params = [{transform_indices = #map}, {transform_indices = #map1}, {transform_indices = #map}]} {
    %mul3A = arith.constant 2 : i32
    %mul3A_0 = arith.muli %arg1, %mul3A : i32
    %add3A = arith.addi %mul3A_0, %arg0 : i32
    %mul3A_1 = arith.constant 4096 : i32
    %mul3A_2 = arith.muli %add3A, %mul3A_1 : i32
    %scan3A = arith.constant 0 : i32
    %scan3A_3 = arith.constant 0 : i32
    %scan3A_4 = arith.constant 8 : i32
    %scan3A_5 = arith.addi %scan3A_3, %scan3A_4 : i32
    %scan3A_6 = arith.constant 1 : i32
    scf.for %scan3A_8 = %scan3A_3 to %scan3A_5 step %scan3A_6  : i32 {
      %mul3A_9 = arith.constant 512 : i32
      %mul3A_10 = arith.muli %scan3A_8, %mul3A_9 : i32
      %add3A_11 = arith.addi %mul3A_2, %mul3A_10 : i32
      "tpu.region"() ({
        %run_scoped3A = tpu.sem_alloc : memref<!tpu.dma_semaphore, #tpu.memory_space<semaphore_mem>>
        %dma_start3A_16 = tpu.memref_slice %arg3[%add3A_11] : memref<131072xi32, #tpu.memory_space<hbm>> -> memref<512xi32, #tpu.memory_space<hbm>>
        %dma_start3A_17 = tpu.memref_slice %arg3[%add3A_11] : memref<131072xi32, #tpu.memory_space<hbm>> -> memref<512xi32, #tpu.memory_space<hbm>>
        tpu.enqueue_dma source(%dma_start3A_17 : memref<512xi32, #tpu.memory_space<hbm>>) target(%arg5 : memref<512xi32, #tpu.memory_space<vmem>>) target_semaphore(%run_scoped3A : memref<!tpu.dma_semaphore, #tpu.memory_space<semaphore_mem>>)
        %dma_wait3A_18 = tpu.memref_slice %arg3[%add3A_11] : memref<131072xi32, #tpu.memory_space<hbm>> -> memref<512xi32, #tpu.memory_space<hbm>>
        %dma_wait3A_19 = tpu.memref_slice %arg3[%add3A_11] : memref<131072xi32, #tpu.memory_space<hbm>> -> memref<512xi32, #tpu.memory_space<hbm>>
        tpu.wait_dma2 semaphore(%run_scoped3A : memref<!tpu.dma_semaphore, #tpu.memory_space<semaphore_mem>>) src(%dma_wait3A_19 : memref<512xi32, #tpu.memory_space<hbm>>) dst(%arg5 : memref<512xi32, #tpu.memory_space<vmem>>)
        tpu.yield
      }) : () -> ()
      %dma_start3A = arith.constant 0 : i32
      %dma_start3A_12 = arith.constant 0 : i32
      %dma_start3A_13 = tpu.memref_slice %arg2[%dma_start3A, %dma_start3A_12] : memref<2048x128xf32, #tpu.memory_space<hbm>> -> memref<2048x128xf32, #tpu.memory_space<hbm>>
      tpu.enqueue_indirect_dma source(%dma_start3A_13 : memref<2048x128xf32, #tpu.memory_space<hbm>>) target(%arg6 : memref<512x128xf32, #tpu.memory_space<vmem>>) offsets(%arg5 : memref<512xi32, #tpu.memory_space<vmem>>) semaphore(%arg7 : memref<!tpu.dma_semaphore, #tpu.memory_space<semaphore_mem>>)
      %dma_wait3A = arith.constant 0 : i32
      %dma_wait3A_14 = arith.constant 0 : i32
      %dma_wait3A_15 = tpu.memref_slice %arg2[%dma_wait3A, %dma_wait3A_14] : memref<2048x128xf32, #tpu.memory_space<hbm>> -> memref<2048x128xf32, #tpu.memory_space<hbm>>
      tpu.wait_indirect_dma semaphore(%arg7 : memref<!tpu.dma_semaphore, #tpu.memory_space<semaphore_mem>>) src(%dma_wait3A_15 : memref<2048x128xf32, #tpu.memory_space<hbm>>) dst(%arg6 : memref<512x128xf32, #tpu.memory_space<vmem>>)
      "tpu.region"() ({
        %run_scoped3A = tpu.sem_alloc : memref<!tpu.dma_semaphore, #tpu.memory_space<semaphore_mem>>
        %dma_start3A_16 = arith.constant 0 : i32
        %dma_start3A_17 = tpu.memref_slice %arg4[%add3A_11, %dma_start3A_16] : memref<131072x128xf32, #tpu.memory_space<hbm>> -> memref<512x128xf32, #tpu.memory_space<hbm>>
        %dma_start3A_18 = arith.constant 0 : i32
        %dma_start3A_19 = tpu.memref_slice %arg4[%add3A_11, %dma_start3A_18] : memref<131072x128xf32, #tpu.memory_space<hbm>> -> memref<512x128xf32, #tpu.memory_space<hbm>>
        tpu.enqueue_dma source(%arg6 : memref<512x128xf32, #tpu.memory_space<vmem>>) target(%dma_start3A_19 : memref<512x128xf32, #tpu.memory_space<hbm>>) target_semaphore(%run_scoped3A : memref<!tpu.dma_semaphore, #tpu.memory_space<semaphore_mem>>)
        %dma_wait3A_20 = arith.constant 0 : i32
        %dma_wait3A_21 = tpu.memref_slice %arg4[%add3A_11, %dma_wait3A_20] : memref<131072x128xf32, #tpu.memory_space<hbm>> -> memref<512x128xf32, #tpu.memory_space<hbm>>
        %dma_wait3A_22 = arith.constant 0 : i32
        %dma_wait3A_23 = tpu.memref_slice %arg4[%add3A_11, %dma_wait3A_22] : memref<131072x128xf32, #tpu.memory_space<hbm>> -> memref<512x128xf32, #tpu.memory_space<hbm>>
        tpu.wait_dma2 semaphore(%run_scoped3A : memref<!tpu.dma_semaphore, #tpu.memory_space<semaphore_mem>>) src(%arg6 : memref<512x128xf32, #tpu.memory_space<vmem>>) dst(%dma_wait3A_23 : memref<512x128xf32, #tpu.memory_space<hbm>>)
        tpu.yield
      }) : () -> ()
    }
    %scan3A_7 = arith.constant 8 : i32
    return
  }
}

#map = affine_map<(d0, d1) -> (0, 0)>
#map1 = affine_map<(d0, d1) -> (0)>
module attributes {stable_mosaic.version = 14 : i64} {
  func.func @k(%arg0: i32, %arg1: i32, %arg2: memref<8192x128xf32, #tpu.memory_space<hbm>>, %arg3: memref<32768xi32, #tpu.memory_space<hbm>>, %arg4: memref<32768x128xf32, #tpu.memory_space<hbm>>, %arg5: memref<512xi32, #tpu.memory_space<vmem>>, %arg6: memref<512x128xf32, #tpu.memory_space<vmem>>, %arg7: memref<!tpu.dma_semaphore, #tpu.memory_space<semaphore_mem>>) attributes {dimension_semantics = [#tpu.dimension_semantics<core_parallel>, #tpu.dimension_semantics<subcore_parallel>], iteration_bounds = array<i64: 2, 16>, scalar_prefetch = 0 : i64, scratch_operands = 3 : i64, tpu.core_type = #tpu.core_type<sc_vector_subcore>, window_params = [{transform_indices = #map}, {transform_indices = #map1}, {transform_indices = #map}]} {
    %mul3A = arith.constant 2 : i32
    %mul3A_0 = arith.muli %arg1, %mul3A : i32
    %add3A = arith.addi %mul3A_0, %arg0 : i32
    %mul3A_1 = arith.constant 1024 : i32
    %mul3A_2 = arith.muli %add3A, %mul3A_1 : i32
    %scan3A = arith.constant 0 : i32
    %scan3A_3 = arith.constant 0 : i32
    %scan3A_4 = arith.constant 2 : i32
    %scan3A_5 = arith.addi %scan3A_3, %scan3A_4 : i32
    %scan3A_6 = arith.constant 1 : i32
    scf.for %scan3A_8 = %scan3A_3 to %scan3A_5 step %scan3A_6  : i32 {
      %mul3A_9 = arith.constant 512 : i32
      %mul3A_10 = arith.muli %scan3A_8, %mul3A_9 : i32
      %add3A_11 = arith.addi %mul3A_2, %mul3A_10 : i32
      "tpu.region"() ({
        %run_scoped3A = tpu.sem_alloc : memref<!tpu.dma_semaphore, #tpu.memory_space<semaphore_mem>>
        %dma_start3A_16 = tpu.memref_slice %arg3[%add3A_11] : memref<32768xi32, #tpu.memory_space<hbm>> -> memref<512xi32, #tpu.memory_space<hbm>>
        %dma_start3A_17 = tpu.memref_slice %arg3[%add3A_11] : memref<32768xi32, #tpu.memory_space<hbm>> -> memref<512xi32, #tpu.memory_space<hbm>>
        tpu.enqueue_dma source(%dma_start3A_17 : memref<512xi32, #tpu.memory_space<hbm>>) target(%arg5 : memref<512xi32, #tpu.memory_space<vmem>>) target_semaphore(%run_scoped3A : memref<!tpu.dma_semaphore, #tpu.memory_space<semaphore_mem>>)
        %dma_wait3A_18 = tpu.memref_slice %arg3[%add3A_11] : memref<32768xi32, #tpu.memory_space<hbm>> -> memref<512xi32, #tpu.memory_space<hbm>>
        %dma_wait3A_19 = tpu.memref_slice %arg3[%add3A_11] : memref<32768xi32, #tpu.memory_space<hbm>> -> memref<512xi32, #tpu.memory_space<hbm>>
        tpu.wait_dma2 semaphore(%run_scoped3A : memref<!tpu.dma_semaphore, #tpu.memory_space<semaphore_mem>>) src(%dma_wait3A_19 : memref<512xi32, #tpu.memory_space<hbm>>) dst(%arg5 : memref<512xi32, #tpu.memory_space<vmem>>)
        tpu.yield
      }) : () -> ()
      %dma_start3A = arith.constant 0 : i32
      %dma_start3A_12 = arith.constant 0 : i32
      %dma_start3A_13 = tpu.memref_slice %arg2[%dma_start3A, %dma_start3A_12] : memref<8192x128xf32, #tpu.memory_space<hbm>> -> memref<8192x128xf32, #tpu.memory_space<hbm>>
      tpu.enqueue_indirect_dma source(%dma_start3A_13 : memref<8192x128xf32, #tpu.memory_space<hbm>>) target(%arg6 : memref<512x128xf32, #tpu.memory_space<vmem>>) offsets(%arg5 : memref<512xi32, #tpu.memory_space<vmem>>) semaphore(%arg7 : memref<!tpu.dma_semaphore, #tpu.memory_space<semaphore_mem>>)
      %dma_wait3A = arith.constant 0 : i32
      %dma_wait3A_14 = arith.constant 0 : i32
      %dma_wait3A_15 = tpu.memref_slice %arg2[%dma_wait3A, %dma_wait3A_14] : memref<8192x128xf32, #tpu.memory_space<hbm>> -> memref<8192x128xf32, #tpu.memory_space<hbm>>
      tpu.wait_indirect_dma semaphore(%arg7 : memref<!tpu.dma_semaphore, #tpu.memory_space<semaphore_mem>>) src(%dma_wait3A_15 : memref<8192x128xf32, #tpu.memory_space<hbm>>) dst(%arg6 : memref<512x128xf32, #tpu.memory_space<vmem>>)
      "tpu.region"() ({
        %run_scoped3A = tpu.sem_alloc : memref<!tpu.dma_semaphore, #tpu.memory_space<semaphore_mem>>
        %dma_start3A_16 = arith.constant 0 : i32
        %dma_start3A_17 = tpu.memref_slice %arg4[%add3A_11, %dma_start3A_16] : memref<32768x128xf32, #tpu.memory_space<hbm>> -> memref<512x128xf32, #tpu.memory_space<hbm>>
        %dma_start3A_18 = arith.constant 0 : i32
        %dma_start3A_19 = tpu.memref_slice %arg4[%add3A_11, %dma_start3A_18] : memref<32768x128xf32, #tpu.memory_space<hbm>> -> memref<512x128xf32, #tpu.memory_space<hbm>>
        tpu.enqueue_dma source(%arg6 : memref<512x128xf32, #tpu.memory_space<vmem>>) target(%dma_start3A_19 : memref<512x128xf32, #tpu.memory_space<hbm>>) target_semaphore(%run_scoped3A : memref<!tpu.dma_semaphore, #tpu.memory_space<semaphore_mem>>)
        %dma_wait3A_20 = arith.constant 0 : i32
        %dma_wait3A_21 = tpu.memref_slice %arg4[%add3A_11, %dma_wait3A_20] : memref<32768x128xf32, #tpu.memory_space<hbm>> -> memref<512x128xf32, #tpu.memory_space<hbm>>
        %dma_wait3A_22 = arith.constant 0 : i32
        %dma_wait3A_23 = tpu.memref_slice %arg4[%add3A_11, %dma_wait3A_22] : memref<32768x128xf32, #tpu.memory_space<hbm>> -> memref<512x128xf32, #tpu.memory_space<hbm>>
        tpu.wait_dma2 semaphore(%run_scoped3A : memref<!tpu.dma_semaphore, #tpu.memory_space<semaphore_mem>>) src(%arg6 : memref<512x128xf32, #tpu.memory_space<vmem>>) dst(%dma_wait3A_23 : memref<512x128xf32, #tpu.memory_space<hbm>>)
        tpu.yield
      }) : () -> ()
    }
    %scan3A_7 = arith.constant 2 : i32
    return
  }
}

module attributes {stable_mosaic.version = 14 : i64} {
  func.func @_topk_body(%arg0: i32, %arg1: memref<256x3xf32, #tpu.memory_space<vmem>>, %arg2: memref<3x2048xf32, #tpu.memory_space<vmem>>, %arg3: memref<256x16xi32, #tpu.memory_space<vmem>>) attributes {dimension_semantics = [#tpu.dimension_semantics<arbitrary>], iteration_bounds = array<i64: 32>, scalar_prefetch = 0 : i64, scratch_operands = 0 : i64, tpu.core_type = #tpu.core_type<tc>, window_params = [{transform_indices = @transform_0, window_bounds = array<i64: 256, 3>}, {pipeline_mode = #tpu.pipeline_mode<synchronous>, transform_indices = @transform_1, window_bounds = array<i64: 3, 2048>}, {transform_indices = @transform_2, window_bounds = array<i64: 256, 16>}]} {
    %get3A = arith.constant 0 : index
    %get3A_0 = arith.constant 0 : index
    %get3A_1 = vector.load %arg1[%get3A, %get3A_0] : memref<256x3xf32, #tpu.memory_space<vmem>>, vector<256x3xf32>
    %get3A_2 = arith.constant 0 : index
    %get3A_3 = arith.constant 0 : index
    %get3A_4 = vector.load %arg2[%get3A_2, %get3A_3] : memref<3x2048xf32, #tpu.memory_space<vmem>>, vector<3x2048xf32>
    %dot_general3A = arith.constant dense<0.000000e+00> : vector<256x2048xf32>
    %dot_general3A_5 = tpu.matmul %get3A_1, %get3A_4, %dot_general3A {dimension_numbers = #tpu.dot_dimension_numbers<[1], [0], [0], [1], [0, 0, 1, 1], [], []>, transpose_lhs_hint = false} : vector<256x3xf32>, vector<3x2048xf32>, vector<256x2048xf32> -> vector<256x2048xf32>
    %mul3A = arith.mulf %get3A_1, %get3A_1 : vector<256x3xf32>
    %reduce_sum3A = arith.constant dense<0.000000e+00> : vector<256xf32>
    %reduce_sum3A_6 = vector.multi_reduction <add>, %mul3A, %reduce_sum3A [1] : vector<256x3xf32> to vector<256xf32>
    %broadcast_in_dim3A = vector.shape_cast %reduce_sum3A_6 : vector<256xf32> to vector<256x1xf32>
    %mul3A_7 = arith.mulf %get3A_4, %get3A_4 : vector<3x2048xf32>
    %reduce_sum3A_8 = arith.constant dense<0.000000e+00> : vector<2048xf32>
    %reduce_sum3A_9 = vector.multi_reduction <add>, %mul3A_7, %reduce_sum3A_8 [0] : vector<3x2048xf32> to vector<2048xf32>
    %broadcast_in_dim3A_10 = vector.shape_cast %reduce_sum3A_9 : vector<2048xf32> to vector<1x2048xf32>
    %add3A = vector.broadcast %broadcast_in_dim3A : vector<256x1xf32> to vector<256x2048xf32>
    %add3A_11 = vector.broadcast %broadcast_in_dim3A_10 : vector<1x2048xf32> to vector<256x2048xf32>
    %add3A_12 = arith.addf %add3A, %add3A_11 : vector<256x2048xf32>
    %mul3A_13 = arith.constant 2.000000e+00 : f32
    %mul3A_14 = vector.broadcast %mul3A_13 : f32 to vector<256x2048xf32>
    %mul3A_15 = arith.mulf %mul3A_14, %dot_general3A_5 : vector<256x2048xf32>
    %sub3A = arith.subf %add3A_12, %mul3A_15 : vector<256x2048xf32>
    %max3A = arith.constant 9.99999996E-13 : f32
    %max3A_16 = vector.broadcast %max3A : f32 to vector<256x2048xf32>
    %max3A_17 = arith.maximumf %sub3A, %max3A_16 : vector<256x2048xf32>
    %sqrt3A = math.sqrt %max3A_17 : vector<256x2048xf32>
    %iota3A = tpu.iota {dimensions = array<i32: 1>} : vector<256x2048xi32>
    %reduce_min3A = arith.constant dense<0x7F800000> : vector<256xf32>
    %reduce_min3A_18 = vector.multi_reduction <minimumf>, %sqrt3A, %reduce_min3A [1] : vector<256x2048xf32> to vector<256xf32>
    %broadcast_in_dim3A_19 = vector.shape_cast %reduce_min3A_18 : vector<256xf32> to vector<256x1xf32>
    %eq3A = vector.broadcast %broadcast_in_dim3A_19 : vector<256x1xf32> to vector<256x2048xf32>
    %eq3A_20 = arith.cmpf oeq, %sqrt3A, %eq3A : vector<256x2048xf32>
    %jit3A = arith.constant 2048 : i32
    %broadcast_in_dim3A_21 = vector.broadcast %jit3A : i32 to vector<256x2048xi32>
    %select_n3A = arith.select %eq3A_20, %iota3A, %broadcast_in_dim3A_21 : vector<256x2048xi1>, vector<256x2048xi32>
    %reduce_min3A_22 = arith.constant dense<2147483647> : vector<256xi32>
    %reduce_min3A_23 = vector.multi_reduction <minsi>, %select_n3A, %reduce_min3A_22 [1] : vector<256x2048xi32> to vector<256xi32>
    %broadcast_in_dim3A_24 = vector.shape_cast %reduce_min3A_23 : vector<256xi32> to vector<256x1xi32>
    %swap3A = arith.constant 0 : index
    %swap3A_25 = arith.constant 0 : index
    %swap3A_26 = vector.load %arg3[%swap3A, %swap3A_25] : memref<256x16xi32, #tpu.memory_space<vmem>>, vector<256x1xi32>
    tpu.vector_store %arg3[%swap3A, %swap3A_25], %broadcast_in_dim3A_24 {strides = array<i32>} : memref<256x16xi32, #tpu.memory_space<vmem>>, vector<256x1xi32>,
    %eq3A_27 = vector.broadcast %broadcast_in_dim3A_24 : vector<256x1xi32> to vector<256x2048xi32>
    %eq3A_28 = arith.cmpi eq, %iota3A, %eq3A_27 : vector<256x2048xi32>
    %jit3A_29 = arith.constant 0x7F800000 : f32
    %broadcast_in_dim3A_30 = vector.broadcast %jit3A_29 : f32 to vector<256x2048xf32>
    %select_n3A_31 = arith.select %eq3A_28, %broadcast_in_dim3A_30, %sqrt3A : vector<256x2048xi1>, vector<256x2048xf32>
    %reduce_min3A_32 = arith.constant dense<0x7F800000> : vector<256xf32>
    %reduce_min3A_33 = vector.multi_reduction <minimumf>, %select_n3A_31, %reduce_min3A_32 [1] : vector<256x2048xf32> to vector<256xf32>
    %broadcast_in_dim3A_34 = vector.shape_cast %reduce_min3A_33 : vector<256xf32> to vector<256x1xf32>
    %eq3A_35 = vector.broadcast %broadcast_in_dim3A_34 : vector<256x1xf32> to vector<256x2048xf32>
    %eq3A_36 = arith.cmpf oeq, %select_n3A_31, %eq3A_35 : vector<256x2048xf32>
    %jit3A_37 = arith.constant 2048 : i32
    %broadcast_in_dim3A_38 = vector.broadcast %jit3A_37 : i32 to vector<256x2048xi32>
    %select_n3A_39 = arith.select %eq3A_36, %iota3A, %broadcast_in_dim3A_38 : vector<256x2048xi1>, vector<256x2048xi32>
    %reduce_min3A_40 = arith.constant dense<2147483647> : vector<256xi32>
    %reduce_min3A_41 = vector.multi_reduction <minsi>, %select_n3A_39, %reduce_min3A_40 [1] : vector<256x2048xi32> to vector<256xi32>
    %broadcast_in_dim3A_42 = vector.shape_cast %reduce_min3A_41 : vector<256xi32> to vector<256x1xi32>
    %swap3A_43 = arith.constant 0 : index
    %swap3A_44 = arith.constant 1 : index
    %swap3A_45 = vector.load %arg3[%swap3A_43, %swap3A_44] : memref<256x16xi32, #tpu.memory_space<vmem>>, vector<256x1xi32>
    tpu.vector_store %arg3[%swap3A_43, %swap3A_44], %broadcast_in_dim3A_42 {strides = array<i32>} : memref<256x16xi32, #tpu.memory_space<vmem>>, vector<256x1xi32>,
    %eq3A_46 = vector.broadcast %broadcast_in_dim3A_42 : vector<256x1xi32> to vector<256x2048xi32>
    %eq3A_47 = arith.cmpi eq, %iota3A, %eq3A_46 : vector<256x2048xi32>
    %jit3A_48 = arith.constant 0x7F800000 : f32
    %broadcast_in_dim3A_49 = vector.broadcast %jit3A_48 : f32 to vector<256x2048xf32>
    %select_n3A_50 = arith.select %eq3A_47, %broadcast_in_dim3A_49, %select_n3A_31 : vector<256x2048xi1>, vector<256x2048xf32>
    %reduce_min3A_51 = arith.constant dense<0x7F800000> : vector<256xf32>
    %reduce_min3A_52 = vector.multi_reduction <minimumf>, %select_n3A_50, %reduce_min3A_51 [1] : vector<256x2048xf32> to vector<256xf32>
    %broadcast_in_dim3A_53 = vector.shape_cast %reduce_min3A_52 : vector<256xf32> to vector<256x1xf32>
    %eq3A_54 = vector.broadcast %broadcast_in_dim3A_53 : vector<256x1xf32> to vector<256x2048xf32>
    %eq3A_55 = arith.cmpf oeq, %select_n3A_50, %eq3A_54 : vector<256x2048xf32>
    %jit3A_56 = arith.constant 2048 : i32
    %broadcast_in_dim3A_57 = vector.broadcast %jit3A_56 : i32 to vector<256x2048xi32>
    %select_n3A_58 = arith.select %eq3A_55, %iota3A, %broadcast_in_dim3A_57 : vector<256x2048xi1>, vector<256x2048xi32>
    %reduce_min3A_59 = arith.constant dense<2147483647> : vector<256xi32>
    %reduce_min3A_60 = vector.multi_reduction <minsi>, %select_n3A_58, %reduce_min3A_59 [1] : vector<256x2048xi32> to vector<256xi32>
    %broadcast_in_dim3A_61 = vector.shape_cast %reduce_min3A_60 : vector<256xi32> to vector<256x1xi32>
    %swap3A_62 = arith.constant 0 : index
    %swap3A_63 = arith.constant 2 : index
    %swap3A_64 = vector.load %arg3[%swap3A_62, %swap3A_63] : memref<256x16xi32, #tpu.memory_space<vmem>>, vector<256x1xi32>
    tpu.vector_store %arg3[%swap3A_62, %swap3A_63], %broadcast_in_dim3A_61 {strides = array<i32>} : memref<256x16xi32, #tpu.memory_space<vmem>>, vector<256x1xi32>,
    %eq3A_65 = vector.broadcast %broadcast_in_dim3A_61 : vector<256x1xi32> to vector<256x2048xi32>
    %eq3A_66 = arith.cmpi eq, %iota3A, %eq3A_65 : vector<256x2048xi32>
    %jit3A_67 = arith.constant 0x7F800000 : f32
    %broadcast_in_dim3A_68 = vector.broadcast %jit3A_67 : f32 to vector<256x2048xf32>
    %select_n3A_69 = arith.select %eq3A_66, %broadcast_in_dim3A_68, %select_n3A_50 : vector<256x2048xi1>, vector<256x2048xf32>
    %reduce_min3A_70 = arith.constant dense<0x7F800000> : vector<256xf32>
    %reduce_min3A_71 = vector.multi_reduction <minimumf>, %select_n3A_69, %reduce_min3A_70 [1] : vector<256x2048xf32> to vector<256xf32>
    %broadcast_in_dim3A_72 = vector.shape_cast %reduce_min3A_71 : vector<256xf32> to vector<256x1xf32>
    %eq3A_73 = vector.broadcast %broadcast_in_dim3A_72 : vector<256x1xf32> to vector<256x2048xf32>
    %eq3A_74 = arith.cmpf oeq, %select_n3A_69, %eq3A_73 : vector<256x2048xf32>
    %jit3A_75 = arith.constant 2048 : i32
    %broadcast_in_dim3A_76 = vector.broadcast %jit3A_75 : i32 to vector<256x2048xi32>
    %select_n3A_77 = arith.select %eq3A_74, %iota3A, %broadcast_in_dim3A_76 : vector<256x2048xi1>, vector<256x2048xi32>
    %reduce_min3A_78 = arith.constant dense<2147483647> : vector<256xi32>
    %reduce_min3A_79 = vector.multi_reduction <minsi>, %select_n3A_77, %reduce_min3A_78 [1] : vector<256x2048xi32> to vector<256xi32>
    %broadcast_in_dim3A_80 = vector.shape_cast %reduce_min3A_79 : vector<256xi32> to vector<256x1xi32>
    %swap3A_81 = arith.constant 0 : index
    %swap3A_82 = arith.constant 3 : index
    %swap3A_83 = vector.load %arg3[%swap3A_81, %swap3A_82] : memref<256x16xi32, #tpu.memory_space<vmem>>, vector<256x1xi32>
    tpu.vector_store %arg3[%swap3A_81, %swap3A_82], %broadcast_in_dim3A_80 {strides = array<i32>} : memref<256x16xi32, #tpu.memory_space<vmem>>, vector<256x1xi32>,
    %eq3A_84 = vector.broadcast %broadcast_in_dim3A_80 : vector<256x1xi32> to vector<256x2048xi32>
    %eq3A_85 = arith.cmpi eq, %iota3A, %eq3A_84 : vector<256x2048xi32>
    %jit3A_86 = arith.constant 0x7F800000 : f32
    %broadcast_in_dim3A_87 = vector.broadcast %jit3A_86 : f32 to vector<256x2048xf32>
    %select_n3A_88 = arith.select %eq3A_85, %broadcast_in_dim3A_87, %select_n3A_69 : vector<256x2048xi1>, vector<256x2048xf32>
    %reduce_min3A_89 = arith.constant dense<0x7F800000> : vector<256xf32>
    %reduce_min3A_90 = vector.multi_reduction <minimumf>, %select_n3A_88, %reduce_min3A_89 [1] : vector<256x2048xf32> to vector<256xf32>
    %broadcast_in_dim3A_91 = vector.shape_cast %reduce_min3A_90 : vector<256xf32> to vector<256x1xf32>
    %eq3A_92 = vector.broadcast %broadcast_in_dim3A_91 : vector<256x1xf32> to vector<256x2048xf32>
    %eq3A_93 = arith.cmpf oeq, %select_n3A_88, %eq3A_92 : vector<256x2048xf32>
    %jit3A_94 = arith.constant 2048 : i32
    %broadcast_in_dim3A_95 = vector.broadcast %jit3A_94 : i32 to vector<256x2048xi32>
    %select_n3A_96 = arith.select %eq3A_93, %iota3A, %broadcast_in_dim3A_95 : vector<256x2048xi1>, vector<256x2048xi32>
    %reduce_min3A_97 = arith.constant dense<2147483647> : vector<256xi32>
    %reduce_min3A_98 = vector.multi_reduction <minsi>, %select_n3A_96, %reduce_min3A_97 [1] : vector<256x2048xi32> to vector<256xi32>
    %broadcast_in_dim3A_99 = vector.shape_cast %reduce_min3A_98 : vector<256xi32> to vector<256x1xi32>
    %swap3A_100 = arith.constant 0 : index
    %swap3A_101 = arith.constant 4 : index
    %swap3A_102 = vector.load %arg3[%swap3A_100, %swap3A_101] : memref<256x16xi32, #tpu.memory_space<vmem>>, vector<256x1xi32>
    tpu.vector_store %arg3[%swap3A_100, %swap3A_101], %broadcast_in_dim3A_99 {strides = array<i32>} : memref<256x16xi32, #tpu.memory_space<vmem>>, vector<256x1xi32>,
    %eq3A_103 = vector.broadcast %broadcast_in_dim3A_99 : vector<256x1xi32> to vector<256x2048xi32>
    %eq3A_104 = arith.cmpi eq, %iota3A, %eq3A_103 : vector<256x2048xi32>
    %jit3A_105 = arith.constant 0x7F800000 : f32
    %broadcast_in_dim3A_106 = vector.broadcast %jit3A_105 : f32 to vector<256x2048xf32>
    %select_n3A_107 = arith.select %eq3A_104, %broadcast_in_dim3A_106, %select_n3A_88 : vector<256x2048xi1>, vector<256x2048xf32>
    %reduce_min3A_108 = arith.constant dense<0x7F800000> : vector<256xf32>
    %reduce_min3A_109 = vector.multi_reduction <minimumf>, %select_n3A_107, %reduce_min3A_108 [1] : vector<256x2048xf32> to vector<256xf32>
    %broadcast_in_dim3A_110 = vector.shape_cast %reduce_min3A_109 : vector<256xf32> to vector<256x1xf32>
    %eq3A_111 = vector.broadcast %broadcast_in_dim3A_110 : vector<256x1xf32> to vector<256x2048xf32>
    %eq3A_112 = arith.cmpf oeq, %select_n3A_107, %eq3A_111 : vector<256x2048xf32>
    %jit3A_113 = arith.constant 2048 : i32
    %broadcast_in_dim3A_114 = vector.broadcast %jit3A_113 : i32 to vector<256x2048xi32>
    %select_n3A_115 = arith.select %eq3A_112, %iota3A, %broadcast_in_dim3A_114 : vector<256x2048xi1>, vector<256x2048xi32>
    %reduce_min3A_116 = arith.constant dense<2147483647> : vector<256xi32>
    %reduce_min3A_117 = vector.multi_reduction <minsi>, %select_n3A_115, %reduce_min3A_116 [1] : vector<256x2048xi32> to vector<256xi32>
    %broadcast_in_dim3A_118 = vector.shape_cast %reduce_min3A_117 : vector<256xi32> to vector<256x1xi32>
    %swap3A_119 = arith.constant 0 : index
    %swap3A_120 = arith.constant 5 : index
    %swap3A_121 = vector.load %arg3[%swap3A_119, %swap3A_120] : memref<256x16xi32, #tpu.memory_space<vmem>>, vector<256x1xi32>
    tpu.vector_store %arg3[%swap3A_119, %swap3A_120], %broadcast_in_dim3A_118 {strides = array<i32>} : memref<256x16xi32, #tpu.memory_space<vmem>>, vector<256x1xi32>,
    %eq3A_122 = vector.broadcast %broadcast_in_dim3A_118 : vector<256x1xi32> to vector<256x2048xi32>
    %eq3A_123 = arith.cmpi eq, %iota3A, %eq3A_122 : vector<256x2048xi32>
    %jit3A_124 = arith.constant 0x7F800000 : f32
    %broadcast_in_dim3A_125 = vector.broadcast %jit3A_124 : f32 to vector<256x2048xf32>
    %select_n3A_126 = arith.select %eq3A_123, %broadcast_in_dim3A_125, %select_n3A_107 : vector<256x2048xi1>, vector<256x2048xf32>
    %reduce_min3A_127 = arith.constant dense<0x7F800000> : vector<256xf32>
    %reduce_min3A_128 = vector.multi_reduction <minimumf>, %select_n3A_126, %reduce_min3A_127 [1] : vector<256x2048xf32> to vector<256xf32>
    %broadcast_in_dim3A_129 = vector.shape_cast %reduce_min3A_128 : vector<256xf32> to vector<256x1xf32>
    %eq3A_130 = vector.broadcast %broadcast_in_dim3A_129 : vector<256x1xf32> to vector<256x2048xf32>
    %eq3A_131 = arith.cmpf oeq, %select_n3A_126, %eq3A_130 : vector<256x2048xf32>
    %jit3A_132 = arith.constant 2048 : i32
    %broadcast_in_dim3A_133 = vector.broadcast %jit3A_132 : i32 to vector<256x2048xi32>
    %select_n3A_134 = arith.select %eq3A_131, %iota3A, %broadcast_in_dim3A_133 : vector<256x2048xi1>, vector<256x2048xi32>
    %reduce_min3A_135 = arith.constant dense<2147483647> : vector<256xi32>
    %reduce_min3A_136 = vector.multi_reduction <minsi>, %select_n3A_134, %reduce_min3A_135 [1] : vector<256x2048xi32> to vector<256xi32>
    %broadcast_in_dim3A_137 = vector.shape_cast %reduce_min3A_136 : vector<256xi32> to vector<256x1xi32>
    %swap3A_138 = arith.constant 0 : index
    %swap3A_139 = arith.constant 6 : index
    %swap3A_140 = vector.load %arg3[%swap3A_138, %swap3A_139] : memref<256x16xi32, #tpu.memory_space<vmem>>, vector<256x1xi32>
    tpu.vector_store %arg3[%swap3A_138, %swap3A_139], %broadcast_in_dim3A_137 {strides = array<i32>} : memref<256x16xi32, #tpu.memory_space<vmem>>, vector<256x1xi32>,
    %eq3A_141 = vector.broadcast %broadcast_in_dim3A_137 : vector<256x1xi32> to vector<256x2048xi32>
    %eq3A_142 = arith.cmpi eq, %iota3A, %eq3A_141 : vector<256x2048xi32>
    %jit3A_143 = arith.constant 0x7F800000 : f32
    %broadcast_in_dim3A_144 = vector.broadcast %jit3A_143 : f32 to vector<256x2048xf32>
    %select_n3A_145 = arith.select %eq3A_142, %broadcast_in_dim3A_144, %select_n3A_126 : vector<256x2048xi1>, vector<256x2048xf32>
    %reduce_min3A_146 = arith.constant dense<0x7F800000> : vector<256xf32>
    %reduce_min3A_147 = vector.multi_reduction <minimumf>, %select_n3A_145, %reduce_min3A_146 [1] : vector<256x2048xf32> to vector<256xf32>
    %broadcast_in_dim3A_148 = vector.shape_cast %reduce_min3A_147 : vector<256xf32> to vector<256x1xf32>
    %eq3A_149 = vector.broadcast %broadcast_in_dim3A_148 : vector<256x1xf32> to vector<256x2048xf32>
    %eq3A_150 = arith.cmpf oeq, %select_n3A_145, %eq3A_149 : vector<256x2048xf32>
    %jit3A_151 = arith.constant 2048 : i32
    %broadcast_in_dim3A_152 = vector.broadcast %jit3A_151 : i32 to vector<256x2048xi32>
    %select_n3A_153 = arith.select %eq3A_150, %iota3A, %broadcast_in_dim3A_152 : vector<256x2048xi1>, vector<256x2048xi32>
    %reduce_min3A_154 = arith.constant dense<2147483647> : vector<256xi32>
    %reduce_min3A_155 = vector.multi_reduction <minsi>, %select_n3A_153, %reduce_min3A_154 [1] : vector<256x2048xi32> to vector<256xi32>
    %broadcast_in_dim3A_156 = vector.shape_cast %reduce_min3A_155 : vector<256xi32> to vector<256x1xi32>
    %swap3A_157 = arith.constant 0 : index
    %swap3A_158 = arith.constant 7 : index
    %swap3A_159 = vector.load %arg3[%swap3A_157, %swap3A_158] : memref<256x16xi32, #tpu.memory_space<vmem>>, vector<256x1xi32>
    tpu.vector_store %arg3[%swap3A_157, %swap3A_158], %broadcast_in_dim3A_156 {strides = array<i32>} : memref<256x16xi32, #tpu.memory_space<vmem>>, vector<256x1xi32>,
    %eq3A_160 = vector.broadcast %broadcast_in_dim3A_156 : vector<256x1xi32> to vector<256x2048xi32>
    %eq3A_161 = arith.cmpi eq, %iota3A, %eq3A_160 : vector<256x2048xi32>
    %jit3A_162 = arith.constant 0x7F800000 : f32
    %broadcast_in_dim3A_163 = vector.broadcast %jit3A_162 : f32 to vector<256x2048xf32>
    %select_n3A_164 = arith.select %eq3A_161, %broadcast_in_dim3A_163, %select_n3A_145 : vector<256x2048xi1>, vector<256x2048xf32>
    %reduce_min3A_165 = arith.constant dense<0x7F800000> : vector<256xf32>
    %reduce_min3A_166 = vector.multi_reduction <minimumf>, %select_n3A_164, %reduce_min3A_165 [1] : vector<256x2048xf32> to vector<256xf32>
    %broadcast_in_dim3A_167 = vector.shape_cast %reduce_min3A_166 : vector<256xf32> to vector<256x1xf32>
    %eq3A_168 = vector.broadcast %broadcast_in_dim3A_167 : vector<256x1xf32> to vector<256x2048xf32>
    %eq3A_169 = arith.cmpf oeq, %select_n3A_164, %eq3A_168 : vector<256x2048xf32>
    %jit3A_170 = arith.constant 2048 : i32
    %broadcast_in_dim3A_171 = vector.broadcast %jit3A_170 : i32 to vector<256x2048xi32>
    %select_n3A_172 = arith.select %eq3A_169, %iota3A, %broadcast_in_dim3A_171 : vector<256x2048xi1>, vector<256x2048xi32>
    %reduce_min3A_173 = arith.constant dense<2147483647> : vector<256xi32>
    %reduce_min3A_174 = vector.multi_reduction <minsi>, %select_n3A_172, %reduce_min3A_173 [1] : vector<256x2048xi32> to vector<256xi32>
    %broadcast_in_dim3A_175 = vector.shape_cast %reduce_min3A_174 : vector<256xi32> to vector<256x1xi32>
    %swap3A_176 = arith.constant 0 : index
    %swap3A_177 = arith.constant 8 : index
    %swap3A_178 = vector.load %arg3[%swap3A_176, %swap3A_177] : memref<256x16xi32, #tpu.memory_space<vmem>>, vector<256x1xi32>
    tpu.vector_store %arg3[%swap3A_176, %swap3A_177], %broadcast_in_dim3A_175 {strides = array<i32>} : memref<256x16xi32, #tpu.memory_space<vmem>>, vector<256x1xi32>,
    %eq3A_179 = vector.broadcast %broadcast_in_dim3A_175 : vector<256x1xi32> to vector<256x2048xi32>
    %eq3A_180 = arith.cmpi eq, %iota3A, %eq3A_179 : vector<256x2048xi32>
    %jit3A_181 = arith.constant 0x7F800000 : f32
    %broadcast_in_dim3A_182 = vector.broadcast %jit3A_181 : f32 to vector<256x2048xf32>
    %select_n3A_183 = arith.select %eq3A_180, %broadcast_in_dim3A_182, %select_n3A_164 : vector<256x2048xi1>, vector<256x2048xf32>
    %reduce_min3A_184 = arith.constant dense<0x7F800000> : vector<256xf32>
    %reduce_min3A_185 = vector.multi_reduction <minimumf>, %select_n3A_183, %reduce_min3A_184 [1] : vector<256x2048xf32> to vector<256xf32>
    %broadcast_in_dim3A_186 = vector.shape_cast %reduce_min3A_185 : vector<256xf32> to vector<256x1xf32>
    %eq3A_187 = vector.broadcast %broadcast_in_dim3A_186 : vector<256x1xf32> to vector<256x2048xf32>
    %eq3A_188 = arith.cmpf oeq, %select_n3A_183, %eq3A_187 : vector<256x2048xf32>
    %jit3A_189 = arith.constant 2048 : i32
    %broadcast_in_dim3A_190 = vector.broadcast %jit3A_189 : i32 to vector<256x2048xi32>
    %select_n3A_191 = arith.select %eq3A_188, %iota3A, %broadcast_in_dim3A_190 : vector<256x2048xi1>, vector<256x2048xi32>
    %reduce_min3A_192 = arith.constant dense<2147483647> : vector<256xi32>
    %reduce_min3A_193 = vector.multi_reduction <minsi>, %select_n3A_191, %reduce_min3A_192 [1] : vector<256x2048xi32> to vector<256xi32>
    %broadcast_in_dim3A_194 = vector.shape_cast %reduce_min3A_193 : vector<256xi32> to vector<256x1xi32>
    %swap3A_195 = arith.constant 0 : index
    %swap3A_196 = arith.constant 9 : index
    %swap3A_197 = vector.load %arg3[%swap3A_195, %swap3A_196] : memref<256x16xi32, #tpu.memory_space<vmem>>, vector<256x1xi32>
    tpu.vector_store %arg3[%swap3A_195, %swap3A_196], %broadcast_in_dim3A_194 {strides = array<i32>} : memref<256x16xi32, #tpu.memory_space<vmem>>, vector<256x1xi32>,
    %eq3A_198 = vector.broadcast %broadcast_in_dim3A_194 : vector<256x1xi32> to vector<256x2048xi32>
    %eq3A_199 = arith.cmpi eq, %iota3A, %eq3A_198 : vector<256x2048xi32>
    %jit3A_200 = arith.constant 0x7F800000 : f32
    %broadcast_in_dim3A_201 = vector.broadcast %jit3A_200 : f32 to vector<256x2048xf32>
    %select_n3A_202 = arith.select %eq3A_199, %broadcast_in_dim3A_201, %select_n3A_183 : vector<256x2048xi1>, vector<256x2048xf32>
    %reduce_min3A_203 = arith.constant dense<0x7F800000> : vector<256xf32>
    %reduce_min3A_204 = vector.multi_reduction <minimumf>, %select_n3A_202, %reduce_min3A_203 [1] : vector<256x2048xf32> to vector<256xf32>
    %broadcast_in_dim3A_205 = vector.shape_cast %reduce_min3A_204 : vector<256xf32> to vector<256x1xf32>
    %eq3A_206 = vector.broadcast %broadcast_in_dim3A_205 : vector<256x1xf32> to vector<256x2048xf32>
    %eq3A_207 = arith.cmpf oeq, %select_n3A_202, %eq3A_206 : vector<256x2048xf32>
    %jit3A_208 = arith.constant 2048 : i32
    %broadcast_in_dim3A_209 = vector.broadcast %jit3A_208 : i32 to vector<256x2048xi32>
    %select_n3A_210 = arith.select %eq3A_207, %iota3A, %broadcast_in_dim3A_209 : vector<256x2048xi1>, vector<256x2048xi32>
    %reduce_min3A_211 = arith.constant dense<2147483647> : vector<256xi32>
    %reduce_min3A_212 = vector.multi_reduction <minsi>, %select_n3A_210, %reduce_min3A_211 [1] : vector<256x2048xi32> to vector<256xi32>
    %broadcast_in_dim3A_213 = vector.shape_cast %reduce_min3A_212 : vector<256xi32> to vector<256x1xi32>
    %swap3A_214 = arith.constant 0 : index
    %swap3A_215 = arith.constant 10 : index
    %swap3A_216 = vector.load %arg3[%swap3A_214, %swap3A_215] : memref<256x16xi32, #tpu.memory_space<vmem>>, vector<256x1xi32>
    tpu.vector_store %arg3[%swap3A_214, %swap3A_215], %broadcast_in_dim3A_213 {strides = array<i32>} : memref<256x16xi32, #tpu.memory_space<vmem>>, vector<256x1xi32>,
    %eq3A_217 = vector.broadcast %broadcast_in_dim3A_213 : vector<256x1xi32> to vector<256x2048xi32>
    %eq3A_218 = arith.cmpi eq, %iota3A, %eq3A_217 : vector<256x2048xi32>
    %jit3A_219 = arith.constant 0x7F800000 : f32
    %broadcast_in_dim3A_220 = vector.broadcast %jit3A_219 : f32 to vector<256x2048xf32>
    %select_n3A_221 = arith.select %eq3A_218, %broadcast_in_dim3A_220, %select_n3A_202 : vector<256x2048xi1>, vector<256x2048xf32>
    %reduce_min3A_222 = arith.constant dense<0x7F800000> : vector<256xf32>
    %reduce_min3A_223 = vector.multi_reduction <minimumf>, %select_n3A_221, %reduce_min3A_222 [1] : vector<256x2048xf32> to vector<256xf32>
    %broadcast_in_dim3A_224 = vector.shape_cast %reduce_min3A_223 : vector<256xf32> to vector<256x1xf32>
    %eq3A_225 = vector.broadcast %broadcast_in_dim3A_224 : vector<256x1xf32> to vector<256x2048xf32>
    %eq3A_226 = arith.cmpf oeq, %select_n3A_221, %eq3A_225 : vector<256x2048xf32>
    %jit3A_227 = arith.constant 2048 : i32
    %broadcast_in_dim3A_228 = vector.broadcast %jit3A_227 : i32 to vector<256x2048xi32>
    %select_n3A_229 = arith.select %eq3A_226, %iota3A, %broadcast_in_dim3A_228 : vector<256x2048xi1>, vector<256x2048xi32>
    %reduce_min3A_230 = arith.constant dense<2147483647> : vector<256xi32>
    %reduce_min3A_231 = vector.multi_reduction <minsi>, %select_n3A_229, %reduce_min3A_230 [1] : vector<256x2048xi32> to vector<256xi32>
    %broadcast_in_dim3A_232 = vector.shape_cast %reduce_min3A_231 : vector<256xi32> to vector<256x1xi32>
    %swap3A_233 = arith.constant 0 : index
    %swap3A_234 = arith.constant 11 : index
    %swap3A_235 = vector.load %arg3[%swap3A_233, %swap3A_234] : memref<256x16xi32, #tpu.memory_space<vmem>>, vector<256x1xi32>
    tpu.vector_store %arg3[%swap3A_233, %swap3A_234], %broadcast_in_dim3A_232 {strides = array<i32>} : memref<256x16xi32, #tpu.memory_space<vmem>>, vector<256x1xi32>,
    %eq3A_236 = vector.broadcast %broadcast_in_dim3A_232 : vector<256x1xi32> to vector<256x2048xi32>
    %eq3A_237 = arith.cmpi eq, %iota3A, %eq3A_236 : vector<256x2048xi32>
    %jit3A_238 = arith.constant 0x7F800000 : f32
    %broadcast_in_dim3A_239 = vector.broadcast %jit3A_238 : f32 to vector<256x2048xf32>
    %select_n3A_240 = arith.select %eq3A_237, %broadcast_in_dim3A_239, %select_n3A_221 : vector<256x2048xi1>, vector<256x2048xf32>
    %reduce_min3A_241 = arith.constant dense<0x7F800000> : vector<256xf32>
    %reduce_min3A_242 = vector.multi_reduction <minimumf>, %select_n3A_240, %reduce_min3A_241 [1] : vector<256x2048xf32> to vector<256xf32>
    %broadcast_in_dim3A_243 = vector.shape_cast %reduce_min3A_242 : vector<256xf32> to vector<256x1xf32>
    %eq3A_244 = vector.broadcast %broadcast_in_dim3A_243 : vector<256x1xf32> to vector<256x2048xf32>
    %eq3A_245 = arith.cmpf oeq, %select_n3A_240, %eq3A_244 : vector<256x2048xf32>
    %jit3A_246 = arith.constant 2048 : i32
    %broadcast_in_dim3A_247 = vector.broadcast %jit3A_246 : i32 to vector<256x2048xi32>
    %select_n3A_248 = arith.select %eq3A_245, %iota3A, %broadcast_in_dim3A_247 : vector<256x2048xi1>, vector<256x2048xi32>
    %reduce_min3A_249 = arith.constant dense<2147483647> : vector<256xi32>
    %reduce_min3A_250 = vector.multi_reduction <minsi>, %select_n3A_248, %reduce_min3A_249 [1] : vector<256x2048xi32> to vector<256xi32>
    %broadcast_in_dim3A_251 = vector.shape_cast %reduce_min3A_250 : vector<256xi32> to vector<256x1xi32>
    %swap3A_252 = arith.constant 0 : index
    %swap3A_253 = arith.constant 12 : index
    %swap3A_254 = vector.load %arg3[%swap3A_252, %swap3A_253] : memref<256x16xi32, #tpu.memory_space<vmem>>, vector<256x1xi32>
    tpu.vector_store %arg3[%swap3A_252, %swap3A_253], %broadcast_in_dim3A_251 {strides = array<i32>} : memref<256x16xi32, #tpu.memory_space<vmem>>, vector<256x1xi32>,
    %eq3A_255 = vector.broadcast %broadcast_in_dim3A_251 : vector<256x1xi32> to vector<256x2048xi32>
    %eq3A_256 = arith.cmpi eq, %iota3A, %eq3A_255 : vector<256x2048xi32>
    %jit3A_257 = arith.constant 0x7F800000 : f32
    %broadcast_in_dim3A_258 = vector.broadcast %jit3A_257 : f32 to vector<256x2048xf32>
    %select_n3A_259 = arith.select %eq3A_256, %broadcast_in_dim3A_258, %select_n3A_240 : vector<256x2048xi1>, vector<256x2048xf32>
    %reduce_min3A_260 = arith.constant dense<0x7F800000> : vector<256xf32>
    %reduce_min3A_261 = vector.multi_reduction <minimumf>, %select_n3A_259, %reduce_min3A_260 [1] : vector<256x2048xf32> to vector<256xf32>
    %broadcast_in_dim3A_262 = vector.shape_cast %reduce_min3A_261 : vector<256xf32> to vector<256x1xf32>
    %eq3A_263 = vector.broadcast %broadcast_in_dim3A_262 : vector<256x1xf32> to vector<256x2048xf32>
    %eq3A_264 = arith.cmpf oeq, %select_n3A_259, %eq3A_263 : vector<256x2048xf32>
    %jit3A_265 = arith.constant 2048 : i32
    %broadcast_in_dim3A_266 = vector.broadcast %jit3A_265 : i32 to vector<256x2048xi32>
    %select_n3A_267 = arith.select %eq3A_264, %iota3A, %broadcast_in_dim3A_266 : vector<256x2048xi1>, vector<256x2048xi32>
    %reduce_min3A_268 = arith.constant dense<2147483647> : vector<256xi32>
    %reduce_min3A_269 = vector.multi_reduction <minsi>, %select_n3A_267, %reduce_min3A_268 [1] : vector<256x2048xi32> to vector<256xi32>
    %broadcast_in_dim3A_270 = vector.shape_cast %reduce_min3A_269 : vector<256xi32> to vector<256x1xi32>
    %swap3A_271 = arith.constant 0 : index
    %swap3A_272 = arith.constant 13 : index
    %swap3A_273 = vector.load %arg3[%swap3A_271, %swap3A_272] : memref<256x16xi32, #tpu.memory_space<vmem>>, vector<256x1xi32>
    tpu.vector_store %arg3[%swap3A_271, %swap3A_272], %broadcast_in_dim3A_270 {strides = array<i32>} : memref<256x16xi32, #tpu.memory_space<vmem>>, vector<256x1xi32>,
    %eq3A_274 = vector.broadcast %broadcast_in_dim3A_270 : vector<256x1xi32> to vector<256x2048xi32>
    %eq3A_275 = arith.cmpi eq, %iota3A, %eq3A_274 : vector<256x2048xi32>
    %jit3A_276 = arith.constant 0x7F800000 : f32
    %broadcast_in_dim3A_277 = vector.broadcast %jit3A_276 : f32 to vector<256x2048xf32>
    %select_n3A_278 = arith.select %eq3A_275, %broadcast_in_dim3A_277, %select_n3A_259 : vector<256x2048xi1>, vector<256x2048xf32>
    %reduce_min3A_279 = arith.constant dense<0x7F800000> : vector<256xf32>
    %reduce_min3A_280 = vector.multi_reduction <minimumf>, %select_n3A_278, %reduce_min3A_279 [1] : vector<256x2048xf32> to vector<256xf32>
    %broadcast_in_dim3A_281 = vector.shape_cast %reduce_min3A_280 : vector<256xf32> to vector<256x1xf32>
    %eq3A_282 = vector.broadcast %broadcast_in_dim3A_281 : vector<256x1xf32> to vector<256x2048xf32>
    %eq3A_283 = arith.cmpf oeq, %select_n3A_278, %eq3A_282 : vector<256x2048xf32>
    %jit3A_284 = arith.constant 2048 : i32
    %broadcast_in_dim3A_285 = vector.broadcast %jit3A_284 : i32 to vector<256x2048xi32>
    %select_n3A_286 = arith.select %eq3A_283, %iota3A, %broadcast_in_dim3A_285 : vector<256x2048xi1>, vector<256x2048xi32>
    %reduce_min3A_287 = arith.constant dense<2147483647> : vector<256xi32>
    %reduce_min3A_288 = vector.multi_reduction <minsi>, %select_n3A_286, %reduce_min3A_287 [1] : vector<256x2048xi32> to vector<256xi32>
    %broadcast_in_dim3A_289 = vector.shape_cast %reduce_min3A_288 : vector<256xi32> to vector<256x1xi32>
    %swap3A_290 = arith.constant 0 : index
    %swap3A_291 = arith.constant 14 : index
    %swap3A_292 = vector.load %arg3[%swap3A_290, %swap3A_291] : memref<256x16xi32, #tpu.memory_space<vmem>>, vector<256x1xi32>
    tpu.vector_store %arg3[%swap3A_290, %swap3A_291], %broadcast_in_dim3A_289 {strides = array<i32>} : memref<256x16xi32, #tpu.memory_space<vmem>>, vector<256x1xi32>,
    %eq3A_293 = vector.broadcast %broadcast_in_dim3A_289 : vector<256x1xi32> to vector<256x2048xi32>
    %eq3A_294 = arith.cmpi eq, %iota3A, %eq3A_293 : vector<256x2048xi32>
    %jit3A_295 = arith.constant 0x7F800000 : f32
    %broadcast_in_dim3A_296 = vector.broadcast %jit3A_295 : f32 to vector<256x2048xf32>
    %select_n3A_297 = arith.select %eq3A_294, %broadcast_in_dim3A_296, %select_n3A_278 : vector<256x2048xi1>, vector<256x2048xf32>
    %reduce_min3A_298 = arith.constant dense<0x7F800000> : vector<256xf32>
    %reduce_min3A_299 = vector.multi_reduction <minimumf>, %select_n3A_297, %reduce_min3A_298 [1] : vector<256x2048xf32> to vector<256xf32>
    %broadcast_in_dim3A_300 = vector.shape_cast %reduce_min3A_299 : vector<256xf32> to vector<256x1xf32>
    %eq3A_301 = vector.broadcast %broadcast_in_dim3A_300 : vector<256x1xf32> to vector<256x2048xf32>
    %eq3A_302 = arith.cmpf oeq, %select_n3A_297, %eq3A_301 : vector<256x2048xf32>
    %jit3A_303 = arith.constant 2048 : i32
    %broadcast_in_dim3A_304 = vector.broadcast %jit3A_303 : i32 to vector<256x2048xi32>
    %select_n3A_305 = arith.select %eq3A_302, %iota3A, %broadcast_in_dim3A_304 : vector<256x2048xi1>, vector<256x2048xi32>
    %reduce_min3A_306 = arith.constant dense<2147483647> : vector<256xi32>
    %reduce_min3A_307 = vector.multi_reduction <minsi>, %select_n3A_305, %reduce_min3A_306 [1] : vector<256x2048xi32> to vector<256xi32>
    %broadcast_in_dim3A_308 = vector.shape_cast %reduce_min3A_307 : vector<256xi32> to vector<256x1xi32>
    %swap3A_309 = arith.constant 0 : index
    %swap3A_310 = arith.constant 15 : index
    %swap3A_311 = vector.load %arg3[%swap3A_309, %swap3A_310] : memref<256x16xi32, #tpu.memory_space<vmem>>, vector<256x1xi32>
    tpu.vector_store %arg3[%swap3A_309, %swap3A_310], %broadcast_in_dim3A_308 {strides = array<i32>} : memref<256x16xi32, #tpu.memory_space<vmem>>, vector<256x1xi32>,
    return
  }
  func.func @transform_0(%arg0: i32) -> (i32, i32) {
    %c0_i32 = arith.constant 0 : i32
    %c0_i32_0 = arith.constant 0 : i32
    return %arg0, %c0_i32 : i32, i32
  }
  func.func @transform_1(%arg0: i32) -> (i32, i32) {
    %c0_i32 = arith.constant 0 : i32
    %c0_i32_0 = arith.constant 0 : i32
    %c0_i32_1 = arith.constant 0 : i32
    return %c0_i32, %c0_i32_0 : i32, i32
  }
  func.func @transform_2(%arg0: i32) -> (i32, i32) {
    %c0_i32 = arith.constant 0 : i32
    %c0_i32_0 = arith.constant 0 : i32
    return %arg0, %c0_i32 : i32, i32
  }
}

module attributes {stable_mosaic.version = 14 : i64} {
  func.func @_node_body(%arg0: memref<2048x30xf32, #tpu.memory_space<vmem>>, %arg1: memref<30x128xf32, #tpu.memory_space<vmem>>, %arg2: memref<1x128xf32, #tpu.memory_space<vmem>>, %arg3: memref<1x128xf32, #tpu.memory_space<vmem>>, %arg4: memref<1x128xf32, #tpu.memory_space<vmem>>, %arg5: memref<128x256xf32, #tpu.memory_space<vmem>>, %arg6: memref<1x256xf32, #tpu.memory_space<vmem>>, %arg7: memref<1x256xf32, #tpu.memory_space<vmem>>, %arg8: memref<1x256xf32, #tpu.memory_space<vmem>>, %arg9: memref<2048x128xf32, #tpu.memory_space<vmem>>) attributes {dimension_semantics = [], scalar_prefetch = 0 : i64, scratch_operands = 0 : i64, tpu.core_type = #tpu.core_type<tc>} {
    %get3A = arith.constant 0 : index
    %get3A_0 = arith.constant 0 : index
    %get3A_1 = vector.load %arg0[%get3A, %get3A_0] : memref<2048x30xf32, #tpu.memory_space<vmem>>, vector<2048x30xf32>
    %get3A_2 = arith.constant 0 : index
    %get3A_3 = arith.constant 0 : index
    %get3A_4 = vector.load %arg1[%get3A_2, %get3A_3] : memref<30x128xf32, #tpu.memory_space<vmem>>, vector<30x128xf32>
    %dot_general3A = arith.constant dense<0.000000e+00> : vector<2048x128xf32>
    %dot_general3A_5 = tpu.matmul %get3A_1, %get3A_4, %dot_general3A {dimension_numbers = #tpu.dot_dimension_numbers<[1], [0], [0], [1], [0, 0, 1, 1], [], []>, transpose_lhs_hint = false} : vector<2048x30xf32>, vector<30x128xf32>, vector<2048x128xf32> -> vector<2048x128xf32>
    %get3A_6 = arith.constant 0 : index
    %get3A_7 = arith.constant 0 : index
    %get3A_8 = vector.load %arg2[%get3A_6, %get3A_7] : memref<1x128xf32, #tpu.memory_space<vmem>>, vector<1x128xf32>
    %add3A = vector.broadcast %get3A_8 : vector<1x128xf32> to vector<2048x128xf32>
    %add3A_9 = arith.addf %dot_general3A_5, %add3A : vector<2048x128xf32>
    %get3A_10 = arith.constant 0 : index
    %get3A_11 = arith.constant 0 : index
    %get3A_12 = vector.load %arg3[%get3A_10, %get3A_11] : memref<1x128xf32, #tpu.memory_space<vmem>>, vector<1x128xf32>
    %get3A_13 = arith.constant 0 : index
    %get3A_14 = arith.constant 0 : index
    %get3A_15 = vector.load %arg4[%get3A_13, %get3A_14] : memref<1x128xf32, #tpu.memory_space<vmem>>, vector<1x128xf32>
    %reduce_sum3A = arith.constant dense<0.000000e+00> : vector<128xf32>
    %reduce_sum3A_16 = vector.multi_reduction <add>, %add3A_9, %reduce_sum3A [0] : vector<2048x128xf32> to vector<128xf32>
    %broadcast_in_dim3A = vector.shape_cast %reduce_sum3A_16 : vector<128xf32> to vector<1x128xf32>
    %div3A = arith.constant 2.048000e+03 : f32
    %div3A_17 = vector.broadcast %div3A : f32 to vector<1x128xf32>
    %div3A_18 = arith.divf %broadcast_in_dim3A, %div3A_17 : vector<1x128xf32>
    %sub3A = vector.broadcast %div3A_18 : vector<1x128xf32> to vector<2048x128xf32>
    %sub3A_19 = arith.subf %add3A_9, %sub3A : vector<2048x128xf32>
    %integer_pow3A = arith.mulf %sub3A_19, %sub3A_19 : vector<2048x128xf32>
    %reduce_sum3A_20 = arith.constant dense<0.000000e+00> : vector<128xf32>
    %reduce_sum3A_21 = vector.multi_reduction <add>, %integer_pow3A, %reduce_sum3A_20 [0] : vector<2048x128xf32> to vector<128xf32>
    %broadcast_in_dim3A_22 = vector.shape_cast %reduce_sum3A_21 : vector<128xf32> to vector<1x128xf32>
    %div3A_23 = arith.constant 2.048000e+03 : f32
    %div3A_24 = vector.broadcast %div3A_23 : f32 to vector<1x128xf32>
    %div3A_25 = arith.divf %broadcast_in_dim3A_22, %div3A_24 : vector<1x128xf32>
    %sub3A_26 = vector.broadcast %div3A_18 : vector<1x128xf32> to vector<2048x128xf32>
    %sub3A_27 = arith.subf %add3A_9, %sub3A_26 : vector<2048x128xf32>
    %add3A_28 = arith.constant 9.99999974E-6 : f32
    %add3A_29 = vector.broadcast %add3A_28 : f32 to vector<1x128xf32>
    %add3A_30 = arith.addf %div3A_25, %add3A_29 : vector<1x128xf32>
    %sqrt3A = math.sqrt %add3A_30 : vector<1x128xf32>
    %div3A_31 = vector.broadcast %sqrt3A : vector<1x128xf32> to vector<2048x128xf32>
    %div3A_32 = arith.divf %sub3A_27, %div3A_31 : vector<2048x128xf32>
    %mul3A = vector.broadcast %get3A_12 : vector<1x128xf32> to vector<2048x128xf32>
    %mul3A_33 = arith.mulf %div3A_32, %mul3A : vector<2048x128xf32>
    %add3A_34 = vector.broadcast %get3A_15 : vector<1x128xf32> to vector<2048x128xf32>
    %add3A_35 = arith.addf %mul3A_33, %add3A_34 : vector<2048x128xf32>
    %neg3A = arith.constant 0.000000e+00 : f32
    %neg3A_36 = vector.broadcast %neg3A : f32 to vector<2048x128xf32>
    %neg3A_37 = arith.subf %neg3A_36, %add3A_35 : vector<2048x128xf32>
    %exp3A = math.exp %neg3A_37 : vector<2048x128xf32>
    %add3A_38 = arith.constant 1.000000e+00 : f32
    %add3A_39 = vector.broadcast %add3A_38 : f32 to vector<2048x128xf32>
    %add3A_40 = arith.addf %add3A_39, %exp3A : vector<2048x128xf32>
    %div3A_41 = arith.constant 1.000000e+00 : f32
    %div3A_42 = vector.broadcast %div3A_41 : f32 to vector<2048x128xf32>
    %div3A_43 = arith.divf %div3A_42, %add3A_40 : vector<2048x128xf32>
    %mul3A_44 = arith.mulf %add3A_35, %div3A_43 : vector<2048x128xf32>
    %get3A_45 = arith.constant 0 : index
    %get3A_46 = arith.constant 0 : index
    %get3A_47 = vector.load %arg5[%get3A_45, %get3A_46] : memref<128x256xf32, #tpu.memory_space<vmem>>, vector<128x256xf32>
    %dot_general3A_48 = arith.constant dense<0.000000e+00> : vector<2048x256xf32>
    %dot_general3A_49 = tpu.matmul %mul3A_44, %get3A_47, %dot_general3A_48 {dimension_numbers = #tpu.dot_dimension_numbers<[1], [0], [0], [1], [0, 0, 1, 1], [], []>, transpose_lhs_hint = false} : vector<2048x128xf32>, vector<128x256xf32>, vector<2048x256xf32> -> vector<2048x256xf32>
    %get3A_50 = arith.constant 0 : index
    %get3A_51 = arith.constant 0 : index
    %get3A_52 = vector.load %arg6[%get3A_50, %get3A_51] : memref<1x256xf32, #tpu.memory_space<vmem>>, vector<1x256xf32>
    %add3A_53 = vector.broadcast %get3A_52 : vector<1x256xf32> to vector<2048x256xf32>
    %add3A_54 = arith.addf %dot_general3A_49, %add3A_53 : vector<2048x256xf32>
    %get3A_55 = arith.constant 0 : index
    %get3A_56 = arith.constant 0 : index
    %get3A_57 = vector.load %arg7[%get3A_55, %get3A_56] : memref<1x256xf32, #tpu.memory_space<vmem>>, vector<1x256xf32>
    %get3A_58 = arith.constant 0 : index
    %get3A_59 = arith.constant 0 : index
    %get3A_60 = vector.load %arg8[%get3A_58, %get3A_59] : memref<1x256xf32, #tpu.memory_space<vmem>>, vector<1x256xf32>
    %reduce_sum3A_61 = arith.constant dense<0.000000e+00> : vector<256xf32>
    %reduce_sum3A_62 = vector.multi_reduction <add>, %add3A_54, %reduce_sum3A_61 [0] : vector<2048x256xf32> to vector<256xf32>
    %broadcast_in_dim3A_63 = vector.shape_cast %reduce_sum3A_62 : vector<256xf32> to vector<1x256xf32>
    %div3A_64 = arith.constant 2.048000e+03 : f32
    %div3A_65 = vector.broadcast %div3A_64 : f32 to vector<1x256xf32>
    %div3A_66 = arith.divf %broadcast_in_dim3A_63, %div3A_65 : vector<1x256xf32>
    %sub3A_67 = vector.broadcast %div3A_66 : vector<1x256xf32> to vector<2048x256xf32>
    %sub3A_68 = arith.subf %add3A_54, %sub3A_67 : vector<2048x256xf32>
    %integer_pow3A_69 = arith.mulf %sub3A_68, %sub3A_68 : vector<2048x256xf32>
    %reduce_sum3A_70 = arith.constant dense<0.000000e+00> : vector<256xf32>
    %reduce_sum3A_71 = vector.multi_reduction <add>, %integer_pow3A_69, %reduce_sum3A_70 [0] : vector<2048x256xf32> to vector<256xf32>
    %broadcast_in_dim3A_72 = vector.shape_cast %reduce_sum3A_71 : vector<256xf32> to vector<1x256xf32>
    %div3A_73 = arith.constant 2.048000e+03 : f32
    %div3A_74 = vector.broadcast %div3A_73 : f32 to vector<1x256xf32>
    %div3A_75 = arith.divf %broadcast_in_dim3A_72, %div3A_74 : vector<1x256xf32>
    %sub3A_76 = vector.broadcast %div3A_66 : vector<1x256xf32> to vector<2048x256xf32>
    %sub3A_77 = arith.subf %add3A_54, %sub3A_76 : vector<2048x256xf32>
    %add3A_78 = arith.constant 9.99999974E-6 : f32
    %add3A_79 = vector.broadcast %add3A_78 : f32 to vector<1x256xf32>
    %add3A_80 = arith.addf %div3A_75, %add3A_79 : vector<1x256xf32>
    %sqrt3A_81 = math.sqrt %add3A_80 : vector<1x256xf32>
    %div3A_82 = vector.broadcast %sqrt3A_81 : vector<1x256xf32> to vector<2048x256xf32>
    %div3A_83 = arith.divf %sub3A_77, %div3A_82 : vector<2048x256xf32>
    %mul3A_84 = vector.broadcast %get3A_57 : vector<1x256xf32> to vector<2048x256xf32>
    %mul3A_85 = arith.mulf %div3A_83, %mul3A_84 : vector<2048x256xf32>
    %add3A_86 = vector.broadcast %get3A_60 : vector<1x256xf32> to vector<2048x256xf32>
    %add3A_87 = arith.addf %mul3A_85, %add3A_86 : vector<2048x256xf32>
    %slice3A = vector.extract_strided_slice %add3A_87 {offsets = [0, 0], sizes = [2048, 128], strides = [1, 1]} : vector<2048x256xf32> to vector<2048x128xf32>
    %neg3A_88 = arith.constant 0.000000e+00 : f32
    %neg3A_89 = vector.broadcast %neg3A_88 : f32 to vector<2048x128xf32>
    %neg3A_90 = arith.subf %neg3A_89, %slice3A : vector<2048x128xf32>
    %exp3A_91 = math.exp %neg3A_90 : vector<2048x128xf32>
    %add3A_92 = arith.constant 1.000000e+00 : f32
    %add3A_93 = vector.broadcast %add3A_92 : f32 to vector<2048x128xf32>
    %add3A_94 = arith.addf %add3A_93, %exp3A_91 : vector<2048x128xf32>
    %div3A_95 = arith.constant 1.000000e+00 : f32
    %div3A_96 = vector.broadcast %div3A_95 : f32 to vector<2048x128xf32>
    %div3A_97 = arith.divf %div3A_96, %add3A_94 : vector<2048x128xf32>
    %slice3A_98 = vector.extract_strided_slice %add3A_87 {offsets = [0, 128], sizes = [2048, 128], strides = [1, 1]} : vector<2048x256xf32> to vector<2048x128xf32>
    %max3A = arith.constant 0.000000e+00 : f32
    %max3A_99 = vector.broadcast %max3A : f32 to vector<2048x128xf32>
    %max3A_100 = arith.maximumf %slice3A_98, %max3A_99 : vector<2048x128xf32>
    %abs3A = math.absf %slice3A_98 : vector<2048x128xf32>
    %neg3A_101 = arith.constant 0.000000e+00 : f32
    %neg3A_102 = vector.broadcast %neg3A_101 : f32 to vector<2048x128xf32>
    %neg3A_103 = arith.subf %neg3A_102, %abs3A : vector<2048x128xf32>
    %exp3A_104 = math.exp %neg3A_103 : vector<2048x128xf32>
    %add3A_105 = arith.constant 1.000000e+00 : f32
    %add3A_106 = vector.broadcast %add3A_105 : f32 to vector<2048x128xf32>
    %add3A_107 = arith.addf %add3A_106, %exp3A_104 : vector<2048x128xf32>
    %log3A = math.log %add3A_107 : vector<2048x128xf32>
    %add3A_108 = arith.addf %max3A_100, %log3A : vector<2048x128xf32>
    %mul3A_109 = arith.mulf %div3A_97, %add3A_108 : vector<2048x128xf32>
    %swap3A = arith.constant 0 : index
    %swap3A_110 = arith.constant 0 : index
    %swap3A_111 = vector.load %arg9[%swap3A, %swap3A_110] : memref<2048x128xf32, #tpu.memory_space<vmem>>, vector<2048x128xf32>
    tpu.vector_store %arg9[%swap3A, %swap3A_110], %mul3A_109 {strides = array<i32>} : memref<2048x128xf32, #tpu.memory_space<vmem>>, vector<2048x128xf32>,
    return
  }
}

module attributes {stable_mosaic.version = 14 : i64} {
  func.func @_topk_body(%arg0: i32, %arg1: memref<128x3xf32, #tpu.memory_space<vmem>>, %arg2: memref<3x8192xf32, #tpu.memory_space<vmem>>, %arg3: memref<128x16xi32, #tpu.memory_space<vmem>>) attributes {dimension_semantics = [#tpu.dimension_semantics<arbitrary>], iteration_bounds = array<i64: 16>, scalar_prefetch = 0 : i64, scratch_operands = 0 : i64, tpu.core_type = #tpu.core_type<tc>, window_params = [{transform_indices = @transform_0, window_bounds = array<i64: 128, 3>}, {pipeline_mode = #tpu.pipeline_mode<synchronous>, transform_indices = @transform_1, window_bounds = array<i64: 3, 8192>}, {transform_indices = @transform_2, window_bounds = array<i64: 128, 16>}]} {
    %get3A = arith.constant 0 : index
    %get3A_0 = arith.constant 0 : index
    %get3A_1 = vector.load %arg1[%get3A, %get3A_0] : memref<128x3xf32, #tpu.memory_space<vmem>>, vector<128x3xf32>
    %get3A_2 = arith.constant 0 : index
    %get3A_3 = arith.constant 0 : index
    %get3A_4 = vector.load %arg2[%get3A_2, %get3A_3] : memref<3x8192xf32, #tpu.memory_space<vmem>>, vector<3x8192xf32>
    %dot_general3A = arith.constant dense<0.000000e+00> : vector<128x8192xf32>
    %dot_general3A_5 = tpu.matmul %get3A_1, %get3A_4, %dot_general3A {dimension_numbers = #tpu.dot_dimension_numbers<[1], [0], [0], [1], [0, 0, 1, 1], [], []>, transpose_lhs_hint = false} : vector<128x3xf32>, vector<3x8192xf32>, vector<128x8192xf32> -> vector<128x8192xf32>
    %mul3A = arith.mulf %get3A_1, %get3A_1 : vector<128x3xf32>
    %reduce_sum3A = arith.constant dense<0.000000e+00> : vector<128xf32>
    %reduce_sum3A_6 = vector.multi_reduction <add>, %mul3A, %reduce_sum3A [1] : vector<128x3xf32> to vector<128xf32>
    %broadcast_in_dim3A = vector.shape_cast %reduce_sum3A_6 : vector<128xf32> to vector<128x1xf32>
    %mul3A_7 = arith.mulf %get3A_4, %get3A_4 : vector<3x8192xf32>
    %reduce_sum3A_8 = arith.constant dense<0.000000e+00> : vector<8192xf32>
    %reduce_sum3A_9 = vector.multi_reduction <add>, %mul3A_7, %reduce_sum3A_8 [0] : vector<3x8192xf32> to vector<8192xf32>
    %broadcast_in_dim3A_10 = vector.shape_cast %reduce_sum3A_9 : vector<8192xf32> to vector<1x8192xf32>
    %add3A = vector.broadcast %broadcast_in_dim3A : vector<128x1xf32> to vector<128x8192xf32>
    %add3A_11 = vector.broadcast %broadcast_in_dim3A_10 : vector<1x8192xf32> to vector<128x8192xf32>
    %add3A_12 = arith.addf %add3A, %add3A_11 : vector<128x8192xf32>
    %mul3A_13 = arith.constant 2.000000e+00 : f32
    %mul3A_14 = vector.broadcast %mul3A_13 : f32 to vector<128x8192xf32>
    %mul3A_15 = arith.mulf %mul3A_14, %dot_general3A_5 : vector<128x8192xf32>
    %sub3A = arith.subf %add3A_12, %mul3A_15 : vector<128x8192xf32>
    %max3A = arith.constant 9.99999996E-13 : f32
    %max3A_16 = vector.broadcast %max3A : f32 to vector<128x8192xf32>
    %max3A_17 = arith.maximumf %sub3A, %max3A_16 : vector<128x8192xf32>
    %sqrt3A = math.sqrt %max3A_17 : vector<128x8192xf32>
    %iota3A = tpu.iota {dimensions = array<i32: 1>} : vector<128x8192xi32>
    %reduce_min3A = arith.constant dense<0x7F800000> : vector<128xf32>
    %reduce_min3A_18 = vector.multi_reduction <minimumf>, %sqrt3A, %reduce_min3A [1] : vector<128x8192xf32> to vector<128xf32>
    %broadcast_in_dim3A_19 = vector.shape_cast %reduce_min3A_18 : vector<128xf32> to vector<128x1xf32>
    %eq3A = vector.broadcast %broadcast_in_dim3A_19 : vector<128x1xf32> to vector<128x8192xf32>
    %eq3A_20 = arith.cmpf oeq, %sqrt3A, %eq3A : vector<128x8192xf32>
    %jit3A = arith.constant 8192 : i32
    %broadcast_in_dim3A_21 = vector.broadcast %jit3A : i32 to vector<128x8192xi32>
    %select_n3A = arith.select %eq3A_20, %iota3A, %broadcast_in_dim3A_21 : vector<128x8192xi1>, vector<128x8192xi32>
    %reduce_min3A_22 = arith.constant dense<2147483647> : vector<128xi32>
    %reduce_min3A_23 = vector.multi_reduction <minsi>, %select_n3A, %reduce_min3A_22 [1] : vector<128x8192xi32> to vector<128xi32>
    %broadcast_in_dim3A_24 = vector.shape_cast %reduce_min3A_23 : vector<128xi32> to vector<128x1xi32>
    %swap3A = arith.constant 0 : index
    %swap3A_25 = arith.constant 0 : index
    %swap3A_26 = vector.load %arg3[%swap3A, %swap3A_25] : memref<128x16xi32, #tpu.memory_space<vmem>>, vector<128x1xi32>
    tpu.vector_store %arg3[%swap3A, %swap3A_25], %broadcast_in_dim3A_24 {strides = array<i32>} : memref<128x16xi32, #tpu.memory_space<vmem>>, vector<128x1xi32>,
    %eq3A_27 = vector.broadcast %broadcast_in_dim3A_24 : vector<128x1xi32> to vector<128x8192xi32>
    %eq3A_28 = arith.cmpi eq, %iota3A, %eq3A_27 : vector<128x8192xi32>
    %jit3A_29 = arith.constant 0x7F800000 : f32
    %broadcast_in_dim3A_30 = vector.broadcast %jit3A_29 : f32 to vector<128x8192xf32>
    %select_n3A_31 = arith.select %eq3A_28, %broadcast_in_dim3A_30, %sqrt3A : vector<128x8192xi1>, vector<128x8192xf32>
    %reduce_min3A_32 = arith.constant dense<0x7F800000> : vector<128xf32>
    %reduce_min3A_33 = vector.multi_reduction <minimumf>, %select_n3A_31, %reduce_min3A_32 [1] : vector<128x8192xf32> to vector<128xf32>
    %broadcast_in_dim3A_34 = vector.shape_cast %reduce_min3A_33 : vector<128xf32> to vector<128x1xf32>
    %eq3A_35 = vector.broadcast %broadcast_in_dim3A_34 : vector<128x1xf32> to vector<128x8192xf32>
    %eq3A_36 = arith.cmpf oeq, %select_n3A_31, %eq3A_35 : vector<128x8192xf32>
    %jit3A_37 = arith.constant 8192 : i32
    %broadcast_in_dim3A_38 = vector.broadcast %jit3A_37 : i32 to vector<128x8192xi32>
    %select_n3A_39 = arith.select %eq3A_36, %iota3A, %broadcast_in_dim3A_38 : vector<128x8192xi1>, vector<128x8192xi32>
    %reduce_min3A_40 = arith.constant dense<2147483647> : vector<128xi32>
    %reduce_min3A_41 = vector.multi_reduction <minsi>, %select_n3A_39, %reduce_min3A_40 [1] : vector<128x8192xi32> to vector<128xi32>
    %broadcast_in_dim3A_42 = vector.shape_cast %reduce_min3A_41 : vector<128xi32> to vector<128x1xi32>
    %swap3A_43 = arith.constant 0 : index
    %swap3A_44 = arith.constant 1 : index
    %swap3A_45 = vector.load %arg3[%swap3A_43, %swap3A_44] : memref<128x16xi32, #tpu.memory_space<vmem>>, vector<128x1xi32>
    tpu.vector_store %arg3[%swap3A_43, %swap3A_44], %broadcast_in_dim3A_42 {strides = array<i32>} : memref<128x16xi32, #tpu.memory_space<vmem>>, vector<128x1xi32>,
    %eq3A_46 = vector.broadcast %broadcast_in_dim3A_42 : vector<128x1xi32> to vector<128x8192xi32>
    %eq3A_47 = arith.cmpi eq, %iota3A, %eq3A_46 : vector<128x8192xi32>
    %jit3A_48 = arith.constant 0x7F800000 : f32
    %broadcast_in_dim3A_49 = vector.broadcast %jit3A_48 : f32 to vector<128x8192xf32>
    %select_n3A_50 = arith.select %eq3A_47, %broadcast_in_dim3A_49, %select_n3A_31 : vector<128x8192xi1>, vector<128x8192xf32>
    %reduce_min3A_51 = arith.constant dense<0x7F800000> : vector<128xf32>
    %reduce_min3A_52 = vector.multi_reduction <minimumf>, %select_n3A_50, %reduce_min3A_51 [1] : vector<128x8192xf32> to vector<128xf32>
    %broadcast_in_dim3A_53 = vector.shape_cast %reduce_min3A_52 : vector<128xf32> to vector<128x1xf32>
    %eq3A_54 = vector.broadcast %broadcast_in_dim3A_53 : vector<128x1xf32> to vector<128x8192xf32>
    %eq3A_55 = arith.cmpf oeq, %select_n3A_50, %eq3A_54 : vector<128x8192xf32>
    %jit3A_56 = arith.constant 8192 : i32
    %broadcast_in_dim3A_57 = vector.broadcast %jit3A_56 : i32 to vector<128x8192xi32>
    %select_n3A_58 = arith.select %eq3A_55, %iota3A, %broadcast_in_dim3A_57 : vector<128x8192xi1>, vector<128x8192xi32>
    %reduce_min3A_59 = arith.constant dense<2147483647> : vector<128xi32>
    %reduce_min3A_60 = vector.multi_reduction <minsi>, %select_n3A_58, %reduce_min3A_59 [1] : vector<128x8192xi32> to vector<128xi32>
    %broadcast_in_dim3A_61 = vector.shape_cast %reduce_min3A_60 : vector<128xi32> to vector<128x1xi32>
    %swap3A_62 = arith.constant 0 : index
    %swap3A_63 = arith.constant 2 : index
    %swap3A_64 = vector.load %arg3[%swap3A_62, %swap3A_63] : memref<128x16xi32, #tpu.memory_space<vmem>>, vector<128x1xi32>
    tpu.vector_store %arg3[%swap3A_62, %swap3A_63], %broadcast_in_dim3A_61 {strides = array<i32>} : memref<128x16xi32, #tpu.memory_space<vmem>>, vector<128x1xi32>,
    %eq3A_65 = vector.broadcast %broadcast_in_dim3A_61 : vector<128x1xi32> to vector<128x8192xi32>
    %eq3A_66 = arith.cmpi eq, %iota3A, %eq3A_65 : vector<128x8192xi32>
    %jit3A_67 = arith.constant 0x7F800000 : f32
    %broadcast_in_dim3A_68 = vector.broadcast %jit3A_67 : f32 to vector<128x8192xf32>
    %select_n3A_69 = arith.select %eq3A_66, %broadcast_in_dim3A_68, %select_n3A_50 : vector<128x8192xi1>, vector<128x8192xf32>
    %reduce_min3A_70 = arith.constant dense<0x7F800000> : vector<128xf32>
    %reduce_min3A_71 = vector.multi_reduction <minimumf>, %select_n3A_69, %reduce_min3A_70 [1] : vector<128x8192xf32> to vector<128xf32>
    %broadcast_in_dim3A_72 = vector.shape_cast %reduce_min3A_71 : vector<128xf32> to vector<128x1xf32>
    %eq3A_73 = vector.broadcast %broadcast_in_dim3A_72 : vector<128x1xf32> to vector<128x8192xf32>
    %eq3A_74 = arith.cmpf oeq, %select_n3A_69, %eq3A_73 : vector<128x8192xf32>
    %jit3A_75 = arith.constant 8192 : i32
    %broadcast_in_dim3A_76 = vector.broadcast %jit3A_75 : i32 to vector<128x8192xi32>
    %select_n3A_77 = arith.select %eq3A_74, %iota3A, %broadcast_in_dim3A_76 : vector<128x8192xi1>, vector<128x8192xi32>
    %reduce_min3A_78 = arith.constant dense<2147483647> : vector<128xi32>
    %reduce_min3A_79 = vector.multi_reduction <minsi>, %select_n3A_77, %reduce_min3A_78 [1] : vector<128x8192xi32> to vector<128xi32>
    %broadcast_in_dim3A_80 = vector.shape_cast %reduce_min3A_79 : vector<128xi32> to vector<128x1xi32>
    %swap3A_81 = arith.constant 0 : index
    %swap3A_82 = arith.constant 3 : index
    %swap3A_83 = vector.load %arg3[%swap3A_81, %swap3A_82] : memref<128x16xi32, #tpu.memory_space<vmem>>, vector<128x1xi32>
    tpu.vector_store %arg3[%swap3A_81, %swap3A_82], %broadcast_in_dim3A_80 {strides = array<i32>} : memref<128x16xi32, #tpu.memory_space<vmem>>, vector<128x1xi32>,
    %eq3A_84 = vector.broadcast %broadcast_in_dim3A_80 : vector<128x1xi32> to vector<128x8192xi32>
    %eq3A_85 = arith.cmpi eq, %iota3A, %eq3A_84 : vector<128x8192xi32>
    %jit3A_86 = arith.constant 0x7F800000 : f32
    %broadcast_in_dim3A_87 = vector.broadcast %jit3A_86 : f32 to vector<128x8192xf32>
    %select_n3A_88 = arith.select %eq3A_85, %broadcast_in_dim3A_87, %select_n3A_69 : vector<128x8192xi1>, vector<128x8192xf32>
    %reduce_min3A_89 = arith.constant dense<0x7F800000> : vector<128xf32>
    %reduce_min3A_90 = vector.multi_reduction <minimumf>, %select_n3A_88, %reduce_min3A_89 [1] : vector<128x8192xf32> to vector<128xf32>
    %broadcast_in_dim3A_91 = vector.shape_cast %reduce_min3A_90 : vector<128xf32> to vector<128x1xf32>
    %eq3A_92 = vector.broadcast %broadcast_in_dim3A_91 : vector<128x1xf32> to vector<128x8192xf32>
    %eq3A_93 = arith.cmpf oeq, %select_n3A_88, %eq3A_92 : vector<128x8192xf32>
    %jit3A_94 = arith.constant 8192 : i32
    %broadcast_in_dim3A_95 = vector.broadcast %jit3A_94 : i32 to vector<128x8192xi32>
    %select_n3A_96 = arith.select %eq3A_93, %iota3A, %broadcast_in_dim3A_95 : vector<128x8192xi1>, vector<128x8192xi32>
    %reduce_min3A_97 = arith.constant dense<2147483647> : vector<128xi32>
    %reduce_min3A_98 = vector.multi_reduction <minsi>, %select_n3A_96, %reduce_min3A_97 [1] : vector<128x8192xi32> to vector<128xi32>
    %broadcast_in_dim3A_99 = vector.shape_cast %reduce_min3A_98 : vector<128xi32> to vector<128x1xi32>
    %swap3A_100 = arith.constant 0 : index
    %swap3A_101 = arith.constant 4 : index
    %swap3A_102 = vector.load %arg3[%swap3A_100, %swap3A_101] : memref<128x16xi32, #tpu.memory_space<vmem>>, vector<128x1xi32>
    tpu.vector_store %arg3[%swap3A_100, %swap3A_101], %broadcast_in_dim3A_99 {strides = array<i32>} : memref<128x16xi32, #tpu.memory_space<vmem>>, vector<128x1xi32>,
    %eq3A_103 = vector.broadcast %broadcast_in_dim3A_99 : vector<128x1xi32> to vector<128x8192xi32>
    %eq3A_104 = arith.cmpi eq, %iota3A, %eq3A_103 : vector<128x8192xi32>
    %jit3A_105 = arith.constant 0x7F800000 : f32
    %broadcast_in_dim3A_106 = vector.broadcast %jit3A_105 : f32 to vector<128x8192xf32>
    %select_n3A_107 = arith.select %eq3A_104, %broadcast_in_dim3A_106, %select_n3A_88 : vector<128x8192xi1>, vector<128x8192xf32>
    %reduce_min3A_108 = arith.constant dense<0x7F800000> : vector<128xf32>
    %reduce_min3A_109 = vector.multi_reduction <minimumf>, %select_n3A_107, %reduce_min3A_108 [1] : vector<128x8192xf32> to vector<128xf32>
    %broadcast_in_dim3A_110 = vector.shape_cast %reduce_min3A_109 : vector<128xf32> to vector<128x1xf32>
    %eq3A_111 = vector.broadcast %broadcast_in_dim3A_110 : vector<128x1xf32> to vector<128x8192xf32>
    %eq3A_112 = arith.cmpf oeq, %select_n3A_107, %eq3A_111 : vector<128x8192xf32>
    %jit3A_113 = arith.constant 8192 : i32
    %broadcast_in_dim3A_114 = vector.broadcast %jit3A_113 : i32 to vector<128x8192xi32>
    %select_n3A_115 = arith.select %eq3A_112, %iota3A, %broadcast_in_dim3A_114 : vector<128x8192xi1>, vector<128x8192xi32>
    %reduce_min3A_116 = arith.constant dense<2147483647> : vector<128xi32>
    %reduce_min3A_117 = vector.multi_reduction <minsi>, %select_n3A_115, %reduce_min3A_116 [1] : vector<128x8192xi32> to vector<128xi32>
    %broadcast_in_dim3A_118 = vector.shape_cast %reduce_min3A_117 : vector<128xi32> to vector<128x1xi32>
    %swap3A_119 = arith.constant 0 : index
    %swap3A_120 = arith.constant 5 : index
    %swap3A_121 = vector.load %arg3[%swap3A_119, %swap3A_120] : memref<128x16xi32, #tpu.memory_space<vmem>>, vector<128x1xi32>
    tpu.vector_store %arg3[%swap3A_119, %swap3A_120], %broadcast_in_dim3A_118 {strides = array<i32>} : memref<128x16xi32, #tpu.memory_space<vmem>>, vector<128x1xi32>,
    %eq3A_122 = vector.broadcast %broadcast_in_dim3A_118 : vector<128x1xi32> to vector<128x8192xi32>
    %eq3A_123 = arith.cmpi eq, %iota3A, %eq3A_122 : vector<128x8192xi32>
    %jit3A_124 = arith.constant 0x7F800000 : f32
    %broadcast_in_dim3A_125 = vector.broadcast %jit3A_124 : f32 to vector<128x8192xf32>
    %select_n3A_126 = arith.select %eq3A_123, %broadcast_in_dim3A_125, %select_n3A_107 : vector<128x8192xi1>, vector<128x8192xf32>
    %reduce_min3A_127 = arith.constant dense<0x7F800000> : vector<128xf32>
    %reduce_min3A_128 = vector.multi_reduction <minimumf>, %select_n3A_126, %reduce_min3A_127 [1] : vector<128x8192xf32> to vector<128xf32>
    %broadcast_in_dim3A_129 = vector.shape_cast %reduce_min3A_128 : vector<128xf32> to vector<128x1xf32>
    %eq3A_130 = vector.broadcast %broadcast_in_dim3A_129 : vector<128x1xf32> to vector<128x8192xf32>
    %eq3A_131 = arith.cmpf oeq, %select_n3A_126, %eq3A_130 : vector<128x8192xf32>
    %jit3A_132 = arith.constant 8192 : i32
    %broadcast_in_dim3A_133 = vector.broadcast %jit3A_132 : i32 to vector<128x8192xi32>
    %select_n3A_134 = arith.select %eq3A_131, %iota3A, %broadcast_in_dim3A_133 : vector<128x8192xi1>, vector<128x8192xi32>
    %reduce_min3A_135 = arith.constant dense<2147483647> : vector<128xi32>
    %reduce_min3A_136 = vector.multi_reduction <minsi>, %select_n3A_134, %reduce_min3A_135 [1] : vector<128x8192xi32> to vector<128xi32>
    %broadcast_in_dim3A_137 = vector.shape_cast %reduce_min3A_136 : vector<128xi32> to vector<128x1xi32>
    %swap3A_138 = arith.constant 0 : index
    %swap3A_139 = arith.constant 6 : index
    %swap3A_140 = vector.load %arg3[%swap3A_138, %swap3A_139] : memref<128x16xi32, #tpu.memory_space<vmem>>, vector<128x1xi32>
    tpu.vector_store %arg3[%swap3A_138, %swap3A_139], %broadcast_in_dim3A_137 {strides = array<i32>} : memref<128x16xi32, #tpu.memory_space<vmem>>, vector<128x1xi32>,
    %eq3A_141 = vector.broadcast %broadcast_in_dim3A_137 : vector<128x1xi32> to vector<128x8192xi32>
    %eq3A_142 = arith.cmpi eq, %iota3A, %eq3A_141 : vector<128x8192xi32>
    %jit3A_143 = arith.constant 0x7F800000 : f32
    %broadcast_in_dim3A_144 = vector.broadcast %jit3A_143 : f32 to vector<128x8192xf32>
    %select_n3A_145 = arith.select %eq3A_142, %broadcast_in_dim3A_144, %select_n3A_126 : vector<128x8192xi1>, vector<128x8192xf32>
    %reduce_min3A_146 = arith.constant dense<0x7F800000> : vector<128xf32>
    %reduce_min3A_147 = vector.multi_reduction <minimumf>, %select_n3A_145, %reduce_min3A_146 [1] : vector<128x8192xf32> to vector<128xf32>
    %broadcast_in_dim3A_148 = vector.shape_cast %reduce_min3A_147 : vector<128xf32> to vector<128x1xf32>
    %eq3A_149 = vector.broadcast %broadcast_in_dim3A_148 : vector<128x1xf32> to vector<128x8192xf32>
    %eq3A_150 = arith.cmpf oeq, %select_n3A_145, %eq3A_149 : vector<128x8192xf32>
    %jit3A_151 = arith.constant 8192 : i32
    %broadcast_in_dim3A_152 = vector.broadcast %jit3A_151 : i32 to vector<128x8192xi32>
    %select_n3A_153 = arith.select %eq3A_150, %iota3A, %broadcast_in_dim3A_152 : vector<128x8192xi1>, vector<128x8192xi32>
    %reduce_min3A_154 = arith.constant dense<2147483647> : vector<128xi32>
    %reduce_min3A_155 = vector.multi_reduction <minsi>, %select_n3A_153, %reduce_min3A_154 [1] : vector<128x8192xi32> to vector<128xi32>
    %broadcast_in_dim3A_156 = vector.shape_cast %reduce_min3A_155 : vector<128xi32> to vector<128x1xi32>
    %swap3A_157 = arith.constant 0 : index
    %swap3A_158 = arith.constant 7 : index
    %swap3A_159 = vector.load %arg3[%swap3A_157, %swap3A_158] : memref<128x16xi32, #tpu.memory_space<vmem>>, vector<128x1xi32>
    tpu.vector_store %arg3[%swap3A_157, %swap3A_158], %broadcast_in_dim3A_156 {strides = array<i32>} : memref<128x16xi32, #tpu.memory_space<vmem>>, vector<128x1xi32>,
    %eq3A_160 = vector.broadcast %broadcast_in_dim3A_156 : vector<128x1xi32> to vector<128x8192xi32>
    %eq3A_161 = arith.cmpi eq, %iota3A, %eq3A_160 : vector<128x8192xi32>
    %jit3A_162 = arith.constant 0x7F800000 : f32
    %broadcast_in_dim3A_163 = vector.broadcast %jit3A_162 : f32 to vector<128x8192xf32>
    %select_n3A_164 = arith.select %eq3A_161, %broadcast_in_dim3A_163, %select_n3A_145 : vector<128x8192xi1>, vector<128x8192xf32>
    %reduce_min3A_165 = arith.constant dense<0x7F800000> : vector<128xf32>
    %reduce_min3A_166 = vector.multi_reduction <minimumf>, %select_n3A_164, %reduce_min3A_165 [1] : vector<128x8192xf32> to vector<128xf32>
    %broadcast_in_dim3A_167 = vector.shape_cast %reduce_min3A_166 : vector<128xf32> to vector<128x1xf32>
    %eq3A_168 = vector.broadcast %broadcast_in_dim3A_167 : vector<128x1xf32> to vector<128x8192xf32>
    %eq3A_169 = arith.cmpf oeq, %select_n3A_164, %eq3A_168 : vector<128x8192xf32>
    %jit3A_170 = arith.constant 8192 : i32
    %broadcast_in_dim3A_171 = vector.broadcast %jit3A_170 : i32 to vector<128x8192xi32>
    %select_n3A_172 = arith.select %eq3A_169, %iota3A, %broadcast_in_dim3A_171 : vector<128x8192xi1>, vector<128x8192xi32>
    %reduce_min3A_173 = arith.constant dense<2147483647> : vector<128xi32>
    %reduce_min3A_174 = vector.multi_reduction <minsi>, %select_n3A_172, %reduce_min3A_173 [1] : vector<128x8192xi32> to vector<128xi32>
    %broadcast_in_dim3A_175 = vector.shape_cast %reduce_min3A_174 : vector<128xi32> to vector<128x1xi32>
    %swap3A_176 = arith.constant 0 : index
    %swap3A_177 = arith.constant 8 : index
    %swap3A_178 = vector.load %arg3[%swap3A_176, %swap3A_177] : memref<128x16xi32, #tpu.memory_space<vmem>>, vector<128x1xi32>
    tpu.vector_store %arg3[%swap3A_176, %swap3A_177], %broadcast_in_dim3A_175 {strides = array<i32>} : memref<128x16xi32, #tpu.memory_space<vmem>>, vector<128x1xi32>,
    %eq3A_179 = vector.broadcast %broadcast_in_dim3A_175 : vector<128x1xi32> to vector<128x8192xi32>
    %eq3A_180 = arith.cmpi eq, %iota3A, %eq3A_179 : vector<128x8192xi32>
    %jit3A_181 = arith.constant 0x7F800000 : f32
    %broadcast_in_dim3A_182 = vector.broadcast %jit3A_181 : f32 to vector<128x8192xf32>
    %select_n3A_183 = arith.select %eq3A_180, %broadcast_in_dim3A_182, %select_n3A_164 : vector<128x8192xi1>, vector<128x8192xf32>
    %reduce_min3A_184 = arith.constant dense<0x7F800000> : vector<128xf32>
    %reduce_min3A_185 = vector.multi_reduction <minimumf>, %select_n3A_183, %reduce_min3A_184 [1] : vector<128x8192xf32> to vector<128xf32>
    %broadcast_in_dim3A_186 = vector.shape_cast %reduce_min3A_185 : vector<128xf32> to vector<128x1xf32>
    %eq3A_187 = vector.broadcast %broadcast_in_dim3A_186 : vector<128x1xf32> to vector<128x8192xf32>
    %eq3A_188 = arith.cmpf oeq, %select_n3A_183, %eq3A_187 : vector<128x8192xf32>
    %jit3A_189 = arith.constant 8192 : i32
    %broadcast_in_dim3A_190 = vector.broadcast %jit3A_189 : i32 to vector<128x8192xi32>
    %select_n3A_191 = arith.select %eq3A_188, %iota3A, %broadcast_in_dim3A_190 : vector<128x8192xi1>, vector<128x8192xi32>
    %reduce_min3A_192 = arith.constant dense<2147483647> : vector<128xi32>
    %reduce_min3A_193 = vector.multi_reduction <minsi>, %select_n3A_191, %reduce_min3A_192 [1] : vector<128x8192xi32> to vector<128xi32>
    %broadcast_in_dim3A_194 = vector.shape_cast %reduce_min3A_193 : vector<128xi32> to vector<128x1xi32>
    %swap3A_195 = arith.constant 0 : index
    %swap3A_196 = arith.constant 9 : index
    %swap3A_197 = vector.load %arg3[%swap3A_195, %swap3A_196] : memref<128x16xi32, #tpu.memory_space<vmem>>, vector<128x1xi32>
    tpu.vector_store %arg3[%swap3A_195, %swap3A_196], %broadcast_in_dim3A_194 {strides = array<i32>} : memref<128x16xi32, #tpu.memory_space<vmem>>, vector<128x1xi32>,
    %eq3A_198 = vector.broadcast %broadcast_in_dim3A_194 : vector<128x1xi32> to vector<128x8192xi32>
    %eq3A_199 = arith.cmpi eq, %iota3A, %eq3A_198 : vector<128x8192xi32>
    %jit3A_200 = arith.constant 0x7F800000 : f32
    %broadcast_in_dim3A_201 = vector.broadcast %jit3A_200 : f32 to vector<128x8192xf32>
    %select_n3A_202 = arith.select %eq3A_199, %broadcast_in_dim3A_201, %select_n3A_183 : vector<128x8192xi1>, vector<128x8192xf32>
    %reduce_min3A_203 = arith.constant dense<0x7F800000> : vector<128xf32>
    %reduce_min3A_204 = vector.multi_reduction <minimumf>, %select_n3A_202, %reduce_min3A_203 [1] : vector<128x8192xf32> to vector<128xf32>
    %broadcast_in_dim3A_205 = vector.shape_cast %reduce_min3A_204 : vector<128xf32> to vector<128x1xf32>
    %eq3A_206 = vector.broadcast %broadcast_in_dim3A_205 : vector<128x1xf32> to vector<128x8192xf32>
    %eq3A_207 = arith.cmpf oeq, %select_n3A_202, %eq3A_206 : vector<128x8192xf32>
    %jit3A_208 = arith.constant 8192 : i32
    %broadcast_in_dim3A_209 = vector.broadcast %jit3A_208 : i32 to vector<128x8192xi32>
    %select_n3A_210 = arith.select %eq3A_207, %iota3A, %broadcast_in_dim3A_209 : vector<128x8192xi1>, vector<128x8192xi32>
    %reduce_min3A_211 = arith.constant dense<2147483647> : vector<128xi32>
    %reduce_min3A_212 = vector.multi_reduction <minsi>, %select_n3A_210, %reduce_min3A_211 [1] : vector<128x8192xi32> to vector<128xi32>
    %broadcast_in_dim3A_213 = vector.shape_cast %reduce_min3A_212 : vector<128xi32> to vector<128x1xi32>
    %swap3A_214 = arith.constant 0 : index
    %swap3A_215 = arith.constant 10 : index
    %swap3A_216 = vector.load %arg3[%swap3A_214, %swap3A_215] : memref<128x16xi32, #tpu.memory_space<vmem>>, vector<128x1xi32>
    tpu.vector_store %arg3[%swap3A_214, %swap3A_215], %broadcast_in_dim3A_213 {strides = array<i32>} : memref<128x16xi32, #tpu.memory_space<vmem>>, vector<128x1xi32>,
    %eq3A_217 = vector.broadcast %broadcast_in_dim3A_213 : vector<128x1xi32> to vector<128x8192xi32>
    %eq3A_218 = arith.cmpi eq, %iota3A, %eq3A_217 : vector<128x8192xi32>
    %jit3A_219 = arith.constant 0x7F800000 : f32
    %broadcast_in_dim3A_220 = vector.broadcast %jit3A_219 : f32 to vector<128x8192xf32>
    %select_n3A_221 = arith.select %eq3A_218, %broadcast_in_dim3A_220, %select_n3A_202 : vector<128x8192xi1>, vector<128x8192xf32>
    %reduce_min3A_222 = arith.constant dense<0x7F800000> : vector<128xf32>
    %reduce_min3A_223 = vector.multi_reduction <minimumf>, %select_n3A_221, %reduce_min3A_222 [1] : vector<128x8192xf32> to vector<128xf32>
    %broadcast_in_dim3A_224 = vector.shape_cast %reduce_min3A_223 : vector<128xf32> to vector<128x1xf32>
    %eq3A_225 = vector.broadcast %broadcast_in_dim3A_224 : vector<128x1xf32> to vector<128x8192xf32>
    %eq3A_226 = arith.cmpf oeq, %select_n3A_221, %eq3A_225 : vector<128x8192xf32>
    %jit3A_227 = arith.constant 8192 : i32
    %broadcast_in_dim3A_228 = vector.broadcast %jit3A_227 : i32 to vector<128x8192xi32>
    %select_n3A_229 = arith.select %eq3A_226, %iota3A, %broadcast_in_dim3A_228 : vector<128x8192xi1>, vector<128x8192xi32>
    %reduce_min3A_230 = arith.constant dense<2147483647> : vector<128xi32>
    %reduce_min3A_231 = vector.multi_reduction <minsi>, %select_n3A_229, %reduce_min3A_230 [1] : vector<128x8192xi32> to vector<128xi32>
    %broadcast_in_dim3A_232 = vector.shape_cast %reduce_min3A_231 : vector<128xi32> to vector<128x1xi32>
    %swap3A_233 = arith.constant 0 : index
    %swap3A_234 = arith.constant 11 : index
    %swap3A_235 = vector.load %arg3[%swap3A_233, %swap3A_234] : memref<128x16xi32, #tpu.memory_space<vmem>>, vector<128x1xi32>
    tpu.vector_store %arg3[%swap3A_233, %swap3A_234], %broadcast_in_dim3A_232 {strides = array<i32>} : memref<128x16xi32, #tpu.memory_space<vmem>>, vector<128x1xi32>,
    %eq3A_236 = vector.broadcast %broadcast_in_dim3A_232 : vector<128x1xi32> to vector<128x8192xi32>
    %eq3A_237 = arith.cmpi eq, %iota3A, %eq3A_236 : vector<128x8192xi32>
    %jit3A_238 = arith.constant 0x7F800000 : f32
    %broadcast_in_dim3A_239 = vector.broadcast %jit3A_238 : f32 to vector<128x8192xf32>
    %select_n3A_240 = arith.select %eq3A_237, %broadcast_in_dim3A_239, %select_n3A_221 : vector<128x8192xi1>, vector<128x8192xf32>
    %reduce_min3A_241 = arith.constant dense<0x7F800000> : vector<128xf32>
    %reduce_min3A_242 = vector.multi_reduction <minimumf>, %select_n3A_240, %reduce_min3A_241 [1] : vector<128x8192xf32> to vector<128xf32>
    %broadcast_in_dim3A_243 = vector.shape_cast %reduce_min3A_242 : vector<128xf32> to vector<128x1xf32>
    %eq3A_244 = vector.broadcast %broadcast_in_dim3A_243 : vector<128x1xf32> to vector<128x8192xf32>
    %eq3A_245 = arith.cmpf oeq, %select_n3A_240, %eq3A_244 : vector<128x8192xf32>
    %jit3A_246 = arith.constant 8192 : i32
    %broadcast_in_dim3A_247 = vector.broadcast %jit3A_246 : i32 to vector<128x8192xi32>
    %select_n3A_248 = arith.select %eq3A_245, %iota3A, %broadcast_in_dim3A_247 : vector<128x8192xi1>, vector<128x8192xi32>
    %reduce_min3A_249 = arith.constant dense<2147483647> : vector<128xi32>
    %reduce_min3A_250 = vector.multi_reduction <minsi>, %select_n3A_248, %reduce_min3A_249 [1] : vector<128x8192xi32> to vector<128xi32>
    %broadcast_in_dim3A_251 = vector.shape_cast %reduce_min3A_250 : vector<128xi32> to vector<128x1xi32>
    %swap3A_252 = arith.constant 0 : index
    %swap3A_253 = arith.constant 12 : index
    %swap3A_254 = vector.load %arg3[%swap3A_252, %swap3A_253] : memref<128x16xi32, #tpu.memory_space<vmem>>, vector<128x1xi32>
    tpu.vector_store %arg3[%swap3A_252, %swap3A_253], %broadcast_in_dim3A_251 {strides = array<i32>} : memref<128x16xi32, #tpu.memory_space<vmem>>, vector<128x1xi32>,
    %eq3A_255 = vector.broadcast %broadcast_in_dim3A_251 : vector<128x1xi32> to vector<128x8192xi32>
    %eq3A_256 = arith.cmpi eq, %iota3A, %eq3A_255 : vector<128x8192xi32>
    %jit3A_257 = arith.constant 0x7F800000 : f32
    %broadcast_in_dim3A_258 = vector.broadcast %jit3A_257 : f32 to vector<128x8192xf32>
    %select_n3A_259 = arith.select %eq3A_256, %broadcast_in_dim3A_258, %select_n3A_240 : vector<128x8192xi1>, vector<128x8192xf32>
    %reduce_min3A_260 = arith.constant dense<0x7F800000> : vector<128xf32>
    %reduce_min3A_261 = vector.multi_reduction <minimumf>, %select_n3A_259, %reduce_min3A_260 [1] : vector<128x8192xf32> to vector<128xf32>
    %broadcast_in_dim3A_262 = vector.shape_cast %reduce_min3A_261 : vector<128xf32> to vector<128x1xf32>
    %eq3A_263 = vector.broadcast %broadcast_in_dim3A_262 : vector<128x1xf32> to vector<128x8192xf32>
    %eq3A_264 = arith.cmpf oeq, %select_n3A_259, %eq3A_263 : vector<128x8192xf32>
    %jit3A_265 = arith.constant 8192 : i32
    %broadcast_in_dim3A_266 = vector.broadcast %jit3A_265 : i32 to vector<128x8192xi32>
    %select_n3A_267 = arith.select %eq3A_264, %iota3A, %broadcast_in_dim3A_266 : vector<128x8192xi1>, vector<128x8192xi32>
    %reduce_min3A_268 = arith.constant dense<2147483647> : vector<128xi32>
    %reduce_min3A_269 = vector.multi_reduction <minsi>, %select_n3A_267, %reduce_min3A_268 [1] : vector<128x8192xi32> to vector<128xi32>
    %broadcast_in_dim3A_270 = vector.shape_cast %reduce_min3A_269 : vector<128xi32> to vector<128x1xi32>
    %swap3A_271 = arith.constant 0 : index
    %swap3A_272 = arith.constant 13 : index
    %swap3A_273 = vector.load %arg3[%swap3A_271, %swap3A_272] : memref<128x16xi32, #tpu.memory_space<vmem>>, vector<128x1xi32>
    tpu.vector_store %arg3[%swap3A_271, %swap3A_272], %broadcast_in_dim3A_270 {strides = array<i32>} : memref<128x16xi32, #tpu.memory_space<vmem>>, vector<128x1xi32>,
    %eq3A_274 = vector.broadcast %broadcast_in_dim3A_270 : vector<128x1xi32> to vector<128x8192xi32>
    %eq3A_275 = arith.cmpi eq, %iota3A, %eq3A_274 : vector<128x8192xi32>
    %jit3A_276 = arith.constant 0x7F800000 : f32
    %broadcast_in_dim3A_277 = vector.broadcast %jit3A_276 : f32 to vector<128x8192xf32>
    %select_n3A_278 = arith.select %eq3A_275, %broadcast_in_dim3A_277, %select_n3A_259 : vector<128x8192xi1>, vector<128x8192xf32>
    %reduce_min3A_279 = arith.constant dense<0x7F800000> : vector<128xf32>
    %reduce_min3A_280 = vector.multi_reduction <minimumf>, %select_n3A_278, %reduce_min3A_279 [1] : vector<128x8192xf32> to vector<128xf32>
    %broadcast_in_dim3A_281 = vector.shape_cast %reduce_min3A_280 : vector<128xf32> to vector<128x1xf32>
    %eq3A_282 = vector.broadcast %broadcast_in_dim3A_281 : vector<128x1xf32> to vector<128x8192xf32>
    %eq3A_283 = arith.cmpf oeq, %select_n3A_278, %eq3A_282 : vector<128x8192xf32>
    %jit3A_284 = arith.constant 8192 : i32
    %broadcast_in_dim3A_285 = vector.broadcast %jit3A_284 : i32 to vector<128x8192xi32>
    %select_n3A_286 = arith.select %eq3A_283, %iota3A, %broadcast_in_dim3A_285 : vector<128x8192xi1>, vector<128x8192xi32>
    %reduce_min3A_287 = arith.constant dense<2147483647> : vector<128xi32>
    %reduce_min3A_288 = vector.multi_reduction <minsi>, %select_n3A_286, %reduce_min3A_287 [1] : vector<128x8192xi32> to vector<128xi32>
    %broadcast_in_dim3A_289 = vector.shape_cast %reduce_min3A_288 : vector<128xi32> to vector<128x1xi32>
    %swap3A_290 = arith.constant 0 : index
    %swap3A_291 = arith.constant 14 : index
    %swap3A_292 = vector.load %arg3[%swap3A_290, %swap3A_291] : memref<128x16xi32, #tpu.memory_space<vmem>>, vector<128x1xi32>
    tpu.vector_store %arg3[%swap3A_290, %swap3A_291], %broadcast_in_dim3A_289 {strides = array<i32>} : memref<128x16xi32, #tpu.memory_space<vmem>>, vector<128x1xi32>,
    %eq3A_293 = vector.broadcast %broadcast_in_dim3A_289 : vector<128x1xi32> to vector<128x8192xi32>
    %eq3A_294 = arith.cmpi eq, %iota3A, %eq3A_293 : vector<128x8192xi32>
    %jit3A_295 = arith.constant 0x7F800000 : f32
    %broadcast_in_dim3A_296 = vector.broadcast %jit3A_295 : f32 to vector<128x8192xf32>
    %select_n3A_297 = arith.select %eq3A_294, %broadcast_in_dim3A_296, %select_n3A_278 : vector<128x8192xi1>, vector<128x8192xf32>
    %reduce_min3A_298 = arith.constant dense<0x7F800000> : vector<128xf32>
    %reduce_min3A_299 = vector.multi_reduction <minimumf>, %select_n3A_297, %reduce_min3A_298 [1] : vector<128x8192xf32> to vector<128xf32>
    %broadcast_in_dim3A_300 = vector.shape_cast %reduce_min3A_299 : vector<128xf32> to vector<128x1xf32>
    %eq3A_301 = vector.broadcast %broadcast_in_dim3A_300 : vector<128x1xf32> to vector<128x8192xf32>
    %eq3A_302 = arith.cmpf oeq, %select_n3A_297, %eq3A_301 : vector<128x8192xf32>
    %jit3A_303 = arith.constant 8192 : i32
    %broadcast_in_dim3A_304 = vector.broadcast %jit3A_303 : i32 to vector<128x8192xi32>
    %select_n3A_305 = arith.select %eq3A_302, %iota3A, %broadcast_in_dim3A_304 : vector<128x8192xi1>, vector<128x8192xi32>
    %reduce_min3A_306 = arith.constant dense<2147483647> : vector<128xi32>
    %reduce_min3A_307 = vector.multi_reduction <minsi>, %select_n3A_305, %reduce_min3A_306 [1] : vector<128x8192xi32> to vector<128xi32>
    %broadcast_in_dim3A_308 = vector.shape_cast %reduce_min3A_307 : vector<128xi32> to vector<128x1xi32>
    %swap3A_309 = arith.constant 0 : index
    %swap3A_310 = arith.constant 15 : index
    %swap3A_311 = vector.load %arg3[%swap3A_309, %swap3A_310] : memref<128x16xi32, #tpu.memory_space<vmem>>, vector<128x1xi32>
    tpu.vector_store %arg3[%swap3A_309, %swap3A_310], %broadcast_in_dim3A_308 {strides = array<i32>} : memref<128x16xi32, #tpu.memory_space<vmem>>, vector<128x1xi32>,
    return
  }
  func.func @transform_0(%arg0: i32) -> (i32, i32) {
    %c0_i32 = arith.constant 0 : i32
    %c0_i32_0 = arith.constant 0 : i32
    return %arg0, %c0_i32 : i32, i32
  }
  func.func @transform_1(%arg0: i32) -> (i32, i32) {
    %c0_i32 = arith.constant 0 : i32
    %c0_i32_0 = arith.constant 0 : i32
    %c0_i32_1 = arith.constant 0 : i32
    return %c0_i32, %c0_i32_0 : i32, i32
  }
  func.func @transform_2(%arg0: i32) -> (i32, i32) {
    %c0_i32 = arith.constant 0 : i32
    %c0_i32_0 = arith.constant 0 : i32
    return %arg0, %c0_i32 : i32, i32
  }
}

module attributes {stable_mosaic.version = 14 : i64} {
  func.func @_node_body(%arg0: memref<8192x22xf32, #tpu.memory_space<vmem>>, %arg1: memref<22x128xf32, #tpu.memory_space<vmem>>, %arg2: memref<1x128xf32, #tpu.memory_space<vmem>>, %arg3: memref<1x128xf32, #tpu.memory_space<vmem>>, %arg4: memref<1x128xf32, #tpu.memory_space<vmem>>, %arg5: memref<128x256xf32, #tpu.memory_space<vmem>>, %arg6: memref<1x256xf32, #tpu.memory_space<vmem>>, %arg7: memref<1x256xf32, #tpu.memory_space<vmem>>, %arg8: memref<1x256xf32, #tpu.memory_space<vmem>>, %arg9: memref<8192x128xf32, #tpu.memory_space<vmem>>) attributes {dimension_semantics = [], scalar_prefetch = 0 : i64, scratch_operands = 0 : i64, tpu.core_type = #tpu.core_type<tc>} {
    %get3A = arith.constant 0 : index
    %get3A_0 = arith.constant 0 : index
    %get3A_1 = vector.load %arg0[%get3A, %get3A_0] : memref<8192x22xf32, #tpu.memory_space<vmem>>, vector<8192x22xf32>
    %get3A_2 = arith.constant 0 : index
    %get3A_3 = arith.constant 0 : index
    %get3A_4 = vector.load %arg1[%get3A_2, %get3A_3] : memref<22x128xf32, #tpu.memory_space<vmem>>, vector<22x128xf32>
    %dot_general3A = arith.constant dense<0.000000e+00> : vector<8192x128xf32>
    %dot_general3A_5 = tpu.matmul %get3A_1, %get3A_4, %dot_general3A {dimension_numbers = #tpu.dot_dimension_numbers<[1], [0], [0], [1], [0, 0, 1, 1], [], []>, transpose_lhs_hint = false} : vector<8192x22xf32>, vector<22x128xf32>, vector<8192x128xf32> -> vector<8192x128xf32>
    %get3A_6 = arith.constant 0 : index
    %get3A_7 = arith.constant 0 : index
    %get3A_8 = vector.load %arg2[%get3A_6, %get3A_7] : memref<1x128xf32, #tpu.memory_space<vmem>>, vector<1x128xf32>
    %add3A = vector.broadcast %get3A_8 : vector<1x128xf32> to vector<8192x128xf32>
    %add3A_9 = arith.addf %dot_general3A_5, %add3A : vector<8192x128xf32>
    %get3A_10 = arith.constant 0 : index
    %get3A_11 = arith.constant 0 : index
    %get3A_12 = vector.load %arg3[%get3A_10, %get3A_11] : memref<1x128xf32, #tpu.memory_space<vmem>>, vector<1x128xf32>
    %get3A_13 = arith.constant 0 : index
    %get3A_14 = arith.constant 0 : index
    %get3A_15 = vector.load %arg4[%get3A_13, %get3A_14] : memref<1x128xf32, #tpu.memory_space<vmem>>, vector<1x128xf32>
    %reduce_sum3A = arith.constant dense<0.000000e+00> : vector<128xf32>
    %reduce_sum3A_16 = vector.multi_reduction <add>, %add3A_9, %reduce_sum3A [0] : vector<8192x128xf32> to vector<128xf32>
    %broadcast_in_dim3A = vector.shape_cast %reduce_sum3A_16 : vector<128xf32> to vector<1x128xf32>
    %div3A = arith.constant 8.192000e+03 : f32
    %div3A_17 = vector.broadcast %div3A : f32 to vector<1x128xf32>
    %div3A_18 = arith.divf %broadcast_in_dim3A, %div3A_17 : vector<1x128xf32>
    %sub3A = vector.broadcast %div3A_18 : vector<1x128xf32> to vector<8192x128xf32>
    %sub3A_19 = arith.subf %add3A_9, %sub3A : vector<8192x128xf32>
    %integer_pow3A = arith.mulf %sub3A_19, %sub3A_19 : vector<8192x128xf32>
    %reduce_sum3A_20 = arith.constant dense<0.000000e+00> : vector<128xf32>
    %reduce_sum3A_21 = vector.multi_reduction <add>, %integer_pow3A, %reduce_sum3A_20 [0] : vector<8192x128xf32> to vector<128xf32>
    %broadcast_in_dim3A_22 = vector.shape_cast %reduce_sum3A_21 : vector<128xf32> to vector<1x128xf32>
    %div3A_23 = arith.constant 8.192000e+03 : f32
    %div3A_24 = vector.broadcast %div3A_23 : f32 to vector<1x128xf32>
    %div3A_25 = arith.divf %broadcast_in_dim3A_22, %div3A_24 : vector<1x128xf32>
    %sub3A_26 = vector.broadcast %div3A_18 : vector<1x128xf32> to vector<8192x128xf32>
    %sub3A_27 = arith.subf %add3A_9, %sub3A_26 : vector<8192x128xf32>
    %add3A_28 = arith.constant 9.99999974E-6 : f32
    %add3A_29 = vector.broadcast %add3A_28 : f32 to vector<1x128xf32>
    %add3A_30 = arith.addf %div3A_25, %add3A_29 : vector<1x128xf32>
    %sqrt3A = math.sqrt %add3A_30 : vector<1x128xf32>
    %div3A_31 = vector.broadcast %sqrt3A : vector<1x128xf32> to vector<8192x128xf32>
    %div3A_32 = arith.divf %sub3A_27, %div3A_31 : vector<8192x128xf32>
    %mul3A = vector.broadcast %get3A_12 : vector<1x128xf32> to vector<8192x128xf32>
    %mul3A_33 = arith.mulf %div3A_32, %mul3A : vector<8192x128xf32>
    %add3A_34 = vector.broadcast %get3A_15 : vector<1x128xf32> to vector<8192x128xf32>
    %add3A_35 = arith.addf %mul3A_33, %add3A_34 : vector<8192x128xf32>
    %neg3A = arith.constant 0.000000e+00 : f32
    %neg3A_36 = vector.broadcast %neg3A : f32 to vector<8192x128xf32>
    %neg3A_37 = arith.subf %neg3A_36, %add3A_35 : vector<8192x128xf32>
    %exp3A = math.exp %neg3A_37 : vector<8192x128xf32>
    %add3A_38 = arith.constant 1.000000e+00 : f32
    %add3A_39 = vector.broadcast %add3A_38 : f32 to vector<8192x128xf32>
    %add3A_40 = arith.addf %add3A_39, %exp3A : vector<8192x128xf32>
    %div3A_41 = arith.constant 1.000000e+00 : f32
    %div3A_42 = vector.broadcast %div3A_41 : f32 to vector<8192x128xf32>
    %div3A_43 = arith.divf %div3A_42, %add3A_40 : vector<8192x128xf32>
    %mul3A_44 = arith.mulf %add3A_35, %div3A_43 : vector<8192x128xf32>
    %get3A_45 = arith.constant 0 : index
    %get3A_46 = arith.constant 0 : index
    %get3A_47 = vector.load %arg5[%get3A_45, %get3A_46] : memref<128x256xf32, #tpu.memory_space<vmem>>, vector<128x256xf32>
    %dot_general3A_48 = arith.constant dense<0.000000e+00> : vector<8192x256xf32>
    %dot_general3A_49 = tpu.matmul %mul3A_44, %get3A_47, %dot_general3A_48 {dimension_numbers = #tpu.dot_dimension_numbers<[1], [0], [0], [1], [0, 0, 1, 1], [], []>, transpose_lhs_hint = false} : vector<8192x128xf32>, vector<128x256xf32>, vector<8192x256xf32> -> vector<8192x256xf32>
    %get3A_50 = arith.constant 0 : index
    %get3A_51 = arith.constant 0 : index
    %get3A_52 = vector.load %arg6[%get3A_50, %get3A_51] : memref<1x256xf32, #tpu.memory_space<vmem>>, vector<1x256xf32>
    %add3A_53 = vector.broadcast %get3A_52 : vector<1x256xf32> to vector<8192x256xf32>
    %add3A_54 = arith.addf %dot_general3A_49, %add3A_53 : vector<8192x256xf32>
    %get3A_55 = arith.constant 0 : index
    %get3A_56 = arith.constant 0 : index
    %get3A_57 = vector.load %arg7[%get3A_55, %get3A_56] : memref<1x256xf32, #tpu.memory_space<vmem>>, vector<1x256xf32>
    %get3A_58 = arith.constant 0 : index
    %get3A_59 = arith.constant 0 : index
    %get3A_60 = vector.load %arg8[%get3A_58, %get3A_59] : memref<1x256xf32, #tpu.memory_space<vmem>>, vector<1x256xf32>
    %reduce_sum3A_61 = arith.constant dense<0.000000e+00> : vector<256xf32>
    %reduce_sum3A_62 = vector.multi_reduction <add>, %add3A_54, %reduce_sum3A_61 [0] : vector<8192x256xf32> to vector<256xf32>
    %broadcast_in_dim3A_63 = vector.shape_cast %reduce_sum3A_62 : vector<256xf32> to vector<1x256xf32>
    %div3A_64 = arith.constant 8.192000e+03 : f32
    %div3A_65 = vector.broadcast %div3A_64 : f32 to vector<1x256xf32>
    %div3A_66 = arith.divf %broadcast_in_dim3A_63, %div3A_65 : vector<1x256xf32>
    %sub3A_67 = vector.broadcast %div3A_66 : vector<1x256xf32> to vector<8192x256xf32>
    %sub3A_68 = arith.subf %add3A_54, %sub3A_67 : vector<8192x256xf32>
    %integer_pow3A_69 = arith.mulf %sub3A_68, %sub3A_68 : vector<8192x256xf32>
    %reduce_sum3A_70 = arith.constant dense<0.000000e+00> : vector<256xf32>
    %reduce_sum3A_71 = vector.multi_reduction <add>, %integer_pow3A_69, %reduce_sum3A_70 [0] : vector<8192x256xf32> to vector<256xf32>
    %broadcast_in_dim3A_72 = vector.shape_cast %reduce_sum3A_71 : vector<256xf32> to vector<1x256xf32>
    %div3A_73 = arith.constant 8.192000e+03 : f32
    %div3A_74 = vector.broadcast %div3A_73 : f32 to vector<1x256xf32>
    %div3A_75 = arith.divf %broadcast_in_dim3A_72, %div3A_74 : vector<1x256xf32>
    %sub3A_76 = vector.broadcast %div3A_66 : vector<1x256xf32> to vector<8192x256xf32>
    %sub3A_77 = arith.subf %add3A_54, %sub3A_76 : vector<8192x256xf32>
    %add3A_78 = arith.constant 9.99999974E-6 : f32
    %add3A_79 = vector.broadcast %add3A_78 : f32 to vector<1x256xf32>
    %add3A_80 = arith.addf %div3A_75, %add3A_79 : vector<1x256xf32>
    %sqrt3A_81 = math.sqrt %add3A_80 : vector<1x256xf32>
    %div3A_82 = vector.broadcast %sqrt3A_81 : vector<1x256xf32> to vector<8192x256xf32>
    %div3A_83 = arith.divf %sub3A_77, %div3A_82 : vector<8192x256xf32>
    %mul3A_84 = vector.broadcast %get3A_57 : vector<1x256xf32> to vector<8192x256xf32>
    %mul3A_85 = arith.mulf %div3A_83, %mul3A_84 : vector<8192x256xf32>
    %add3A_86 = vector.broadcast %get3A_60 : vector<1x256xf32> to vector<8192x256xf32>
    %add3A_87 = arith.addf %mul3A_85, %add3A_86 : vector<8192x256xf32>
    %slice3A = vector.extract_strided_slice %add3A_87 {offsets = [0, 0], sizes = [8192, 128], strides = [1, 1]} : vector<8192x256xf32> to vector<8192x128xf32>
    %neg3A_88 = arith.constant 0.000000e+00 : f32
    %neg3A_89 = vector.broadcast %neg3A_88 : f32 to vector<8192x128xf32>
    %neg3A_90 = arith.subf %neg3A_89, %slice3A : vector<8192x128xf32>
    %exp3A_91 = math.exp %neg3A_90 : vector<8192x128xf32>
    %add3A_92 = arith.constant 1.000000e+00 : f32
    %add3A_93 = vector.broadcast %add3A_92 : f32 to vector<8192x128xf32>
    %add3A_94 = arith.addf %add3A_93, %exp3A_91 : vector<8192x128xf32>
    %div3A_95 = arith.constant 1.000000e+00 : f32
    %div3A_96 = vector.broadcast %div3A_95 : f32 to vector<8192x128xf32>
    %div3A_97 = arith.divf %div3A_96, %add3A_94 : vector<8192x128xf32>
    %slice3A_98 = vector.extract_strided_slice %add3A_87 {offsets = [0, 128], sizes = [8192, 128], strides = [1, 1]} : vector<8192x256xf32> to vector<8192x128xf32>
    %max3A = arith.constant 0.000000e+00 : f32
    %max3A_99 = vector.broadcast %max3A : f32 to vector<8192x128xf32>
    %max3A_100 = arith.maximumf %slice3A_98, %max3A_99 : vector<8192x128xf32>
    %abs3A = math.absf %slice3A_98 : vector<8192x128xf32>
    %neg3A_101 = arith.constant 0.000000e+00 : f32
    %neg3A_102 = vector.broadcast %neg3A_101 : f32 to vector<8192x128xf32>
    %neg3A_103 = arith.subf %neg3A_102, %abs3A : vector<8192x128xf32>
    %exp3A_104 = math.exp %neg3A_103 : vector<8192x128xf32>
    %add3A_105 = arith.constant 1.000000e+00 : f32
    %add3A_106 = vector.broadcast %add3A_105 : f32 to vector<8192x128xf32>
    %add3A_107 = arith.addf %add3A_106, %exp3A_104 : vector<8192x128xf32>
    %log3A = math.log %add3A_107 : vector<8192x128xf32>
    %add3A_108 = arith.addf %max3A_100, %log3A : vector<8192x128xf32>
    %mul3A_109 = arith.mulf %div3A_97, %add3A_108 : vector<8192x128xf32>
    %swap3A = arith.constant 0 : index
    %swap3A_110 = arith.constant 0 : index
    %swap3A_111 = vector.load %arg9[%swap3A, %swap3A_110] : memref<8192x128xf32, #tpu.memory_space<vmem>>, vector<8192x128xf32>
    tpu.vector_store %arg9[%swap3A, %swap3A_110], %mul3A_109 {strides = array<i32>} : memref<8192x128xf32, #tpu.memory_space<vmem>>, vector<8192x128xf32>,
    return
  }
}

module attributes {stable_mosaic.version = 14 : i64} {
  func.func @_p1_body(%arg0: i32, %arg1: memref<4096x128xf32, #tpu.memory_space<vmem>>, %arg2: memref<4096x128xf32, #tpu.memory_space<vmem>>, %arg3: memref<256x3xf32, #tpu.memory_space<vmem>>, %arg4: memref<256x3xf32, #tpu.memory_space<vmem>>, %arg5: memref<128x128xf32, #tpu.memory_space<vmem>>, %arg6: memref<16x128xf32, #tpu.memory_space<vmem>>, %arg7: memref<16x128xf32, #tpu.memory_space<vmem>>, %arg8: memref<1x128xf32, #tpu.memory_space<vmem>>, %arg9: memref<4096x128xf32, #tpu.memory_space<vmem>>, %arg10: memref<8x128xf32, #tpu.memory_space<vmem>>) attributes {dimension_semantics = [#tpu.dimension_semantics<arbitrary>], iteration_bounds = array<i64: 32>, scalar_prefetch = 0 : i64, scratch_operands = 0 : i64, tpu.core_type = #tpu.core_type<tc>, window_params = [{transform_indices = @transform_0, window_bounds = array<i64: 4096, 128>}, {transform_indices = @transform_1, window_bounds = array<i64: 4096, 128>}, {transform_indices = @transform_2, window_bounds = array<i64: 256, 3>}, {transform_indices = @transform_3, window_bounds = array<i64: 256, 3>}, {pipeline_mode = #tpu.pipeline_mode<synchronous>, transform_indices = @transform_4, window_bounds = array<i64: 128, 128>}, {pipeline_mode = #tpu.pipeline_mode<synchronous>, transform_indices = @transform_5, window_bounds = array<i64: 16, 128>}, {pipeline_mode = #tpu.pipeline_mode<synchronous>, transform_indices = @transform_6, window_bounds = array<i64: 16, 128>}, {pipeline_mode = #tpu.pipeline_mode<synchronous>, transform_indices = @transform_7, window_bounds = array<i64: 1, 128>}, {transform_indices = @transform_8, window_bounds = array<i64: 4096, 128>}, {pipeline_mode = #tpu.pipeline_mode<synchronous>, transform_indices = @transform_9, window_bounds = array<i64: 8, 128>}]} {
    %get3A = arith.constant 0 : index
    %get3A_0 = arith.constant 0 : index
    %get3A_1 = vector.load %arg1[%get3A, %get3A_0] : memref<4096x128xf32, #tpu.memory_space<vmem>>, vector<4096x128xf32>
    %get3A_2 = arith.constant 0 : index
    %get3A_3 = arith.constant 0 : index
    %get3A_4 = vector.load %arg2[%get3A_2, %get3A_3] : memref<4096x128xf32, #tpu.memory_space<vmem>>, vector<4096x128xf32>
    %slice3A = vector.extract_strided_slice %get3A_4 {offsets = [0, 0], sizes = [4096, 3], strides = [1, 1]} : vector<4096x128xf32> to vector<4096x3xf32>
    %iota3A = tpu.iota {dimensions = array<i32: 0>} : vector<4096x256xi32>
    %jit3A = arith.constant 16 : i32
    %div3A = vector.broadcast %jit3A : i32 to vector<4096x256xi32>
    %div3A_5 = arith.divsi %iota3A, %div3A : vector<4096x256xi32>
    %sign3A = arith.constant 0 : i32
    %sign3A_6 = vector.broadcast %sign3A : i32 to vector<4096x256xi32>
    %sign3A_7 = arith.cmpi sgt, %iota3A, %sign3A_6 : vector<4096x256xi32>
    %sign3A_8 = arith.extui %sign3A_7 : vector<4096x256xi1> to vector<4096x256xi32>
    %sign3A_9 = arith.constant 0 : i32
    %sign3A_10 = vector.broadcast %sign3A_9 : i32 to vector<4096x256xi32>
    %sign3A_11 = arith.cmpi slt, %iota3A, %sign3A_10 : vector<4096x256xi32>
    %sign3A_12 = arith.extui %sign3A_11 : vector<4096x256xi1> to vector<4096x256xi32>
    %sign3A_13 = arith.subi %sign3A_8, %sign3A_12 : vector<4096x256xi32>
    %sign3A_14 = arith.constant 0 : i32
    %sign3A_15 = arith.cmpi sgt, %jit3A, %sign3A_14 : i32
    %sign3A_16 = arith.extui %sign3A_15 : i1 to i32
    %sign3A_17 = arith.constant 0 : i32
    %sign3A_18 = arith.cmpi slt, %jit3A, %sign3A_17 : i32
    %sign3A_19 = arith.extui %sign3A_18 : i1 to i32
    %sign3A_20 = arith.subi %sign3A_16, %sign3A_19 : i32
    %ne3A = vector.broadcast %sign3A_20 : i32 to vector<4096x256xi32>
    %ne3A_21 = arith.cmpi ne, %sign3A_13, %ne3A : vector<4096x256xi32>
    %rem3A = vector.broadcast %jit3A : i32 to vector<4096x256xi32>
    %rem3A_22 = arith.remsi %iota3A, %rem3A : vector<4096x256xi32>
    %ne3A_23 = arith.constant 0 : i32
    %ne3A_24 = vector.broadcast %ne3A_23 : i32 to vector<4096x256xi32>
    %ne3A_25 = arith.cmpi ne, %rem3A_22, %ne3A_24 : vector<4096x256xi32>
    %and3A = arith.andi %ne3A_21, %ne3A_25 : vector<4096x256xi1>
    %sub3A = arith.constant 1 : i32
    %sub3A_26 = vector.broadcast %sub3A : i32 to vector<4096x256xi32>
    %sub3A_27 = arith.subi %div3A_5, %sub3A_26 : vector<4096x256xi32>
    %select_n3A = arith.select %and3A, %sub3A_27, %div3A_5 : vector<4096x256xi1>, vector<4096x256xi32>
    %iota3A_28 = tpu.iota {dimensions = array<i32: 1>} : vector<4096x256xi32>
    %eq3A = arith.cmpi eq, %select_n3A, %iota3A_28 : vector<4096x256xi32>
    %convert_element_type3A = arith.extui %eq3A : vector<4096x256xi1> to vector<4096x256xi32>
    %convert_element_type3A_29 = arith.sitofp %convert_element_type3A : vector<4096x256xi32> to vector<4096x256xf32>
    %get3A_30 = arith.constant 0 : index
    %get3A_31 = arith.constant 0 : index
    %get3A_32 = vector.load %arg3[%get3A_30, %get3A_31] : memref<256x3xf32, #tpu.memory_space<vmem>>, vector<256x3xf32>
    %dot_general3A = arith.constant dense<0.000000e+00> : vector<4096x3xf32>
    %dot_general3A_33 = tpu.matmul %convert_element_type3A_29, %get3A_32, %dot_general3A {dimension_numbers = #tpu.dot_dimension_numbers<[1], [0], [0], [1], [0, 0, 1, 1], [], []>, precision = #tpu.contract_precision<fp32>, transpose_lhs_hint = false} : vector<4096x256xf32>, vector<256x3xf32>, vector<4096x3xf32> -> vector<4096x3xf32>
    %get3A_34 = arith.constant 0 : index
    %get3A_35 = arith.constant 0 : index
    %get3A_36 = vector.load %arg4[%get3A_34, %get3A_35] : memref<256x3xf32, #tpu.memory_space<vmem>>, vector<256x3xf32>
    %dot_general3A_37 = arith.constant dense<0.000000e+00> : vector<4096x3xf32>
    %dot_general3A_38 = tpu.matmul %convert_element_type3A_29, %get3A_36, %dot_general3A_37 {dimension_numbers = #tpu.dot_dimension_numbers<[1], [0], [0], [1], [0, 0, 1, 1], [], []>, precision = #tpu.contract_precision<fp32>, transpose_lhs_hint = false} : vector<4096x256xf32>, vector<256x3xf32>, vector<4096x3xf32> -> vector<4096x3xf32>
    %sub3A_39 = arith.subf %slice3A, %dot_general3A_33 : vector<4096x3xf32>
    %slice3A_40 = vector.extract_strided_slice %sub3A_39 {offsets = [0, 0], sizes = [4096, 1], strides = [1, 1]} : vector<4096x3xf32> to vector<4096x1xf32>
    %slice3A_41 = vector.extract_strided_slice %sub3A_39 {offsets = [0, 0], sizes = [4096, 1], strides = [1, 1]} : vector<4096x3xf32> to vector<4096x1xf32>
    %mul3A = arith.mulf %slice3A_40, %slice3A_41 : vector<4096x1xf32>
    %slice3A_42 = vector.extract_strided_slice %sub3A_39 {offsets = [0, 1], sizes = [4096, 1], strides = [1, 1]} : vector<4096x3xf32> to vector<4096x1xf32>
    %slice3A_43 = vector.extract_strided_slice %sub3A_39 {offsets = [0, 1], sizes = [4096, 1], strides = [1, 1]} : vector<4096x3xf32> to vector<4096x1xf32>
    %mul3A_44 = arith.mulf %slice3A_42, %slice3A_43 : vector<4096x1xf32>
    %add3A = arith.addf %mul3A, %mul3A_44 : vector<4096x1xf32>
    %slice3A_45 = vector.extract_strided_slice %sub3A_39 {offsets = [0, 2], sizes = [4096, 1], strides = [1, 1]} : vector<4096x3xf32> to vector<4096x1xf32>
    %slice3A_46 = vector.extract_strided_slice %sub3A_39 {offsets = [0, 2], sizes = [4096, 1], strides = [1, 1]} : vector<4096x3xf32> to vector<4096x1xf32>
    %mul3A_47 = arith.mulf %slice3A_45, %slice3A_46 : vector<4096x1xf32>
    %add3A_48 = arith.addf %add3A, %mul3A_47 : vector<4096x1xf32>
    %sqrt3A = math.sqrt %add3A_48 : vector<4096x1xf32>
    %div3A_49 = vector.broadcast %sqrt3A : vector<4096x1xf32> to vector<4096x3xf32>
    %div3A_50 = arith.divf %sub3A_39, %div3A_49 : vector<4096x3xf32>
    %slice3A_51 = vector.extract_strided_slice %div3A_50 {offsets = [0, 0], sizes = [4096, 1], strides = [1, 1]} : vector<4096x3xf32> to vector<4096x1xf32>
    %slice3A_52 = vector.extract_strided_slice %dot_general3A_38 {offsets = [0, 0], sizes = [4096, 1], strides = [1, 1]} : vector<4096x3xf32> to vector<4096x1xf32>
    %mul3A_53 = arith.mulf %slice3A_51, %slice3A_52 : vector<4096x1xf32>
    %slice3A_54 = vector.extract_strided_slice %div3A_50 {offsets = [0, 1], sizes = [4096, 1], strides = [1, 1]} : vector<4096x3xf32> to vector<4096x1xf32>
    %slice3A_55 = vector.extract_strided_slice %dot_general3A_38 {offsets = [0, 1], sizes = [4096, 1], strides = [1, 1]} : vector<4096x3xf32> to vector<4096x1xf32>
    %mul3A_56 = arith.mulf %slice3A_54, %slice3A_55 : vector<4096x1xf32>
    %add3A_57 = arith.addf %mul3A_53, %mul3A_56 : vector<4096x1xf32>
    %slice3A_58 = vector.extract_strided_slice %div3A_50 {offsets = [0, 2], sizes = [4096, 1], strides = [1, 1]} : vector<4096x3xf32> to vector<4096x1xf32>
    %slice3A_59 = vector.extract_strided_slice %dot_general3A_38 {offsets = [0, 2], sizes = [4096, 1], strides = [1, 1]} : vector<4096x3xf32> to vector<4096x1xf32>
    %mul3A_60 = arith.mulf %slice3A_58, %slice3A_59 : vector<4096x1xf32>
    %add3A_61 = arith.addf %add3A_57, %mul3A_60 : vector<4096x1xf32>
    %iota3A_62 = tpu.iota {dimensions = array<i32: 1>} : vector<4096x16xi32>
    %convert_element_type3A_63 = arith.sitofp %iota3A_62 : vector<4096x16xi32> to vector<4096x16xf32>
    %mul3A_64 = arith.constant 0.533333361 : f32
    %mul3A_65 = vector.broadcast %mul3A_64 : f32 to vector<4096x16xf32>
    %mul3A_66 = arith.mulf %convert_element_type3A_63, %mul3A_65 : vector<4096x16xf32>
    %mul3A_67 = arith.constant 0.13333334 : f32
    %mul3A_68 = vector.broadcast %mul3A_67 : f32 to vector<4096x16xf32>
    %mul3A_69 = arith.mulf %convert_element_type3A_63, %mul3A_68 : vector<4096x16xf32>
    %sub3A_70 = arith.constant 1.000000e+00 : f32
    %sub3A_71 = vector.broadcast %sub3A_70 : f32 to vector<4096x16xf32>
    %sub3A_72 = arith.subf %mul3A_69, %sub3A_71 : vector<4096x16xf32>
    %sub3A_73 = vector.broadcast %sqrt3A : vector<4096x1xf32> to vector<4096x16xf32>
    %sub3A_74 = arith.subf %sub3A_73, %mul3A_66 : vector<4096x16xf32>
    %div3A_75 = arith.constant 5.000000e-01 : f32
    %div3A_76 = vector.broadcast %div3A_75 : f32 to vector<4096x16xf32>
    %div3A_77 = arith.divf %sub3A_74, %div3A_76 : vector<4096x16xf32>
    %integer_pow3A = arith.mulf %div3A_77, %div3A_77 : vector<4096x16xf32>
    %neg3A = arith.constant 0.000000e+00 : f32
    %neg3A_78 = vector.broadcast %neg3A : f32 to vector<4096x16xf32>
    %neg3A_79 = arith.subf %neg3A_78, %integer_pow3A : vector<4096x16xf32>
    %exp3A = math.exp %neg3A_79 : vector<4096x16xf32>
    %sub3A_80 = vector.broadcast %add3A_61 : vector<4096x1xf32> to vector<4096x16xf32>
    %sub3A_81 = arith.subf %sub3A_80, %sub3A_72 : vector<4096x16xf32>
    %div3A_82 = arith.constant 1.250000e-01 : f32
    %div3A_83 = vector.broadcast %div3A_82 : f32 to vector<4096x16xf32>
    %div3A_84 = arith.divf %sub3A_81, %div3A_83 : vector<4096x16xf32>
    %integer_pow3A_85 = arith.mulf %div3A_84, %div3A_84 : vector<4096x16xf32>
    %neg3A_86 = arith.constant 0.000000e+00 : f32
    %neg3A_87 = vector.broadcast %neg3A_86 : f32 to vector<4096x16xf32>
    %neg3A_88 = arith.subf %neg3A_87, %integer_pow3A_85 : vector<4096x16xf32>
    %exp3A_89 = math.exp %neg3A_88 : vector<4096x16xf32>
    %get3A_90 = arith.constant 0 : index
    %get3A_91 = arith.constant 0 : index
    %get3A_92 = vector.load %arg5[%get3A_90, %get3A_91] : memref<128x128xf32, #tpu.memory_space<vmem>>, vector<128x128xf32>
    %dot_general3A_93 = arith.constant dense<0.000000e+00> : vector<4096x128xf32>
    %dot_general3A_94 = tpu.matmul %get3A_1, %get3A_92, %dot_general3A_93 {dimension_numbers = #tpu.dot_dimension_numbers<[1], [0], [0], [1], [0, 0, 1, 1], [], []>, transpose_lhs_hint = false} : vector<4096x128xf32>, vector<128x128xf32>, vector<4096x128xf32> -> vector<4096x128xf32>
    %get3A_95 = arith.constant 0 : index
    %get3A_96 = arith.constant 0 : index
    %get3A_97 = vector.load %arg6[%get3A_95, %get3A_96] : memref<16x128xf32, #tpu.memory_space<vmem>>, vector<16x128xf32>
    %dot_general3A_98 = arith.constant dense<0.000000e+00> : vector<4096x128xf32>
    %dot_general3A_99 = tpu.matmul %exp3A, %get3A_97, %dot_general3A_98 {dimension_numbers = #tpu.dot_dimension_numbers<[1], [0], [0], [1], [0, 0, 1, 1], [], []>, transpose_lhs_hint = false} : vector<4096x16xf32>, vector<16x128xf32>, vector<4096x128xf32> -> vector<4096x128xf32>
    %add3A_100 = arith.addf %dot_general3A_94, %dot_general3A_99 : vector<4096x128xf32>
    %get3A_101 = arith.constant 0 : index
    %get3A_102 = arith.constant 0 : index
    %get3A_103 = vector.load %arg7[%get3A_101, %get3A_102] : memref<16x128xf32, #tpu.memory_space<vmem>>, vector<16x128xf32>
    %dot_general3A_104 = arith.constant dense<0.000000e+00> : vector<4096x128xf32>
    %dot_general3A_105 = tpu.matmul %exp3A_89, %get3A_103, %dot_general3A_104 {dimension_numbers = #tpu.dot_dimension_numbers<[1], [0], [0], [1], [0, 0, 1, 1], [], []>, transpose_lhs_hint = false} : vector<4096x16xf32>, vector<16x128xf32>, vector<4096x128xf32> -> vector<4096x128xf32>
    %add3A_106 = arith.addf %add3A_100, %dot_general3A_105 : vector<4096x128xf32>
    %get3A_107 = arith.constant 0 : index
    %get3A_108 = arith.constant 0 : index
    %get3A_109 = vector.load %arg8[%get3A_107, %get3A_108] : memref<1x128xf32, #tpu.memory_space<vmem>>, vector<1x128xf32>
    %add3A_110 = vector.broadcast %get3A_109 : vector<1x128xf32> to vector<4096x128xf32>
    %add3A_111 = arith.addf %add3A_106, %add3A_110 : vector<4096x128xf32>
    %swap3A = arith.constant 0 : index
    %swap3A_112 = arith.constant 0 : index
    %swap3A_113 = vector.load %arg9[%swap3A, %swap3A_112] : memref<4096x128xf32, #tpu.memory_space<vmem>>, vector<4096x128xf32>
    tpu.vector_store %arg9[%swap3A, %swap3A_112], %add3A_111 {strides = array<i32>} : memref<4096x128xf32, #tpu.memory_space<vmem>>, vector<4096x128xf32>,
    %eq3A_114 = arith.constant 0 : i32
    %eq3A_115 = arith.cmpi eq, %arg0, %eq3A_114 : i32
    %convert_element_type3A_116 = arith.extui %eq3A_115 : i1 to i32
    %cond3A = arith.constant 0 : i32
    %cond3A_117 = arith.cmpi ne, %convert_element_type3A_116, %cond3A : i32
    scf.if %cond3A_117 {
      %broadcast_in_dim3A_137 = arith.constant 0.000000e+00 : f32
      %broadcast_in_dim3A_138 = vector.broadcast %broadcast_in_dim3A_137 : f32 to vector<8x128xf32>
      %swap3A_139 = arith.constant 0 : index
      %swap3A_140 = arith.constant 0 : index
      %swap3A_141 = vector.load %arg10[%swap3A_139, %swap3A_140] : memref<8x128xf32, #tpu.memory_space<vmem>>, vector<8x128xf32>
      tpu.vector_store %arg10[%swap3A_139, %swap3A_140], %broadcast_in_dim3A_138 {strides = array<i32>} : memref<8x128xf32, #tpu.memory_space<vmem>>, vector<8x128xf32>,
    } else {
    }
    %get3A_118 = arith.constant 0 : index
    %get3A_119 = arith.constant 0 : index
    %get3A_120 = vector.load %arg10[%get3A_118, %get3A_119] : memref<8x128xf32, #tpu.memory_space<vmem>>, vector<1x128xf32>
    %reduce_sum3A = arith.constant dense<0.000000e+00> : vector<128xf32>
    %reduce_sum3A_121 = vector.multi_reduction <add>, %add3A_111, %reduce_sum3A [0] : vector<4096x128xf32> to vector<128xf32>
    %broadcast_in_dim3A = vector.shape_cast %reduce_sum3A_121 : vector<128xf32> to vector<1x128xf32>
    %add3A_122 = arith.addf %get3A_120, %broadcast_in_dim3A : vector<1x128xf32>
    %swap3A_123 = arith.constant 0 : index
    %swap3A_124 = arith.constant 0 : index
    %swap3A_125 = vector.load %arg10[%swap3A_123, %swap3A_124] : memref<8x128xf32, #tpu.memory_space<vmem>>, vector<1x128xf32>
    tpu.vector_store %arg10[%swap3A_123, %swap3A_124], %add3A_122 {strides = array<i32>} : memref<8x128xf32, #tpu.memory_space<vmem>>, vector<1x128xf32>,
    %get3A_126 = arith.constant 1 : index
    %get3A_127 = arith.constant 0 : index
    %get3A_128 = vector.load %arg10[%get3A_126, %get3A_127] : memref<8x128xf32, #tpu.memory_space<vmem>>, vector<1x128xf32>
    %mul3A_129 = arith.mulf %add3A_111, %add3A_111 : vector<4096x128xf32>
    %reduce_sum3A_130 = arith.constant dense<0.000000e+00> : vector<128xf32>
    %reduce_sum3A_131 = vector.multi_reduction <add>, %mul3A_129, %reduce_sum3A_130 [0] : vector<4096x128xf32> to vector<128xf32>
    %broadcast_in_dim3A_132 = vector.shape_cast %reduce_sum3A_131 : vector<128xf32> to vector<1x128xf32>
    %add3A_133 = arith.addf %get3A_128, %broadcast_in_dim3A_132 : vector<1x128xf32>
    %swap3A_134 = arith.constant 1 : index
    %swap3A_135 = arith.constant 0 : index
    %swap3A_136 = vector.load %arg10[%swap3A_134, %swap3A_135] : memref<8x128xf32, #tpu.memory_space<vmem>>, vector<1x128xf32>
    tpu.vector_store %arg10[%swap3A_134, %swap3A_135], %add3A_133 {strides = array<i32>} : memref<8x128xf32, #tpu.memory_space<vmem>>, vector<1x128xf32>,
    return
  }
  func.func @transform_0(%arg0: i32) -> (i32, i32) {
    %c0_i32 = arith.constant 0 : i32
    %c0_i32_0 = arith.constant 0 : i32
    return %arg0, %c0_i32 : i32, i32
  }
  func.func @transform_1(%arg0: i32) -> (i32, i32) {
    %c0_i32 = arith.constant 0 : i32
    %c0_i32_0 = arith.constant 0 : i32
    return %arg0, %c0_i32 : i32, i32
  }
  func.func @transform_2(%arg0: i32) -> (i32, i32) {
    %c0_i32 = arith.constant 0 : i32
    %c0_i32_0 = arith.constant 0 : i32
    return %arg0, %c0_i32 : i32, i32
  }
  func.func @transform_3(%arg0: i32) -> (i32, i32) {
    %c0_i32 = arith.constant 0 : i32
    %c0_i32_0 = arith.constant 0 : i32
    return %arg0, %c0_i32 : i32, i32
  }
  func.func @transform_4(%arg0: i32) -> (i32, i32) {
    %c0_i32 = arith.constant 0 : i32
    %c0_i32_0 = arith.constant 0 : i32
    %c0_i32_1 = arith.constant 0 : i32
    return %c0_i32, %c0_i32_0 : i32, i32
  }
  func.func @transform_5(%arg0: i32) -> (i32, i32) {
    %c0_i32 = arith.constant 0 : i32
    %c0_i32_0 = arith.constant 0 : i32
    %c0_i32_1 = arith.constant 0 : i32
    return %c0_i32, %c0_i32_0 : i32, i32
  }
  func.func @transform_6(%arg0: i32) -> (i32, i32) {
    %c0_i32 = arith.constant 0 : i32
    %c0_i32_0 = arith.constant 0 : i32
    %c0_i32_1 = arith.constant 0 : i32
    return %c0_i32, %c0_i32_0 : i32, i32
  }
  func.func @transform_7(%arg0: i32) -> (i32, i32) {
    %c0_i32 = arith.constant 0 : i32
    %c0_i32_0 = arith.constant 0 : i32
    %c0_i32_1 = arith.constant 0 : i32
    return %c0_i32, %c0_i32_0 : i32, i32
  }
  func.func @transform_8(%arg0: i32) -> (i32, i32) {
    %c0_i32 = arith.constant 0 : i32
    %c0_i32_0 = arith.constant 0 : i32
    return %arg0, %c0_i32 : i32, i32
  }
  func.func @transform_9(%arg0: i32) -> (i32, i32) {
    %c0_i32 = arith.constant 0 : i32
    %c0_i32_0 = arith.constant 0 : i32
    %c0_i32_1 = arith.constant 0 : i32
    return %c0_i32, %c0_i32_0 : i32, i32
  }
}

module attributes {stable_mosaic.version = 14 : i64} {
  func.func @_p2_body(%arg0: i32, %arg1: memref<4096x128xf32, #tpu.memory_space<vmem>>, %arg2: memref<8x128xf32, #tpu.memory_space<vmem>>, %arg3: memref<1x128xf32, #tpu.memory_space<vmem>>, %arg4: memref<1x128xf32, #tpu.memory_space<vmem>>, %arg5: memref<128x256xf32, #tpu.memory_space<vmem>>, %arg6: memref<1x256xf32, #tpu.memory_space<vmem>>, %arg7: memref<8x256xf32, #tpu.memory_space<vmem>>) attributes {dimension_semantics = [#tpu.dimension_semantics<arbitrary>], iteration_bounds = array<i64: 32>, scalar_prefetch = 0 : i64, scratch_operands = 0 : i64, tpu.core_type = #tpu.core_type<tc>, window_params = [{transform_indices = @transform_0, window_bounds = array<i64: 4096, 128>}, {pipeline_mode = #tpu.pipeline_mode<synchronous>, transform_indices = @transform_1, window_bounds = array<i64: 8, 128>}, {pipeline_mode = #tpu.pipeline_mode<synchronous>, transform_indices = @transform_2, window_bounds = array<i64: 1, 128>}, {pipeline_mode = #tpu.pipeline_mode<synchronous>, transform_indices = @transform_3, window_bounds = array<i64: 1, 128>}, {pipeline_mode = #tpu.pipeline_mode<synchronous>, transform_indices = @transform_4, window_bounds = array<i64: 128, 256>}, {pipeline_mode = #tpu.pipeline_mode<synchronous>, transform_indices = @transform_5, window_bounds = array<i64: 1, 256>}, {pipeline_mode = #tpu.pipeline_mode<synchronous>, transform_indices = @transform_6, window_bounds = array<i64: 8, 256>}]} {
    %get3A = arith.constant 0 : index
    %get3A_0 = arith.constant 0 : index
    %get3A_1 = vector.load %arg2[%get3A, %get3A_0] : memref<8x128xf32, #tpu.memory_space<vmem>>, vector<1x128xf32>
    %div3A = arith.constant 1.310720e+05 : f32
    %div3A_2 = vector.broadcast %div3A : f32 to vector<1x128xf32>
    %div3A_3 = arith.divf %get3A_1, %div3A_2 : vector<1x128xf32>
    %get3A_4 = arith.constant 1 : index
    %get3A_5 = arith.constant 0 : index
    %get3A_6 = vector.load %arg2[%get3A_4, %get3A_5] : memref<8x128xf32, #tpu.memory_space<vmem>>, vector<1x128xf32>
    %div3A_7 = arith.constant 1.310720e+05 : f32
    %div3A_8 = vector.broadcast %div3A_7 : f32 to vector<1x128xf32>
    %div3A_9 = arith.divf %get3A_6, %div3A_8 : vector<1x128xf32>
    %mul3A = arith.mulf %div3A_3, %div3A_3 : vector<1x128xf32>
    %sub3A = arith.subf %div3A_9, %mul3A : vector<1x128xf32>
    %get3A_10 = arith.constant 0 : index
    %get3A_11 = arith.constant 0 : index
    %get3A_12 = vector.load %arg1[%get3A_10, %get3A_11] : memref<4096x128xf32, #tpu.memory_space<vmem>>, vector<4096x128xf32>
    %sub3A_13 = vector.broadcast %div3A_3 : vector<1x128xf32> to vector<4096x128xf32>
    %sub3A_14 = arith.subf %get3A_12, %sub3A_13 : vector<4096x128xf32>
    %add3A = arith.constant 9.99999974E-6 : f32
    %add3A_15 = vector.broadcast %add3A : f32 to vector<1x128xf32>
    %add3A_16 = arith.addf %sub3A, %add3A_15 : vector<1x128xf32>
    %sqrt3A = math.sqrt %add3A_16 : vector<1x128xf32>
    %div3A_17 = vector.broadcast %sqrt3A : vector<1x128xf32> to vector<4096x128xf32>
    %div3A_18 = arith.divf %sub3A_14, %div3A_17 : vector<4096x128xf32>
    %get3A_19 = arith.constant 0 : index
    %get3A_20 = arith.constant 0 : index
    %get3A_21 = vector.load %arg3[%get3A_19, %get3A_20] : memref<1x128xf32, #tpu.memory_space<vmem>>, vector<1x128xf32>
    %mul3A_22 = vector.broadcast %get3A_21 : vector<1x128xf32> to vector<4096x128xf32>
    %mul3A_23 = arith.mulf %div3A_18, %mul3A_22 : vector<4096x128xf32>
    %get3A_24 = arith.constant 0 : index
    %get3A_25 = arith.constant 0 : index
    %get3A_26 = vector.load %arg4[%get3A_24, %get3A_25] : memref<1x128xf32, #tpu.memory_space<vmem>>, vector<1x128xf32>
    %add3A_27 = vector.broadcast %get3A_26 : vector<1x128xf32> to vector<4096x128xf32>
    %add3A_28 = arith.addf %mul3A_23, %add3A_27 : vector<4096x128xf32>
    %neg3A = arith.constant 0.000000e+00 : f32
    %neg3A_29 = vector.broadcast %neg3A : f32 to vector<4096x128xf32>
    %neg3A_30 = arith.subf %neg3A_29, %add3A_28 : vector<4096x128xf32>
    %exp3A = math.exp %neg3A_30 : vector<4096x128xf32>
    %add3A_31 = arith.constant 1.000000e+00 : f32
    %add3A_32 = vector.broadcast %add3A_31 : f32 to vector<4096x128xf32>
    %add3A_33 = arith.addf %add3A_32, %exp3A : vector<4096x128xf32>
    %div3A_34 = arith.constant 1.000000e+00 : f32
    %div3A_35 = vector.broadcast %div3A_34 : f32 to vector<4096x128xf32>
    %div3A_36 = arith.divf %div3A_35, %add3A_33 : vector<4096x128xf32>
    %mul3A_37 = arith.mulf %add3A_28, %div3A_36 : vector<4096x128xf32>
    %get3A_38 = arith.constant 0 : index
    %get3A_39 = arith.constant 0 : index
    %get3A_40 = vector.load %arg5[%get3A_38, %get3A_39] : memref<128x256xf32, #tpu.memory_space<vmem>>, vector<128x256xf32>
    %dot_general3A = arith.constant dense<0.000000e+00> : vector<4096x256xf32>
    %dot_general3A_41 = tpu.matmul %mul3A_37, %get3A_40, %dot_general3A {dimension_numbers = #tpu.dot_dimension_numbers<[1], [0], [0], [1], [0, 0, 1, 1], [], []>, transpose_lhs_hint = false} : vector<4096x128xf32>, vector<128x256xf32>, vector<4096x256xf32> -> vector<4096x256xf32>
    %get3A_42 = arith.constant 0 : index
    %get3A_43 = arith.constant 0 : index
    %get3A_44 = vector.load %arg6[%get3A_42, %get3A_43] : memref<1x256xf32, #tpu.memory_space<vmem>>, vector<1x256xf32>
    %add3A_45 = vector.broadcast %get3A_44 : vector<1x256xf32> to vector<4096x256xf32>
    %add3A_46 = arith.addf %dot_general3A_41, %add3A_45 : vector<4096x256xf32>
    %eq3A = arith.constant 0 : i32
    %eq3A_47 = arith.cmpi eq, %arg0, %eq3A : i32
    %convert_element_type3A = arith.extui %eq3A_47 : i1 to i32
    %cond3A = arith.constant 0 : i32
    %cond3A_48 = arith.cmpi ne, %convert_element_type3A, %cond3A : i32
    scf.if %cond3A_48 {
      %broadcast_in_dim3A_67 = arith.constant 0.000000e+00 : f32
      %broadcast_in_dim3A_68 = vector.broadcast %broadcast_in_dim3A_67 : f32 to vector<8x256xf32>
      %swap3A_69 = arith.constant 0 : index
      %swap3A_70 = arith.constant 0 : index
      %swap3A_71 = vector.load %arg7[%swap3A_69, %swap3A_70] : memref<8x256xf32, #tpu.memory_space<vmem>>, vector<8x256xf32>
      tpu.vector_store %arg7[%swap3A_69, %swap3A_70], %broadcast_in_dim3A_68 {strides = array<i32>} : memref<8x256xf32, #tpu.memory_space<vmem>>, vector<8x256xf32>,
    } else {
    }
    %get3A_49 = arith.constant 0 : index
    %get3A_50 = arith.constant 0 : index
    %get3A_51 = vector.load %arg7[%get3A_49, %get3A_50] : memref<8x256xf32, #tpu.memory_space<vmem>>, vector<1x256xf32>
    %reduce_sum3A = arith.constant dense<0.000000e+00> : vector<256xf32>
    %reduce_sum3A_52 = vector.multi_reduction <add>, %add3A_46, %reduce_sum3A [0] : vector<4096x256xf32> to vector<256xf32>
    %broadcast_in_dim3A = vector.shape_cast %reduce_sum3A_52 : vector<256xf32> to vector<1x256xf32>
    %add3A_53 = arith.addf %get3A_51, %broadcast_in_dim3A : vector<1x256xf32>
    %swap3A = arith.constant 0 : index
    %swap3A_54 = arith.constant 0 : index
    %swap3A_55 = vector.load %arg7[%swap3A, %swap3A_54] : memref<8x256xf32, #tpu.memory_space<vmem>>, vector<1x256xf32>
    tpu.vector_store %arg7[%swap3A, %swap3A_54], %add3A_53 {strides = array<i32>} : memref<8x256xf32, #tpu.memory_space<vmem>>, vector<1x256xf32>,
    %get3A_56 = arith.constant 1 : index
    %get3A_57 = arith.constant 0 : index
    %get3A_58 = vector.load %arg7[%get3A_56, %get3A_57] : memref<8x256xf32, #tpu.memory_space<vmem>>, vector<1x256xf32>
    %mul3A_59 = arith.mulf %add3A_46, %add3A_46 : vector<4096x256xf32>
    %reduce_sum3A_60 = arith.constant dense<0.000000e+00> : vector<256xf32>
    %reduce_sum3A_61 = vector.multi_reduction <add>, %mul3A_59, %reduce_sum3A_60 [0] : vector<4096x256xf32> to vector<256xf32>
    %broadcast_in_dim3A_62 = vector.shape_cast %reduce_sum3A_61 : vector<256xf32> to vector<1x256xf32>
    %add3A_63 = arith.addf %get3A_58, %broadcast_in_dim3A_62 : vector<1x256xf32>
    %swap3A_64 = arith.constant 1 : index
    %swap3A_65 = arith.constant 0 : index
    %swap3A_66 = vector.load %arg7[%swap3A_64, %swap3A_65] : memref<8x256xf32, #tpu.memory_space<vmem>>, vector<1x256xf32>
    tpu.vector_store %arg7[%swap3A_64, %swap3A_65], %add3A_63 {strides = array<i32>} : memref<8x256xf32, #tpu.memory_space<vmem>>, vector<1x256xf32>,
    return
  }
  func.func @transform_0(%arg0: i32) -> (i32, i32) {
    %c0_i32 = arith.constant 0 : i32
    %c0_i32_0 = arith.constant 0 : i32
    return %arg0, %c0_i32 : i32, i32
  }
  func.func @transform_1(%arg0: i32) -> (i32, i32) {
    %c0_i32 = arith.constant 0 : i32
    %c0_i32_0 = arith.constant 0 : i32
    %c0_i32_1 = arith.constant 0 : i32
    return %c0_i32, %c0_i32_0 : i32, i32
  }
  func.func @transform_2(%arg0: i32) -> (i32, i32) {
    %c0_i32 = arith.constant 0 : i32
    %c0_i32_0 = arith.constant 0 : i32
    %c0_i32_1 = arith.constant 0 : i32
    return %c0_i32, %c0_i32_0 : i32, i32
  }
  func.func @transform_3(%arg0: i32) -> (i32, i32) {
    %c0_i32 = arith.constant 0 : i32
    %c0_i32_0 = arith.constant 0 : i32
    %c0_i32_1 = arith.constant 0 : i32
    return %c0_i32, %c0_i32_0 : i32, i32
  }
  func.func @transform_4(%arg0: i32) -> (i32, i32) {
    %c0_i32 = arith.constant 0 : i32
    %c0_i32_0 = arith.constant 0 : i32
    %c0_i32_1 = arith.constant 0 : i32
    return %c0_i32, %c0_i32_0 : i32, i32
  }
  func.func @transform_5(%arg0: i32) -> (i32, i32) {
    %c0_i32 = arith.constant 0 : i32
    %c0_i32_0 = arith.constant 0 : i32
    %c0_i32_1 = arith.constant 0 : i32
    return %c0_i32, %c0_i32_0 : i32, i32
  }
  func.func @transform_6(%arg0: i32) -> (i32, i32) {
    %c0_i32 = arith.constant 0 : i32
    %c0_i32_0 = arith.constant 0 : i32
    %c0_i32_1 = arith.constant 0 : i32
    return %c0_i32, %c0_i32_0 : i32, i32
  }
}

module attributes {stable_mosaic.version = 14 : i64} {
  func.func @_p3_body(%arg0: i32, %arg1: memref<4096x128xf32, #tpu.memory_space<vmem>>, %arg2: memref<8x128xf32, #tpu.memory_space<vmem>>, %arg3: memref<8x256xf32, #tpu.memory_space<vmem>>, %arg4: memref<1x128xf32, #tpu.memory_space<vmem>>, %arg5: memref<1x128xf32, #tpu.memory_space<vmem>>, %arg6: memref<128x256xf32, #tpu.memory_space<vmem>>, %arg7: memref<1x256xf32, #tpu.memory_space<vmem>>, %arg8: memref<1x256xf32, #tpu.memory_space<vmem>>, %arg9: memref<1x256xf32, #tpu.memory_space<vmem>>, %arg10: memref<256x128xf32, #tpu.memory_space<vmem>>) attributes {dimension_semantics = [#tpu.dimension_semantics<arbitrary>], iteration_bounds = array<i64: 32>, scalar_prefetch = 0 : i64, scratch_operands = 0 : i64, tpu.core_type = #tpu.core_type<tc>, window_params = [{transform_indices = @transform_0, window_bounds = array<i64: 4096, 128>}, {pipeline_mode = #tpu.pipeline_mode<synchronous>, transform_indices = @transform_1, window_bounds = array<i64: 8, 128>}, {pipeline_mode = #tpu.pipeline_mode<synchronous>, transform_indices = @transform_2, window_bounds = array<i64: 8, 256>}, {pipeline_mode = #tpu.pipeline_mode<synchronous>, transform_indices = @transform_3, window_bounds = array<i64: 1, 128>}, {pipeline_mode = #tpu.pipeline_mode<synchronous>, transform_indices = @transform_4, window_bounds = array<i64: 1, 128>}, {pipeline_mode = #tpu.pipeline_mode<synchronous>, transform_indices = @transform_5, window_bounds = array<i64: 128, 256>}, {pipeline_mode = #tpu.pipeline_mode<synchronous>, transform_indices = @transform_6, window_bounds = array<i64: 1, 256>}, {pipeline_mode = #tpu.pipeline_mode<synchronous>, transform_indices = @transform_7, window_bounds = array<i64: 1, 256>}, {pipeline_mode = #tpu.pipeline_mode<synchronous>, transform_indices = @transform_8, window_bounds = array<i64: 1, 256>}, {transform_indices = @transform_9, window_bounds = array<i64: 256, 128>}]} {
    %get3A = arith.constant 0 : index
    %get3A_0 = arith.constant 0 : index
    %get3A_1 = vector.load %arg2[%get3A, %get3A_0] : memref<8x128xf32, #tpu.memory_space<vmem>>, vector<1x128xf32>
    %div3A = arith.constant 1.310720e+05 : f32
    %div3A_2 = vector.broadcast %div3A : f32 to vector<1x128xf32>
    %div3A_3 = arith.divf %get3A_1, %div3A_2 : vector<1x128xf32>
    %get3A_4 = arith.constant 1 : index
    %get3A_5 = arith.constant 0 : index
    %get3A_6 = vector.load %arg2[%get3A_4, %get3A_5] : memref<8x128xf32, #tpu.memory_space<vmem>>, vector<1x128xf32>
    %div3A_7 = arith.constant 1.310720e+05 : f32
    %div3A_8 = vector.broadcast %div3A_7 : f32 to vector<1x128xf32>
    %div3A_9 = arith.divf %get3A_6, %div3A_8 : vector<1x128xf32>
    %mul3A = arith.mulf %div3A_3, %div3A_3 : vector<1x128xf32>
    %sub3A = arith.subf %div3A_9, %mul3A : vector<1x128xf32>
    %get3A_10 = arith.constant 0 : index
    %get3A_11 = arith.constant 0 : index
    %get3A_12 = vector.load %arg1[%get3A_10, %get3A_11] : memref<4096x128xf32, #tpu.memory_space<vmem>>, vector<4096x128xf32>
    %sub3A_13 = vector.broadcast %div3A_3 : vector<1x128xf32> to vector<4096x128xf32>
    %sub3A_14 = arith.subf %get3A_12, %sub3A_13 : vector<4096x128xf32>
    %add3A = arith.constant 9.99999974E-6 : f32
    %add3A_15 = vector.broadcast %add3A : f32 to vector<1x128xf32>
    %add3A_16 = arith.addf %sub3A, %add3A_15 : vector<1x128xf32>
    %sqrt3A = math.sqrt %add3A_16 : vector<1x128xf32>
    %div3A_17 = vector.broadcast %sqrt3A : vector<1x128xf32> to vector<4096x128xf32>
    %div3A_18 = arith.divf %sub3A_14, %div3A_17 : vector<4096x128xf32>
    %get3A_19 = arith.constant 0 : index
    %get3A_20 = arith.constant 0 : index
    %get3A_21 = vector.load %arg4[%get3A_19, %get3A_20] : memref<1x128xf32, #tpu.memory_space<vmem>>, vector<1x128xf32>
    %mul3A_22 = vector.broadcast %get3A_21 : vector<1x128xf32> to vector<4096x128xf32>
    %mul3A_23 = arith.mulf %div3A_18, %mul3A_22 : vector<4096x128xf32>
    %get3A_24 = arith.constant 0 : index
    %get3A_25 = arith.constant 0 : index
    %get3A_26 = vector.load %arg5[%get3A_24, %get3A_25] : memref<1x128xf32, #tpu.memory_space<vmem>>, vector<1x128xf32>
    %add3A_27 = vector.broadcast %get3A_26 : vector<1x128xf32> to vector<4096x128xf32>
    %add3A_28 = arith.addf %mul3A_23, %add3A_27 : vector<4096x128xf32>
    %neg3A = arith.constant 0.000000e+00 : f32
    %neg3A_29 = vector.broadcast %neg3A : f32 to vector<4096x128xf32>
    %neg3A_30 = arith.subf %neg3A_29, %add3A_28 : vector<4096x128xf32>
    %exp3A = math.exp %neg3A_30 : vector<4096x128xf32>
    %add3A_31 = arith.constant 1.000000e+00 : f32
    %add3A_32 = vector.broadcast %add3A_31 : f32 to vector<4096x128xf32>
    %add3A_33 = arith.addf %add3A_32, %exp3A : vector<4096x128xf32>
    %div3A_34 = arith.constant 1.000000e+00 : f32
    %div3A_35 = vector.broadcast %div3A_34 : f32 to vector<4096x128xf32>
    %div3A_36 = arith.divf %div3A_35, %add3A_33 : vector<4096x128xf32>
    %mul3A_37 = arith.mulf %add3A_28, %div3A_36 : vector<4096x128xf32>
    %get3A_38 = arith.constant 0 : index
    %get3A_39 = arith.constant 0 : index
    %get3A_40 = vector.load %arg6[%get3A_38, %get3A_39] : memref<128x256xf32, #tpu.memory_space<vmem>>, vector<128x256xf32>
    %dot_general3A = arith.constant dense<0.000000e+00> : vector<4096x256xf32>
    %dot_general3A_41 = tpu.matmul %mul3A_37, %get3A_40, %dot_general3A {dimension_numbers = #tpu.dot_dimension_numbers<[1], [0], [0], [1], [0, 0, 1, 1], [], []>, transpose_lhs_hint = false} : vector<4096x128xf32>, vector<128x256xf32>, vector<4096x256xf32> -> vector<4096x256xf32>
    %get3A_42 = arith.constant 0 : index
    %get3A_43 = arith.constant 0 : index
    %get3A_44 = vector.load %arg7[%get3A_42, %get3A_43] : memref<1x256xf32, #tpu.memory_space<vmem>>, vector<1x256xf32>
    %add3A_45 = vector.broadcast %get3A_44 : vector<1x256xf32> to vector<4096x256xf32>
    %add3A_46 = arith.addf %dot_general3A_41, %add3A_45 : vector<4096x256xf32>
    %get3A_47 = arith.constant 0 : index
    %get3A_48 = arith.constant 0 : index
    %get3A_49 = vector.load %arg3[%get3A_47, %get3A_48] : memref<8x256xf32, #tpu.memory_space<vmem>>, vector<1x256xf32>
    %div3A_50 = arith.constant 1.310720e+05 : f32
    %div3A_51 = vector.broadcast %div3A_50 : f32 to vector<1x256xf32>
    %div3A_52 = arith.divf %get3A_49, %div3A_51 : vector<1x256xf32>
    %get3A_53 = arith.constant 1 : index
    %get3A_54 = arith.constant 0 : index
    %get3A_55 = vector.load %arg3[%get3A_53, %get3A_54] : memref<8x256xf32, #tpu.memory_space<vmem>>, vector<1x256xf32>
    %div3A_56 = arith.constant 1.310720e+05 : f32
    %div3A_57 = vector.broadcast %div3A_56 : f32 to vector<1x256xf32>
    %div3A_58 = arith.divf %get3A_55, %div3A_57 : vector<1x256xf32>
    %mul3A_59 = arith.mulf %div3A_52, %div3A_52 : vector<1x256xf32>
    %sub3A_60 = arith.subf %div3A_58, %mul3A_59 : vector<1x256xf32>
    %sub3A_61 = vector.broadcast %div3A_52 : vector<1x256xf32> to vector<4096x256xf32>
    %sub3A_62 = arith.subf %add3A_46, %sub3A_61 : vector<4096x256xf32>
    %add3A_63 = arith.constant 9.99999974E-6 : f32
    %add3A_64 = vector.broadcast %add3A_63 : f32 to vector<1x256xf32>
    %add3A_65 = arith.addf %sub3A_60, %add3A_64 : vector<1x256xf32>
    %sqrt3A_66 = math.sqrt %add3A_65 : vector<1x256xf32>
    %div3A_67 = vector.broadcast %sqrt3A_66 : vector<1x256xf32> to vector<4096x256xf32>
    %div3A_68 = arith.divf %sub3A_62, %div3A_67 : vector<4096x256xf32>
    %get3A_69 = arith.constant 0 : index
    %get3A_70 = arith.constant 0 : index
    %get3A_71 = vector.load %arg8[%get3A_69, %get3A_70] : memref<1x256xf32, #tpu.memory_space<vmem>>, vector<1x256xf32>
    %mul3A_72 = vector.broadcast %get3A_71 : vector<1x256xf32> to vector<4096x256xf32>
    %mul3A_73 = arith.mulf %div3A_68, %mul3A_72 : vector<4096x256xf32>
    %get3A_74 = arith.constant 0 : index
    %get3A_75 = arith.constant 0 : index
    %get3A_76 = vector.load %arg9[%get3A_74, %get3A_75] : memref<1x256xf32, #tpu.memory_space<vmem>>, vector<1x256xf32>
    %add3A_77 = vector.broadcast %get3A_76 : vector<1x256xf32> to vector<4096x256xf32>
    %add3A_78 = arith.addf %mul3A_73, %add3A_77 : vector<4096x256xf32>
    %slice3A = vector.extract_strided_slice %add3A_78 {offsets = [0, 0], sizes = [4096, 128], strides = [1, 1]} : vector<4096x256xf32> to vector<4096x128xf32>
    %neg3A_79 = arith.constant 0.000000e+00 : f32
    %neg3A_80 = vector.broadcast %neg3A_79 : f32 to vector<4096x128xf32>
    %neg3A_81 = arith.subf %neg3A_80, %slice3A : vector<4096x128xf32>
    %exp3A_82 = math.exp %neg3A_81 : vector<4096x128xf32>
    %add3A_83 = arith.constant 1.000000e+00 : f32
    %add3A_84 = vector.broadcast %add3A_83 : f32 to vector<4096x128xf32>
    %add3A_85 = arith.addf %add3A_84, %exp3A_82 : vector<4096x128xf32>
    %div3A_86 = arith.constant 1.000000e+00 : f32
    %div3A_87 = vector.broadcast %div3A_86 : f32 to vector<4096x128xf32>
    %div3A_88 = arith.divf %div3A_87, %add3A_85 : vector<4096x128xf32>
    %slice3A_89 = vector.extract_strided_slice %add3A_78 {offsets = [0, 128], sizes = [4096, 128], strides = [1, 1]} : vector<4096x256xf32> to vector<4096x128xf32>
    %max3A = arith.constant 0.000000e+00 : f32
    %max3A_90 = vector.broadcast %max3A : f32 to vector<4096x128xf32>
    %max3A_91 = arith.maximumf %slice3A_89, %max3A_90 : vector<4096x128xf32>
    %abs3A = math.absf %slice3A_89 : vector<4096x128xf32>
    %neg3A_92 = arith.constant 0.000000e+00 : f32
    %neg3A_93 = vector.broadcast %neg3A_92 : f32 to vector<4096x128xf32>
    %neg3A_94 = arith.subf %neg3A_93, %abs3A : vector<4096x128xf32>
    %exp3A_95 = math.exp %neg3A_94 : vector<4096x128xf32>
    %add3A_96 = arith.constant 1.000000e+00 : f32
    %add3A_97 = vector.broadcast %add3A_96 : f32 to vector<4096x128xf32>
    %add3A_98 = arith.addf %add3A_97, %exp3A_95 : vector<4096x128xf32>
    %log3A = math.log %add3A_98 : vector<4096x128xf32>
    %add3A_99 = arith.addf %max3A_91, %log3A : vector<4096x128xf32>
    %mul3A_100 = arith.mulf %div3A_88, %add3A_99 : vector<4096x128xf32>
    %iota3A = tpu.iota {dimensions = array<i32: 0>} : vector<4096x256xi32>
    %jit3A = arith.constant 16 : i32
    %div3A_101 = vector.broadcast %jit3A : i32 to vector<4096x256xi32>
    %div3A_102 = arith.divsi %iota3A, %div3A_101 : vector<4096x256xi32>
    %sign3A = arith.constant 0 : i32
    %sign3A_103 = vector.broadcast %sign3A : i32 to vector<4096x256xi32>
    %sign3A_104 = arith.cmpi sgt, %iota3A, %sign3A_103 : vector<4096x256xi32>
    %sign3A_105 = arith.extui %sign3A_104 : vector<4096x256xi1> to vector<4096x256xi32>
    %sign3A_106 = arith.constant 0 : i32
    %sign3A_107 = vector.broadcast %sign3A_106 : i32 to vector<4096x256xi32>
    %sign3A_108 = arith.cmpi slt, %iota3A, %sign3A_107 : vector<4096x256xi32>
    %sign3A_109 = arith.extui %sign3A_108 : vector<4096x256xi1> to vector<4096x256xi32>
    %sign3A_110 = arith.subi %sign3A_105, %sign3A_109 : vector<4096x256xi32>
    %sign3A_111 = arith.constant 0 : i32
    %sign3A_112 = arith.cmpi sgt, %jit3A, %sign3A_111 : i32
    %sign3A_113 = arith.extui %sign3A_112 : i1 to i32
    %sign3A_114 = arith.constant 0 : i32
    %sign3A_115 = arith.cmpi slt, %jit3A, %sign3A_114 : i32
    %sign3A_116 = arith.extui %sign3A_115 : i1 to i32
    %sign3A_117 = arith.subi %sign3A_113, %sign3A_116 : i32
    %ne3A = vector.broadcast %sign3A_117 : i32 to vector<4096x256xi32>
    %ne3A_118 = arith.cmpi ne, %sign3A_110, %ne3A : vector<4096x256xi32>
    %rem3A = vector.broadcast %jit3A : i32 to vector<4096x256xi32>
    %rem3A_119 = arith.remsi %iota3A, %rem3A : vector<4096x256xi32>
    %ne3A_120 = arith.constant 0 : i32
    %ne3A_121 = vector.broadcast %ne3A_120 : i32 to vector<4096x256xi32>
    %ne3A_122 = arith.cmpi ne, %rem3A_119, %ne3A_121 : vector<4096x256xi32>
    %and3A = arith.andi %ne3A_118, %ne3A_122 : vector<4096x256xi1>
    %sub3A_123 = arith.constant 1 : i32
    %sub3A_124 = vector.broadcast %sub3A_123 : i32 to vector<4096x256xi32>
    %sub3A_125 = arith.subi %div3A_102, %sub3A_124 : vector<4096x256xi32>
    %select_n3A = arith.select %and3A, %sub3A_125, %div3A_102 : vector<4096x256xi1>, vector<4096x256xi32>
    %iota3A_126 = tpu.iota {dimensions = array<i32: 1>} : vector<4096x256xi32>
    %eq3A = arith.cmpi eq, %select_n3A, %iota3A_126 : vector<4096x256xi32>
    %convert_element_type3A = arith.extui %eq3A : vector<4096x256xi1> to vector<4096x256xi32>
    %convert_element_type3A_127 = arith.sitofp %convert_element_type3A : vector<4096x256xi32> to vector<4096x256xf32>
    %dot_general3A_128 = arith.constant dense<0.000000e+00> : vector<256x128xf32>
    %dot_general3A_129 = tpu.matmul %convert_element_type3A_127, %mul3A_100, %dot_general3A_128 {dimension_numbers = #tpu.dot_dimension_numbers<[0], [0], [1], [1], [0, 1, 1, 1], [], []>, precision = #tpu.contract_precision<fp32>, transpose_lhs_hint = false} : vector<4096x256xf32>, vector<4096x128xf32>, vector<256x128xf32> -> vector<256x128xf32>
    %swap3A = arith.constant 0 : index
    %swap3A_130 = arith.constant 0 : index
    %swap3A_131 = vector.load %arg10[%swap3A, %swap3A_130] : memref<256x128xf32, #tpu.memory_space<vmem>>, vector<256x128xf32>
    tpu.vector_store %arg10[%swap3A, %swap3A_130], %dot_general3A_129 {strides = array<i32>} : memref<256x128xf32, #tpu.memory_space<vmem>>, vector<256x128xf32>,
    return
  }
  func.func @transform_0(%arg0: i32) -> (i32, i32) {
    %c0_i32 = arith.constant 0 : i32
    %c0_i32_0 = arith.constant 0 : i32
    return %arg0, %c0_i32 : i32, i32
  }
  func.func @transform_1(%arg0: i32) -> (i32, i32) {
    %c0_i32 = arith.constant 0 : i32
    %c0_i32_0 = arith.constant 0 : i32
    %c0_i32_1 = arith.constant 0 : i32
    return %c0_i32, %c0_i32_0 : i32, i32
  }
  func.func @transform_2(%arg0: i32) -> (i32, i32) {
    %c0_i32 = arith.constant 0 : i32
    %c0_i32_0 = arith.constant 0 : i32
    %c0_i32_1 = arith.constant 0 : i32
    return %c0_i32, %c0_i32_0 : i32, i32
  }
  func.func @transform_3(%arg0: i32) -> (i32, i32) {
    %c0_i32 = arith.constant 0 : i32
    %c0_i32_0 = arith.constant 0 : i32
    %c0_i32_1 = arith.constant 0 : i32
    return %c0_i32, %c0_i32_0 : i32, i32
  }
  func.func @transform_4(%arg0: i32) -> (i32, i32) {
    %c0_i32 = arith.constant 0 : i32
    %c0_i32_0 = arith.constant 0 : i32
    %c0_i32_1 = arith.constant 0 : i32
    return %c0_i32, %c0_i32_0 : i32, i32
  }
  func.func @transform_5(%arg0: i32) -> (i32, i32) {
    %c0_i32 = arith.constant 0 : i32
    %c0_i32_0 = arith.constant 0 : i32
    %c0_i32_1 = arith.constant 0 : i32
    return %c0_i32, %c0_i32_0 : i32, i32
  }
  func.func @transform_6(%arg0: i32) -> (i32, i32) {
    %c0_i32 = arith.constant 0 : i32
    %c0_i32_0 = arith.constant 0 : i32
    %c0_i32_1 = arith.constant 0 : i32
    return %c0_i32, %c0_i32_0 : i32, i32
  }
  func.func @transform_7(%arg0: i32) -> (i32, i32) {
    %c0_i32 = arith.constant 0 : i32
    %c0_i32_0 = arith.constant 0 : i32
    %c0_i32_1 = arith.constant 0 : i32
    return %c0_i32, %c0_i32_0 : i32, i32
  }
  func.func @transform_8(%arg0: i32) -> (i32, i32) {
    %c0_i32 = arith.constant 0 : i32
    %c0_i32_0 = arith.constant 0 : i32
    %c0_i32_1 = arith.constant 0 : i32
    return %c0_i32, %c0_i32_0 : i32, i32
  }
  func.func @transform_9(%arg0: i32) -> (i32, i32) {
    %c0_i32 = arith.constant 0 : i32
    %c0_i32_0 = arith.constant 0 : i32
    return %arg0, %c0_i32 : i32, i32
  }
}

module attributes {stable_mosaic.version = 14 : i64} {
  func.func @_p1_body(%arg0: i32, %arg1: memref<4096x128xf32, #tpu.memory_space<vmem>>, %arg2: memref<4096x128xf32, #tpu.memory_space<vmem>>, %arg3: memref<256x3xf32, #tpu.memory_space<vmem>>, %arg4: memref<256x3xf32, #tpu.memory_space<vmem>>, %arg5: memref<128x128xf32, #tpu.memory_space<vmem>>, %arg6: memref<16x128xf32, #tpu.memory_space<vmem>>, %arg7: memref<16x128xf32, #tpu.memory_space<vmem>>, %arg8: memref<1x128xf32, #tpu.memory_space<vmem>>, %arg9: memref<4096x128xf32, #tpu.memory_space<vmem>>, %arg10: memref<8x128xf32, #tpu.memory_space<vmem>>) attributes {dimension_semantics = [#tpu.dimension_semantics<arbitrary>], iteration_bounds = array<i64: 8>, scalar_prefetch = 0 : i64, scratch_operands = 0 : i64, tpu.core_type = #tpu.core_type<tc>, window_params = [{transform_indices = @transform_0, window_bounds = array<i64: 4096, 128>}, {transform_indices = @transform_1, window_bounds = array<i64: 4096, 128>}, {transform_indices = @transform_2, window_bounds = array<i64: 256, 3>}, {transform_indices = @transform_3, window_bounds = array<i64: 256, 3>}, {pipeline_mode = #tpu.pipeline_mode<synchronous>, transform_indices = @transform_4, window_bounds = array<i64: 128, 128>}, {pipeline_mode = #tpu.pipeline_mode<synchronous>, transform_indices = @transform_5, window_bounds = array<i64: 16, 128>}, {pipeline_mode = #tpu.pipeline_mode<synchronous>, transform_indices = @transform_6, window_bounds = array<i64: 16, 128>}, {pipeline_mode = #tpu.pipeline_mode<synchronous>, transform_indices = @transform_7, window_bounds = array<i64: 1, 128>}, {transform_indices = @transform_8, window_bounds = array<i64: 4096, 128>}, {pipeline_mode = #tpu.pipeline_mode<synchronous>, transform_indices = @transform_9, window_bounds = array<i64: 8, 128>}]} {
    %get3A = arith.constant 0 : index
    %get3A_0 = arith.constant 0 : index
    %get3A_1 = vector.load %arg1[%get3A, %get3A_0] : memref<4096x128xf32, #tpu.memory_space<vmem>>, vector<4096x128xf32>
    %get3A_2 = arith.constant 0 : index
    %get3A_3 = arith.constant 0 : index
    %get3A_4 = vector.load %arg2[%get3A_2, %get3A_3] : memref<4096x128xf32, #tpu.memory_space<vmem>>, vector<4096x128xf32>
    %slice3A = vector.extract_strided_slice %get3A_4 {offsets = [0, 0], sizes = [4096, 3], strides = [1, 1]} : vector<4096x128xf32> to vector<4096x3xf32>
    %iota3A = tpu.iota {dimensions = array<i32: 0>} : vector<4096x256xi32>
    %jit3A = arith.constant 16 : i32
    %div3A = vector.broadcast %jit3A : i32 to vector<4096x256xi32>
    %div3A_5 = arith.divsi %iota3A, %div3A : vector<4096x256xi32>
    %sign3A = arith.constant 0 : i32
    %sign3A_6 = vector.broadcast %sign3A : i32 to vector<4096x256xi32>
    %sign3A_7 = arith.cmpi sgt, %iota3A, %sign3A_6 : vector<4096x256xi32>
    %sign3A_8 = arith.extui %sign3A_7 : vector<4096x256xi1> to vector<4096x256xi32>
    %sign3A_9 = arith.constant 0 : i32
    %sign3A_10 = vector.broadcast %sign3A_9 : i32 to vector<4096x256xi32>
    %sign3A_11 = arith.cmpi slt, %iota3A, %sign3A_10 : vector<4096x256xi32>
    %sign3A_12 = arith.extui %sign3A_11 : vector<4096x256xi1> to vector<4096x256xi32>
    %sign3A_13 = arith.subi %sign3A_8, %sign3A_12 : vector<4096x256xi32>
    %sign3A_14 = arith.constant 0 : i32
    %sign3A_15 = arith.cmpi sgt, %jit3A, %sign3A_14 : i32
    %sign3A_16 = arith.extui %sign3A_15 : i1 to i32
    %sign3A_17 = arith.constant 0 : i32
    %sign3A_18 = arith.cmpi slt, %jit3A, %sign3A_17 : i32
    %sign3A_19 = arith.extui %sign3A_18 : i1 to i32
    %sign3A_20 = arith.subi %sign3A_16, %sign3A_19 : i32
    %ne3A = vector.broadcast %sign3A_20 : i32 to vector<4096x256xi32>
    %ne3A_21 = arith.cmpi ne, %sign3A_13, %ne3A : vector<4096x256xi32>
    %rem3A = vector.broadcast %jit3A : i32 to vector<4096x256xi32>
    %rem3A_22 = arith.remsi %iota3A, %rem3A : vector<4096x256xi32>
    %ne3A_23 = arith.constant 0 : i32
    %ne3A_24 = vector.broadcast %ne3A_23 : i32 to vector<4096x256xi32>
    %ne3A_25 = arith.cmpi ne, %rem3A_22, %ne3A_24 : vector<4096x256xi32>
    %and3A = arith.andi %ne3A_21, %ne3A_25 : vector<4096x256xi1>
    %sub3A = arith.constant 1 : i32
    %sub3A_26 = vector.broadcast %sub3A : i32 to vector<4096x256xi32>
    %sub3A_27 = arith.subi %div3A_5, %sub3A_26 : vector<4096x256xi32>
    %select_n3A = arith.select %and3A, %sub3A_27, %div3A_5 : vector<4096x256xi1>, vector<4096x256xi32>
    %iota3A_28 = tpu.iota {dimensions = array<i32: 1>} : vector<4096x256xi32>
    %eq3A = arith.cmpi eq, %select_n3A, %iota3A_28 : vector<4096x256xi32>
    %convert_element_type3A = arith.extui %eq3A : vector<4096x256xi1> to vector<4096x256xi32>
    %convert_element_type3A_29 = arith.sitofp %convert_element_type3A : vector<4096x256xi32> to vector<4096x256xf32>
    %get3A_30 = arith.constant 0 : index
    %get3A_31 = arith.constant 0 : index
    %get3A_32 = vector.load %arg3[%get3A_30, %get3A_31] : memref<256x3xf32, #tpu.memory_space<vmem>>, vector<256x3xf32>
    %dot_general3A = arith.constant dense<0.000000e+00> : vector<4096x3xf32>
    %dot_general3A_33 = tpu.matmul %convert_element_type3A_29, %get3A_32, %dot_general3A {dimension_numbers = #tpu.dot_dimension_numbers<[1], [0], [0], [1], [0, 0, 1, 1], [], []>, precision = #tpu.contract_precision<fp32>, transpose_lhs_hint = false} : vector<4096x256xf32>, vector<256x3xf32>, vector<4096x3xf32> -> vector<4096x3xf32>
    %slice3A_34 = vector.extract_strided_slice %get3A_4 {offsets = [0, 3], sizes = [4096, 3], strides = [1, 1]} : vector<4096x128xf32> to vector<4096x3xf32>
    %sub3A_35 = arith.subf %slice3A, %dot_general3A_33 : vector<4096x3xf32>
    %slice3A_36 = vector.extract_strided_slice %sub3A_35 {offsets = [0, 0], sizes = [4096, 1], strides = [1, 1]} : vector<4096x3xf32> to vector<4096x1xf32>
    %slice3A_37 = vector.extract_strided_slice %sub3A_35 {offsets = [0, 0], sizes = [4096, 1], strides = [1, 1]} : vector<4096x3xf32> to vector<4096x1xf32>
    %mul3A = arith.mulf %slice3A_36, %slice3A_37 : vector<4096x1xf32>
    %slice3A_38 = vector.extract_strided_slice %sub3A_35 {offsets = [0, 1], sizes = [4096, 1], strides = [1, 1]} : vector<4096x3xf32> to vector<4096x1xf32>
    %slice3A_39 = vector.extract_strided_slice %sub3A_35 {offsets = [0, 1], sizes = [4096, 1], strides = [1, 1]} : vector<4096x3xf32> to vector<4096x1xf32>
    %mul3A_40 = arith.mulf %slice3A_38, %slice3A_39 : vector<4096x1xf32>
    %add3A = arith.addf %mul3A, %mul3A_40 : vector<4096x1xf32>
    %slice3A_41 = vector.extract_strided_slice %sub3A_35 {offsets = [0, 2], sizes = [4096, 1], strides = [1, 1]} : vector<4096x3xf32> to vector<4096x1xf32>
    %slice3A_42 = vector.extract_strided_slice %sub3A_35 {offsets = [0, 2], sizes = [4096, 1], strides = [1, 1]} : vector<4096x3xf32> to vector<4096x1xf32>
    %mul3A_43 = arith.mulf %slice3A_41, %slice3A_42 : vector<4096x1xf32>
    %add3A_44 = arith.addf %add3A, %mul3A_43 : vector<4096x1xf32>
    %sqrt3A = math.sqrt %add3A_44 : vector<4096x1xf32>
    %div3A_45 = vector.broadcast %sqrt3A : vector<4096x1xf32> to vector<4096x3xf32>
    %div3A_46 = arith.divf %sub3A_35, %div3A_45 : vector<4096x3xf32>
    %slice3A_47 = vector.extract_strided_slice %div3A_46 {offsets = [0, 0], sizes = [4096, 1], strides = [1, 1]} : vector<4096x3xf32> to vector<4096x1xf32>
    %slice3A_48 = vector.extract_strided_slice %slice3A_34 {offsets = [0, 0], sizes = [4096, 1], strides = [1, 1]} : vector<4096x3xf32> to vector<4096x1xf32>
    %mul3A_49 = arith.mulf %slice3A_47, %slice3A_48 : vector<4096x1xf32>
    %slice3A_50 = vector.extract_strided_slice %div3A_46 {offsets = [0, 1], sizes = [4096, 1], strides = [1, 1]} : vector<4096x3xf32> to vector<4096x1xf32>
    %slice3A_51 = vector.extract_strided_slice %slice3A_34 {offsets = [0, 1], sizes = [4096, 1], strides = [1, 1]} : vector<4096x3xf32> to vector<4096x1xf32>
    %mul3A_52 = arith.mulf %slice3A_50, %slice3A_51 : vector<4096x1xf32>
    %add3A_53 = arith.addf %mul3A_49, %mul3A_52 : vector<4096x1xf32>
    %slice3A_54 = vector.extract_strided_slice %div3A_46 {offsets = [0, 2], sizes = [4096, 1], strides = [1, 1]} : vector<4096x3xf32> to vector<4096x1xf32>
    %slice3A_55 = vector.extract_strided_slice %slice3A_34 {offsets = [0, 2], sizes = [4096, 1], strides = [1, 1]} : vector<4096x3xf32> to vector<4096x1xf32>
    %mul3A_56 = arith.mulf %slice3A_54, %slice3A_55 : vector<4096x1xf32>
    %add3A_57 = arith.addf %add3A_53, %mul3A_56 : vector<4096x1xf32>
    %iota3A_58 = tpu.iota {dimensions = array<i32: 1>} : vector<4096x16xi32>
    %convert_element_type3A_59 = arith.sitofp %iota3A_58 : vector<4096x16xi32> to vector<4096x16xf32>
    %mul3A_60 = arith.constant 0.533333361 : f32
    %mul3A_61 = vector.broadcast %mul3A_60 : f32 to vector<4096x16xf32>
    %mul3A_62 = arith.mulf %convert_element_type3A_59, %mul3A_61 : vector<4096x16xf32>
    %mul3A_63 = arith.constant 0.13333334 : f32
    %mul3A_64 = vector.broadcast %mul3A_63 : f32 to vector<4096x16xf32>
    %mul3A_65 = arith.mulf %convert_element_type3A_59, %mul3A_64 : vector<4096x16xf32>
    %sub3A_66 = arith.constant 1.000000e+00 : f32
    %sub3A_67 = vector.broadcast %sub3A_66 : f32 to vector<4096x16xf32>
    %sub3A_68 = arith.subf %mul3A_65, %sub3A_67 : vector<4096x16xf32>
    %sub3A_69 = vector.broadcast %sqrt3A : vector<4096x1xf32> to vector<4096x16xf32>
    %sub3A_70 = arith.subf %sub3A_69, %mul3A_62 : vector<4096x16xf32>
    %div3A_71 = arith.constant 5.000000e-01 : f32
    %div3A_72 = vector.broadcast %div3A_71 : f32 to vector<4096x16xf32>
    %div3A_73 = arith.divf %sub3A_70, %div3A_72 : vector<4096x16xf32>
    %integer_pow3A = arith.mulf %div3A_73, %div3A_73 : vector<4096x16xf32>
    %neg3A = arith.constant 0.000000e+00 : f32
    %neg3A_74 = vector.broadcast %neg3A : f32 to vector<4096x16xf32>
    %neg3A_75 = arith.subf %neg3A_74, %integer_pow3A : vector<4096x16xf32>
    %exp3A = math.exp %neg3A_75 : vector<4096x16xf32>
    %sub3A_76 = vector.broadcast %add3A_57 : vector<4096x1xf32> to vector<4096x16xf32>
    %sub3A_77 = arith.subf %sub3A_76, %sub3A_68 : vector<4096x16xf32>
    %div3A_78 = arith.constant 1.250000e-01 : f32
    %div3A_79 = vector.broadcast %div3A_78 : f32 to vector<4096x16xf32>
    %div3A_80 = arith.divf %sub3A_77, %div3A_79 : vector<4096x16xf32>
    %integer_pow3A_81 = arith.mulf %div3A_80, %div3A_80 : vector<4096x16xf32>
    %neg3A_82 = arith.constant 0.000000e+00 : f32
    %neg3A_83 = vector.broadcast %neg3A_82 : f32 to vector<4096x16xf32>
    %neg3A_84 = arith.subf %neg3A_83, %integer_pow3A_81 : vector<4096x16xf32>
    %exp3A_85 = math.exp %neg3A_84 : vector<4096x16xf32>
    %get3A_86 = arith.constant 0 : index
    %get3A_87 = arith.constant 0 : index
    %get3A_88 = vector.load %arg5[%get3A_86, %get3A_87] : memref<128x128xf32, #tpu.memory_space<vmem>>, vector<128x128xf32>
    %dot_general3A_89 = arith.constant dense<0.000000e+00> : vector<4096x128xf32>
    %dot_general3A_90 = tpu.matmul %get3A_1, %get3A_88, %dot_general3A_89 {dimension_numbers = #tpu.dot_dimension_numbers<[1], [0], [0], [1], [0, 0, 1, 1], [], []>, transpose_lhs_hint = false} : vector<4096x128xf32>, vector<128x128xf32>, vector<4096x128xf32> -> vector<4096x128xf32>
    %get3A_91 = arith.constant 0 : index
    %get3A_92 = arith.constant 0 : index
    %get3A_93 = vector.load %arg6[%get3A_91, %get3A_92] : memref<16x128xf32, #tpu.memory_space<vmem>>, vector<16x128xf32>
    %dot_general3A_94 = arith.constant dense<0.000000e+00> : vector<4096x128xf32>
    %dot_general3A_95 = tpu.matmul %exp3A, %get3A_93, %dot_general3A_94 {dimension_numbers = #tpu.dot_dimension_numbers<[1], [0], [0], [1], [0, 0, 1, 1], [], []>, transpose_lhs_hint = false} : vector<4096x16xf32>, vector<16x128xf32>, vector<4096x128xf32> -> vector<4096x128xf32>
    %add3A_96 = arith.addf %dot_general3A_90, %dot_general3A_95 : vector<4096x128xf32>
    %get3A_97 = arith.constant 0 : index
    %get3A_98 = arith.constant 0 : index
    %get3A_99 = vector.load %arg7[%get3A_97, %get3A_98] : memref<16x128xf32, #tpu.memory_space<vmem>>, vector<16x128xf32>
    %dot_general3A_100 = arith.constant dense<0.000000e+00> : vector<4096x128xf32>
    %dot_general3A_101 = tpu.matmul %exp3A_85, %get3A_99, %dot_general3A_100 {dimension_numbers = #tpu.dot_dimension_numbers<[1], [0], [0], [1], [0, 0, 1, 1], [], []>, transpose_lhs_hint = false} : vector<4096x16xf32>, vector<16x128xf32>, vector<4096x128xf32> -> vector<4096x128xf32>
    %add3A_102 = arith.addf %add3A_96, %dot_general3A_101 : vector<4096x128xf32>
    %get3A_103 = arith.constant 0 : index
    %get3A_104 = arith.constant 0 : index
    %get3A_105 = vector.load %arg8[%get3A_103, %get3A_104] : memref<1x128xf32, #tpu.memory_space<vmem>>, vector<1x128xf32>
    %add3A_106 = vector.broadcast %get3A_105 : vector<1x128xf32> to vector<4096x128xf32>
    %add3A_107 = arith.addf %add3A_102, %add3A_106 : vector<4096x128xf32>
    %swap3A = arith.constant 0 : index
    %swap3A_108 = arith.constant 0 : index
    %swap3A_109 = vector.load %arg9[%swap3A, %swap3A_108] : memref<4096x128xf32, #tpu.memory_space<vmem>>, vector<4096x128xf32>
    tpu.vector_store %arg9[%swap3A, %swap3A_108], %add3A_107 {strides = array<i32>} : memref<4096x128xf32, #tpu.memory_space<vmem>>, vector<4096x128xf32>,
    %eq3A_110 = arith.constant 0 : i32
    %eq3A_111 = arith.cmpi eq, %arg0, %eq3A_110 : i32
    %convert_element_type3A_112 = arith.extui %eq3A_111 : i1 to i32
    %cond3A = arith.constant 0 : i32
    %cond3A_113 = arith.cmpi ne, %convert_element_type3A_112, %cond3A : i32
    scf.if %cond3A_113 {
      %broadcast_in_dim3A_133 = arith.constant 0.000000e+00 : f32
      %broadcast_in_dim3A_134 = vector.broadcast %broadcast_in_dim3A_133 : f32 to vector<8x128xf32>
      %swap3A_135 = arith.constant 0 : index
      %swap3A_136 = arith.constant 0 : index
      %swap3A_137 = vector.load %arg10[%swap3A_135, %swap3A_136] : memref<8x128xf32, #tpu.memory_space<vmem>>, vector<8x128xf32>
      tpu.vector_store %arg10[%swap3A_135, %swap3A_136], %broadcast_in_dim3A_134 {strides = array<i32>} : memref<8x128xf32, #tpu.memory_space<vmem>>, vector<8x128xf32>,
    } else {
    }
    %get3A_114 = arith.constant 0 : index
    %get3A_115 = arith.constant 0 : index
    %get3A_116 = vector.load %arg10[%get3A_114, %get3A_115] : memref<8x128xf32, #tpu.memory_space<vmem>>, vector<1x128xf32>
    %reduce_sum3A = arith.constant dense<0.000000e+00> : vector<128xf32>
    %reduce_sum3A_117 = vector.multi_reduction <add>, %add3A_107, %reduce_sum3A [0] : vector<4096x128xf32> to vector<128xf32>
    %broadcast_in_dim3A = vector.shape_cast %reduce_sum3A_117 : vector<128xf32> to vector<1x128xf32>
    %add3A_118 = arith.addf %get3A_116, %broadcast_in_dim3A : vector<1x128xf32>
    %swap3A_119 = arith.constant 0 : index
    %swap3A_120 = arith.constant 0 : index
    %swap3A_121 = vector.load %arg10[%swap3A_119, %swap3A_120] : memref<8x128xf32, #tpu.memory_space<vmem>>, vector<1x128xf32>
    tpu.vector_store %arg10[%swap3A_119, %swap3A_120], %add3A_118 {strides = array<i32>} : memref<8x128xf32, #tpu.memory_space<vmem>>, vector<1x128xf32>,
    %get3A_122 = arith.constant 1 : index
    %get3A_123 = arith.constant 0 : index
    %get3A_124 = vector.load %arg10[%get3A_122, %get3A_123] : memref<8x128xf32, #tpu.memory_space<vmem>>, vector<1x128xf32>
    %mul3A_125 = arith.mulf %add3A_107, %add3A_107 : vector<4096x128xf32>
    %reduce_sum3A_126 = arith.constant dense<0.000000e+00> : vector<128xf32>
    %reduce_sum3A_127 = vector.multi_reduction <add>, %mul3A_125, %reduce_sum3A_126 [0] : vector<4096x128xf32> to vector<128xf32>
    %broadcast_in_dim3A_128 = vector.shape_cast %reduce_sum3A_127 : vector<128xf32> to vector<1x128xf32>
    %add3A_129 = arith.addf %get3A_124, %broadcast_in_dim3A_128 : vector<1x128xf32>
    %swap3A_130 = arith.constant 1 : index
    %swap3A_131 = arith.constant 0 : index
    %swap3A_132 = vector.load %arg10[%swap3A_130, %swap3A_131] : memref<8x128xf32, #tpu.memory_space<vmem>>, vector<1x128xf32>
    tpu.vector_store %arg10[%swap3A_130, %swap3A_131], %add3A_129 {strides = array<i32>} : memref<8x128xf32, #tpu.memory_space<vmem>>, vector<1x128xf32>,
    return
  }
  func.func @transform_0(%arg0: i32) -> (i32, i32) {
    %c0_i32 = arith.constant 0 : i32
    %c0_i32_0 = arith.constant 0 : i32
    return %arg0, %c0_i32 : i32, i32
  }
  func.func @transform_1(%arg0: i32) -> (i32, i32) {
    %c0_i32 = arith.constant 0 : i32
    %c0_i32_0 = arith.constant 0 : i32
    return %arg0, %c0_i32 : i32, i32
  }
  func.func @transform_2(%arg0: i32) -> (i32, i32) {
    %c0_i32 = arith.constant 0 : i32
    %c0_i32_0 = arith.constant 0 : i32
    return %arg0, %c0_i32 : i32, i32
  }
  func.func @transform_3(%arg0: i32) -> (i32, i32) {
    %c0_i32 = arith.constant 0 : i32
    %c0_i32_0 = arith.constant 0 : i32
    return %arg0, %c0_i32 : i32, i32
  }
  func.func @transform_4(%arg0: i32) -> (i32, i32) {
    %c0_i32 = arith.constant 0 : i32
    %c0_i32_0 = arith.constant 0 : i32
    %c0_i32_1 = arith.constant 0 : i32
    return %c0_i32, %c0_i32_0 : i32, i32
  }
  func.func @transform_5(%arg0: i32) -> (i32, i32) {
    %c0_i32 = arith.constant 0 : i32
    %c0_i32_0 = arith.constant 0 : i32
    %c0_i32_1 = arith.constant 0 : i32
    return %c0_i32, %c0_i32_0 : i32, i32
  }
  func.func @transform_6(%arg0: i32) -> (i32, i32) {
    %c0_i32 = arith.constant 0 : i32
    %c0_i32_0 = arith.constant 0 : i32
    %c0_i32_1 = arith.constant 0 : i32
    return %c0_i32, %c0_i32_0 : i32, i32
  }
  func.func @transform_7(%arg0: i32) -> (i32, i32) {
    %c0_i32 = arith.constant 0 : i32
    %c0_i32_0 = arith.constant 0 : i32
    %c0_i32_1 = arith.constant 0 : i32
    return %c0_i32, %c0_i32_0 : i32, i32
  }
  func.func @transform_8(%arg0: i32) -> (i32, i32) {
    %c0_i32 = arith.constant 0 : i32
    %c0_i32_0 = arith.constant 0 : i32
    return %arg0, %c0_i32 : i32, i32
  }
  func.func @transform_9(%arg0: i32) -> (i32, i32) {
    %c0_i32 = arith.constant 0 : i32
    %c0_i32_0 = arith.constant 0 : i32
    %c0_i32_1 = arith.constant 0 : i32
    return %c0_i32, %c0_i32_0 : i32, i32
  }
}

module attributes {stable_mosaic.version = 14 : i64} {
  func.func @_p2_body(%arg0: i32, %arg1: memref<4096x128xf32, #tpu.memory_space<vmem>>, %arg2: memref<8x128xf32, #tpu.memory_space<vmem>>, %arg3: memref<1x128xf32, #tpu.memory_space<vmem>>, %arg4: memref<1x128xf32, #tpu.memory_space<vmem>>, %arg5: memref<128x256xf32, #tpu.memory_space<vmem>>, %arg6: memref<1x256xf32, #tpu.memory_space<vmem>>, %arg7: memref<8x256xf32, #tpu.memory_space<vmem>>) attributes {dimension_semantics = [#tpu.dimension_semantics<arbitrary>], iteration_bounds = array<i64: 8>, scalar_prefetch = 0 : i64, scratch_operands = 0 : i64, tpu.core_type = #tpu.core_type<tc>, window_params = [{transform_indices = @transform_0, window_bounds = array<i64: 4096, 128>}, {pipeline_mode = #tpu.pipeline_mode<synchronous>, transform_indices = @transform_1, window_bounds = array<i64: 8, 128>}, {pipeline_mode = #tpu.pipeline_mode<synchronous>, transform_indices = @transform_2, window_bounds = array<i64: 1, 128>}, {pipeline_mode = #tpu.pipeline_mode<synchronous>, transform_indices = @transform_3, window_bounds = array<i64: 1, 128>}, {pipeline_mode = #tpu.pipeline_mode<synchronous>, transform_indices = @transform_4, window_bounds = array<i64: 128, 256>}, {pipeline_mode = #tpu.pipeline_mode<synchronous>, transform_indices = @transform_5, window_bounds = array<i64: 1, 256>}, {pipeline_mode = #tpu.pipeline_mode<synchronous>, transform_indices = @transform_6, window_bounds = array<i64: 8, 256>}]} {
    %get3A = arith.constant 0 : index
    %get3A_0 = arith.constant 0 : index
    %get3A_1 = vector.load %arg2[%get3A, %get3A_0] : memref<8x128xf32, #tpu.memory_space<vmem>>, vector<1x128xf32>
    %div3A = arith.constant 3.276800e+04 : f32
    %div3A_2 = vector.broadcast %div3A : f32 to vector<1x128xf32>
    %div3A_3 = arith.divf %get3A_1, %div3A_2 : vector<1x128xf32>
    %get3A_4 = arith.constant 1 : index
    %get3A_5 = arith.constant 0 : index
    %get3A_6 = vector.load %arg2[%get3A_4, %get3A_5] : memref<8x128xf32, #tpu.memory_space<vmem>>, vector<1x128xf32>
    %div3A_7 = arith.constant 3.276800e+04 : f32
    %div3A_8 = vector.broadcast %div3A_7 : f32 to vector<1x128xf32>
    %div3A_9 = arith.divf %get3A_6, %div3A_8 : vector<1x128xf32>
    %mul3A = arith.mulf %div3A_3, %div3A_3 : vector<1x128xf32>
    %sub3A = arith.subf %div3A_9, %mul3A : vector<1x128xf32>
    %get3A_10 = arith.constant 0 : index
    %get3A_11 = arith.constant 0 : index
    %get3A_12 = vector.load %arg1[%get3A_10, %get3A_11] : memref<4096x128xf32, #tpu.memory_space<vmem>>, vector<4096x128xf32>
    %sub3A_13 = vector.broadcast %div3A_3 : vector<1x128xf32> to vector<4096x128xf32>
    %sub3A_14 = arith.subf %get3A_12, %sub3A_13 : vector<4096x128xf32>
    %add3A = arith.constant 9.99999974E-6 : f32
    %add3A_15 = vector.broadcast %add3A : f32 to vector<1x128xf32>
    %add3A_16 = arith.addf %sub3A, %add3A_15 : vector<1x128xf32>
    %sqrt3A = math.sqrt %add3A_16 : vector<1x128xf32>
    %div3A_17 = vector.broadcast %sqrt3A : vector<1x128xf32> to vector<4096x128xf32>
    %div3A_18 = arith.divf %sub3A_14, %div3A_17 : vector<4096x128xf32>
    %get3A_19 = arith.constant 0 : index
    %get3A_20 = arith.constant 0 : index
    %get3A_21 = vector.load %arg3[%get3A_19, %get3A_20] : memref<1x128xf32, #tpu.memory_space<vmem>>, vector<1x128xf32>
    %mul3A_22 = vector.broadcast %get3A_21 : vector<1x128xf32> to vector<4096x128xf32>
    %mul3A_23 = arith.mulf %div3A_18, %mul3A_22 : vector<4096x128xf32>
    %get3A_24 = arith.constant 0 : index
    %get3A_25 = arith.constant 0 : index
    %get3A_26 = vector.load %arg4[%get3A_24, %get3A_25] : memref<1x128xf32, #tpu.memory_space<vmem>>, vector<1x128xf32>
    %add3A_27 = vector.broadcast %get3A_26 : vector<1x128xf32> to vector<4096x128xf32>
    %add3A_28 = arith.addf %mul3A_23, %add3A_27 : vector<4096x128xf32>
    %neg3A = arith.constant 0.000000e+00 : f32
    %neg3A_29 = vector.broadcast %neg3A : f32 to vector<4096x128xf32>
    %neg3A_30 = arith.subf %neg3A_29, %add3A_28 : vector<4096x128xf32>
    %exp3A = math.exp %neg3A_30 : vector<4096x128xf32>
    %add3A_31 = arith.constant 1.000000e+00 : f32
    %add3A_32 = vector.broadcast %add3A_31 : f32 to vector<4096x128xf32>
    %add3A_33 = arith.addf %add3A_32, %exp3A : vector<4096x128xf32>
    %div3A_34 = arith.constant 1.000000e+00 : f32
    %div3A_35 = vector.broadcast %div3A_34 : f32 to vector<4096x128xf32>
    %div3A_36 = arith.divf %div3A_35, %add3A_33 : vector<4096x128xf32>
    %mul3A_37 = arith.mulf %add3A_28, %div3A_36 : vector<4096x128xf32>
    %get3A_38 = arith.constant 0 : index
    %get3A_39 = arith.constant 0 : index
    %get3A_40 = vector.load %arg5[%get3A_38, %get3A_39] : memref<128x256xf32, #tpu.memory_space<vmem>>, vector<128x256xf32>
    %dot_general3A = arith.constant dense<0.000000e+00> : vector<4096x256xf32>
    %dot_general3A_41 = tpu.matmul %mul3A_37, %get3A_40, %dot_general3A {dimension_numbers = #tpu.dot_dimension_numbers<[1], [0], [0], [1], [0, 0, 1, 1], [], []>, transpose_lhs_hint = false} : vector<4096x128xf32>, vector<128x256xf32>, vector<4096x256xf32> -> vector<4096x256xf32>
    %get3A_42 = arith.constant 0 : index
    %get3A_43 = arith.constant 0 : index
    %get3A_44 = vector.load %arg6[%get3A_42, %get3A_43] : memref<1x256xf32, #tpu.memory_space<vmem>>, vector<1x256xf32>
    %add3A_45 = vector.broadcast %get3A_44 : vector<1x256xf32> to vector<4096x256xf32>
    %add3A_46 = arith.addf %dot_general3A_41, %add3A_45 : vector<4096x256xf32>
    %eq3A = arith.constant 0 : i32
    %eq3A_47 = arith.cmpi eq, %arg0, %eq3A : i32
    %convert_element_type3A = arith.extui %eq3A_47 : i1 to i32
    %cond3A = arith.constant 0 : i32
    %cond3A_48 = arith.cmpi ne, %convert_element_type3A, %cond3A : i32
    scf.if %cond3A_48 {
      %broadcast_in_dim3A_67 = arith.constant 0.000000e+00 : f32
      %broadcast_in_dim3A_68 = vector.broadcast %broadcast_in_dim3A_67 : f32 to vector<8x256xf32>
      %swap3A_69 = arith.constant 0 : index
      %swap3A_70 = arith.constant 0 : index
      %swap3A_71 = vector.load %arg7[%swap3A_69, %swap3A_70] : memref<8x256xf32, #tpu.memory_space<vmem>>, vector<8x256xf32>
      tpu.vector_store %arg7[%swap3A_69, %swap3A_70], %broadcast_in_dim3A_68 {strides = array<i32>} : memref<8x256xf32, #tpu.memory_space<vmem>>, vector<8x256xf32>,
    } else {
    }
    %get3A_49 = arith.constant 0 : index
    %get3A_50 = arith.constant 0 : index
    %get3A_51 = vector.load %arg7[%get3A_49, %get3A_50] : memref<8x256xf32, #tpu.memory_space<vmem>>, vector<1x256xf32>
    %reduce_sum3A = arith.constant dense<0.000000e+00> : vector<256xf32>
    %reduce_sum3A_52 = vector.multi_reduction <add>, %add3A_46, %reduce_sum3A [0] : vector<4096x256xf32> to vector<256xf32>
    %broadcast_in_dim3A = vector.shape_cast %reduce_sum3A_52 : vector<256xf32> to vector<1x256xf32>
    %add3A_53 = arith.addf %get3A_51, %broadcast_in_dim3A : vector<1x256xf32>
    %swap3A = arith.constant 0 : index
    %swap3A_54 = arith.constant 0 : index
    %swap3A_55 = vector.load %arg7[%swap3A, %swap3A_54] : memref<8x256xf32, #tpu.memory_space<vmem>>, vector<1x256xf32>
    tpu.vector_store %arg7[%swap3A, %swap3A_54], %add3A_53 {strides = array<i32>} : memref<8x256xf32, #tpu.memory_space<vmem>>, vector<1x256xf32>,
    %get3A_56 = arith.constant 1 : index
    %get3A_57 = arith.constant 0 : index
    %get3A_58 = vector.load %arg7[%get3A_56, %get3A_57] : memref<8x256xf32, #tpu.memory_space<vmem>>, vector<1x256xf32>
    %mul3A_59 = arith.mulf %add3A_46, %add3A_46 : vector<4096x256xf32>
    %reduce_sum3A_60 = arith.constant dense<0.000000e+00> : vector<256xf32>
    %reduce_sum3A_61 = vector.multi_reduction <add>, %mul3A_59, %reduce_sum3A_60 [0] : vector<4096x256xf32> to vector<256xf32>
    %broadcast_in_dim3A_62 = vector.shape_cast %reduce_sum3A_61 : vector<256xf32> to vector<1x256xf32>
    %add3A_63 = arith.addf %get3A_58, %broadcast_in_dim3A_62 : vector<1x256xf32>
    %swap3A_64 = arith.constant 1 : index
    %swap3A_65 = arith.constant 0 : index
    %swap3A_66 = vector.load %arg7[%swap3A_64, %swap3A_65] : memref<8x256xf32, #tpu.memory_space<vmem>>, vector<1x256xf32>
    tpu.vector_store %arg7[%swap3A_64, %swap3A_65], %add3A_63 {strides = array<i32>} : memref<8x256xf32, #tpu.memory_space<vmem>>, vector<1x256xf32>,
    return
  }
  func.func @transform_0(%arg0: i32) -> (i32, i32) {
    %c0_i32 = arith.constant 0 : i32
    %c0_i32_0 = arith.constant 0 : i32
    return %arg0, %c0_i32 : i32, i32
  }
  func.func @transform_1(%arg0: i32) -> (i32, i32) {
    %c0_i32 = arith.constant 0 : i32
    %c0_i32_0 = arith.constant 0 : i32
    %c0_i32_1 = arith.constant 0 : i32
    return %c0_i32, %c0_i32_0 : i32, i32
  }
  func.func @transform_2(%arg0: i32) -> (i32, i32) {
    %c0_i32 = arith.constant 0 : i32
    %c0_i32_0 = arith.constant 0 : i32
    %c0_i32_1 = arith.constant 0 : i32
    return %c0_i32, %c0_i32_0 : i32, i32
  }
  func.func @transform_3(%arg0: i32) -> (i32, i32) {
    %c0_i32 = arith.constant 0 : i32
    %c0_i32_0 = arith.constant 0 : i32
    %c0_i32_1 = arith.constant 0 : i32
    return %c0_i32, %c0_i32_0 : i32, i32
  }
  func.func @transform_4(%arg0: i32) -> (i32, i32) {
    %c0_i32 = arith.constant 0 : i32
    %c0_i32_0 = arith.constant 0 : i32
    %c0_i32_1 = arith.constant 0 : i32
    return %c0_i32, %c0_i32_0 : i32, i32
  }
  func.func @transform_5(%arg0: i32) -> (i32, i32) {
    %c0_i32 = arith.constant 0 : i32
    %c0_i32_0 = arith.constant 0 : i32
    %c0_i32_1 = arith.constant 0 : i32
    return %c0_i32, %c0_i32_0 : i32, i32
  }
  func.func @transform_6(%arg0: i32) -> (i32, i32) {
    %c0_i32 = arith.constant 0 : i32
    %c0_i32_0 = arith.constant 0 : i32
    %c0_i32_1 = arith.constant 0 : i32
    return %c0_i32, %c0_i32_0 : i32, i32
  }
}

module attributes {stable_mosaic.version = 14 : i64} {
  func.func @_p3_body(%arg0: i32, %arg1: memref<4096x128xf32, #tpu.memory_space<vmem>>, %arg2: memref<8x128xf32, #tpu.memory_space<vmem>>, %arg3: memref<8x256xf32, #tpu.memory_space<vmem>>, %arg4: memref<1x128xf32, #tpu.memory_space<vmem>>, %arg5: memref<1x128xf32, #tpu.memory_space<vmem>>, %arg6: memref<128x256xf32, #tpu.memory_space<vmem>>, %arg7: memref<1x256xf32, #tpu.memory_space<vmem>>, %arg8: memref<1x256xf32, #tpu.memory_space<vmem>>, %arg9: memref<1x256xf32, #tpu.memory_space<vmem>>, %arg10: memref<256x128xf32, #tpu.memory_space<vmem>>) attributes {dimension_semantics = [#tpu.dimension_semantics<arbitrary>], iteration_bounds = array<i64: 8>, scalar_prefetch = 0 : i64, scratch_operands = 0 : i64, tpu.core_type = #tpu.core_type<tc>, window_params = [{transform_indices = @transform_0, window_bounds = array<i64: 4096, 128>}, {pipeline_mode = #tpu.pipeline_mode<synchronous>, transform_indices = @transform_1, window_bounds = array<i64: 8, 128>}, {pipeline_mode = #tpu.pipeline_mode<synchronous>, transform_indices = @transform_2, window_bounds = array<i64: 8, 256>}, {pipeline_mode = #tpu.pipeline_mode<synchronous>, transform_indices = @transform_3, window_bounds = array<i64: 1, 128>}, {pipeline_mode = #tpu.pipeline_mode<synchronous>, transform_indices = @transform_4, window_bounds = array<i64: 1, 128>}, {pipeline_mode = #tpu.pipeline_mode<synchronous>, transform_indices = @transform_5, window_bounds = array<i64: 128, 256>}, {pipeline_mode = #tpu.pipeline_mode<synchronous>, transform_indices = @transform_6, window_bounds = array<i64: 1, 256>}, {pipeline_mode = #tpu.pipeline_mode<synchronous>, transform_indices = @transform_7, window_bounds = array<i64: 1, 256>}, {pipeline_mode = #tpu.pipeline_mode<synchronous>, transform_indices = @transform_8, window_bounds = array<i64: 1, 256>}, {transform_indices = @transform_9, window_bounds = array<i64: 256, 128>}]} {
    %get3A = arith.constant 0 : index
    %get3A_0 = arith.constant 0 : index
    %get3A_1 = vector.load %arg2[%get3A, %get3A_0] : memref<8x128xf32, #tpu.memory_space<vmem>>, vector<1x128xf32>
    %div3A = arith.constant 3.276800e+04 : f32
    %div3A_2 = vector.broadcast %div3A : f32 to vector<1x128xf32>
    %div3A_3 = arith.divf %get3A_1, %div3A_2 : vector<1x128xf32>
    %get3A_4 = arith.constant 1 : index
    %get3A_5 = arith.constant 0 : index
    %get3A_6 = vector.load %arg2[%get3A_4, %get3A_5] : memref<8x128xf32, #tpu.memory_space<vmem>>, vector<1x128xf32>
    %div3A_7 = arith.constant 3.276800e+04 : f32
    %div3A_8 = vector.broadcast %div3A_7 : f32 to vector<1x128xf32>
    %div3A_9 = arith.divf %get3A_6, %div3A_8 : vector<1x128xf32>
    %mul3A = arith.mulf %div3A_3, %div3A_3 : vector<1x128xf32>
    %sub3A = arith.subf %div3A_9, %mul3A : vector<1x128xf32>
    %get3A_10 = arith.constant 0 : index
    %get3A_11 = arith.constant 0 : index
    %get3A_12 = vector.load %arg1[%get3A_10, %get3A_11] : memref<4096x128xf32, #tpu.memory_space<vmem>>, vector<4096x128xf32>
    %sub3A_13 = vector.broadcast %div3A_3 : vector<1x128xf32> to vector<4096x128xf32>
    %sub3A_14 = arith.subf %get3A_12, %sub3A_13 : vector<4096x128xf32>
    %add3A = arith.constant 9.99999974E-6 : f32
    %add3A_15 = vector.broadcast %add3A : f32 to vector<1x128xf32>
    %add3A_16 = arith.addf %sub3A, %add3A_15 : vector<1x128xf32>
    %sqrt3A = math.sqrt %add3A_16 : vector<1x128xf32>
    %div3A_17 = vector.broadcast %sqrt3A : vector<1x128xf32> to vector<4096x128xf32>
    %div3A_18 = arith.divf %sub3A_14, %div3A_17 : vector<4096x128xf32>
    %get3A_19 = arith.constant 0 : index
    %get3A_20 = arith.constant 0 : index
    %get3A_21 = vector.load %arg4[%get3A_19, %get3A_20] : memref<1x128xf32, #tpu.memory_space<vmem>>, vector<1x128xf32>
    %mul3A_22 = vector.broadcast %get3A_21 : vector<1x128xf32> to vector<4096x128xf32>
    %mul3A_23 = arith.mulf %div3A_18, %mul3A_22 : vector<4096x128xf32>
    %get3A_24 = arith.constant 0 : index
    %get3A_25 = arith.constant 0 : index
    %get3A_26 = vector.load %arg5[%get3A_24, %get3A_25] : memref<1x128xf32, #tpu.memory_space<vmem>>, vector<1x128xf32>
    %add3A_27 = vector.broadcast %get3A_26 : vector<1x128xf32> to vector<4096x128xf32>
    %add3A_28 = arith.addf %mul3A_23, %add3A_27 : vector<4096x128xf32>
    %neg3A = arith.constant 0.000000e+00 : f32
    %neg3A_29 = vector.broadcast %neg3A : f32 to vector<4096x128xf32>
    %neg3A_30 = arith.subf %neg3A_29, %add3A_28 : vector<4096x128xf32>
    %exp3A = math.exp %neg3A_30 : vector<4096x128xf32>
    %add3A_31 = arith.constant 1.000000e+00 : f32
    %add3A_32 = vector.broadcast %add3A_31 : f32 to vector<4096x128xf32>
    %add3A_33 = arith.addf %add3A_32, %exp3A : vector<4096x128xf32>
    %div3A_34 = arith.constant 1.000000e+00 : f32
    %div3A_35 = vector.broadcast %div3A_34 : f32 to vector<4096x128xf32>
    %div3A_36 = arith.divf %div3A_35, %add3A_33 : vector<4096x128xf32>
    %mul3A_37 = arith.mulf %add3A_28, %div3A_36 : vector<4096x128xf32>
    %get3A_38 = arith.constant 0 : index
    %get3A_39 = arith.constant 0 : index
    %get3A_40 = vector.load %arg6[%get3A_38, %get3A_39] : memref<128x256xf32, #tpu.memory_space<vmem>>, vector<128x256xf32>
    %dot_general3A = arith.constant dense<0.000000e+00> : vector<4096x256xf32>
    %dot_general3A_41 = tpu.matmul %mul3A_37, %get3A_40, %dot_general3A {dimension_numbers = #tpu.dot_dimension_numbers<[1], [0], [0], [1], [0, 0, 1, 1], [], []>, transpose_lhs_hint = false} : vector<4096x128xf32>, vector<128x256xf32>, vector<4096x256xf32> -> vector<4096x256xf32>
    %get3A_42 = arith.constant 0 : index
    %get3A_43 = arith.constant 0 : index
    %get3A_44 = vector.load %arg7[%get3A_42, %get3A_43] : memref<1x256xf32, #tpu.memory_space<vmem>>, vector<1x256xf32>
    %add3A_45 = vector.broadcast %get3A_44 : vector<1x256xf32> to vector<4096x256xf32>
    %add3A_46 = arith.addf %dot_general3A_41, %add3A_45 : vector<4096x256xf32>
    %get3A_47 = arith.constant 0 : index
    %get3A_48 = arith.constant 0 : index
    %get3A_49 = vector.load %arg3[%get3A_47, %get3A_48] : memref<8x256xf32, #tpu.memory_space<vmem>>, vector<1x256xf32>
    %div3A_50 = arith.constant 3.276800e+04 : f32
    %div3A_51 = vector.broadcast %div3A_50 : f32 to vector<1x256xf32>
    %div3A_52 = arith.divf %get3A_49, %div3A_51 : vector<1x256xf32>
    %get3A_53 = arith.constant 1 : index
    %get3A_54 = arith.constant 0 : index
    %get3A_55 = vector.load %arg3[%get3A_53, %get3A_54] : memref<8x256xf32, #tpu.memory_space<vmem>>, vector<1x256xf32>
    %div3A_56 = arith.constant 3.276800e+04 : f32
    %div3A_57 = vector.broadcast %div3A_56 : f32 to vector<1x256xf32>
    %div3A_58 = arith.divf %get3A_55, %div3A_57 : vector<1x256xf32>
    %mul3A_59 = arith.mulf %div3A_52, %div3A_52 : vector<1x256xf32>
    %sub3A_60 = arith.subf %div3A_58, %mul3A_59 : vector<1x256xf32>
    %sub3A_61 = vector.broadcast %div3A_52 : vector<1x256xf32> to vector<4096x256xf32>
    %sub3A_62 = arith.subf %add3A_46, %sub3A_61 : vector<4096x256xf32>
    %add3A_63 = arith.constant 9.99999974E-6 : f32
    %add3A_64 = vector.broadcast %add3A_63 : f32 to vector<1x256xf32>
    %add3A_65 = arith.addf %sub3A_60, %add3A_64 : vector<1x256xf32>
    %sqrt3A_66 = math.sqrt %add3A_65 : vector<1x256xf32>
    %div3A_67 = vector.broadcast %sqrt3A_66 : vector<1x256xf32> to vector<4096x256xf32>
    %div3A_68 = arith.divf %sub3A_62, %div3A_67 : vector<4096x256xf32>
    %get3A_69 = arith.constant 0 : index
    %get3A_70 = arith.constant 0 : index
    %get3A_71 = vector.load %arg8[%get3A_69, %get3A_70] : memref<1x256xf32, #tpu.memory_space<vmem>>, vector<1x256xf32>
    %mul3A_72 = vector.broadcast %get3A_71 : vector<1x256xf32> to vector<4096x256xf32>
    %mul3A_73 = arith.mulf %div3A_68, %mul3A_72 : vector<4096x256xf32>
    %get3A_74 = arith.constant 0 : index
    %get3A_75 = arith.constant 0 : index
    %get3A_76 = vector.load %arg9[%get3A_74, %get3A_75] : memref<1x256xf32, #tpu.memory_space<vmem>>, vector<1x256xf32>
    %add3A_77 = vector.broadcast %get3A_76 : vector<1x256xf32> to vector<4096x256xf32>
    %add3A_78 = arith.addf %mul3A_73, %add3A_77 : vector<4096x256xf32>
    %slice3A = vector.extract_strided_slice %add3A_78 {offsets = [0, 0], sizes = [4096, 128], strides = [1, 1]} : vector<4096x256xf32> to vector<4096x128xf32>
    %neg3A_79 = arith.constant 0.000000e+00 : f32
    %neg3A_80 = vector.broadcast %neg3A_79 : f32 to vector<4096x128xf32>
    %neg3A_81 = arith.subf %neg3A_80, %slice3A : vector<4096x128xf32>
    %exp3A_82 = math.exp %neg3A_81 : vector<4096x128xf32>
    %add3A_83 = arith.constant 1.000000e+00 : f32
    %add3A_84 = vector.broadcast %add3A_83 : f32 to vector<4096x128xf32>
    %add3A_85 = arith.addf %add3A_84, %exp3A_82 : vector<4096x128xf32>
    %div3A_86 = arith.constant 1.000000e+00 : f32
    %div3A_87 = vector.broadcast %div3A_86 : f32 to vector<4096x128xf32>
    %div3A_88 = arith.divf %div3A_87, %add3A_85 : vector<4096x128xf32>
    %slice3A_89 = vector.extract_strided_slice %add3A_78 {offsets = [0, 128], sizes = [4096, 128], strides = [1, 1]} : vector<4096x256xf32> to vector<4096x128xf32>
    %max3A = arith.constant 0.000000e+00 : f32
    %max3A_90 = vector.broadcast %max3A : f32 to vector<4096x128xf32>
    %max3A_91 = arith.maximumf %slice3A_89, %max3A_90 : vector<4096x128xf32>
    %abs3A = math.absf %slice3A_89 : vector<4096x128xf32>
    %neg3A_92 = arith.constant 0.000000e+00 : f32
    %neg3A_93 = vector.broadcast %neg3A_92 : f32 to vector<4096x128xf32>
    %neg3A_94 = arith.subf %neg3A_93, %abs3A : vector<4096x128xf32>
    %exp3A_95 = math.exp %neg3A_94 : vector<4096x128xf32>
    %add3A_96 = arith.constant 1.000000e+00 : f32
    %add3A_97 = vector.broadcast %add3A_96 : f32 to vector<4096x128xf32>
    %add3A_98 = arith.addf %add3A_97, %exp3A_95 : vector<4096x128xf32>
    %log3A = math.log %add3A_98 : vector<4096x128xf32>
    %add3A_99 = arith.addf %max3A_91, %log3A : vector<4096x128xf32>
    %mul3A_100 = arith.mulf %div3A_88, %add3A_99 : vector<4096x128xf32>
    %iota3A = tpu.iota {dimensions = array<i32: 0>} : vector<4096x256xi32>
    %jit3A = arith.constant 16 : i32
    %div3A_101 = vector.broadcast %jit3A : i32 to vector<4096x256xi32>
    %div3A_102 = arith.divsi %iota3A, %div3A_101 : vector<4096x256xi32>
    %sign3A = arith.constant 0 : i32
    %sign3A_103 = vector.broadcast %sign3A : i32 to vector<4096x256xi32>
    %sign3A_104 = arith.cmpi sgt, %iota3A, %sign3A_103 : vector<4096x256xi32>
    %sign3A_105 = arith.extui %sign3A_104 : vector<4096x256xi1> to vector<4096x256xi32>
    %sign3A_106 = arith.constant 0 : i32
    %sign3A_107 = vector.broadcast %sign3A_106 : i32 to vector<4096x256xi32>
    %sign3A_108 = arith.cmpi slt, %iota3A, %sign3A_107 : vector<4096x256xi32>
    %sign3A_109 = arith.extui %sign3A_108 : vector<4096x256xi1> to vector<4096x256xi32>
    %sign3A_110 = arith.subi %sign3A_105, %sign3A_109 : vector<4096x256xi32>
    %sign3A_111 = arith.constant 0 : i32
    %sign3A_112 = arith.cmpi sgt, %jit3A, %sign3A_111 : i32
    %sign3A_113 = arith.extui %sign3A_112 : i1 to i32
    %sign3A_114 = arith.constant 0 : i32
    %sign3A_115 = arith.cmpi slt, %jit3A, %sign3A_114 : i32
    %sign3A_116 = arith.extui %sign3A_115 : i1 to i32
    %sign3A_117 = arith.subi %sign3A_113, %sign3A_116 : i32
    %ne3A = vector.broadcast %sign3A_117 : i32 to vector<4096x256xi32>
    %ne3A_118 = arith.cmpi ne, %sign3A_110, %ne3A : vector<4096x256xi32>
    %rem3A = vector.broadcast %jit3A : i32 to vector<4096x256xi32>
    %rem3A_119 = arith.remsi %iota3A, %rem3A : vector<4096x256xi32>
    %ne3A_120 = arith.constant 0 : i32
    %ne3A_121 = vector.broadcast %ne3A_120 : i32 to vector<4096x256xi32>
    %ne3A_122 = arith.cmpi ne, %rem3A_119, %ne3A_121 : vector<4096x256xi32>
    %and3A = arith.andi %ne3A_118, %ne3A_122 : vector<4096x256xi1>
    %sub3A_123 = arith.constant 1 : i32
    %sub3A_124 = vector.broadcast %sub3A_123 : i32 to vector<4096x256xi32>
    %sub3A_125 = arith.subi %div3A_102, %sub3A_124 : vector<4096x256xi32>
    %select_n3A = arith.select %and3A, %sub3A_125, %div3A_102 : vector<4096x256xi1>, vector<4096x256xi32>
    %iota3A_126 = tpu.iota {dimensions = array<i32: 1>} : vector<4096x256xi32>
    %eq3A = arith.cmpi eq, %select_n3A, %iota3A_126 : vector<4096x256xi32>
    %convert_element_type3A = arith.extui %eq3A : vector<4096x256xi1> to vector<4096x256xi32>
    %convert_element_type3A_127 = arith.sitofp %convert_element_type3A : vector<4096x256xi32> to vector<4096x256xf32>
    %dot_general3A_128 = arith.constant dense<0.000000e+00> : vector<256x128xf32>
    %dot_general3A_129 = tpu.matmul %convert_element_type3A_127, %mul3A_100, %dot_general3A_128 {dimension_numbers = #tpu.dot_dimension_numbers<[0], [0], [1], [1], [0, 1, 1, 1], [], []>, precision = #tpu.contract_precision<fp32>, transpose_lhs_hint = false} : vector<4096x256xf32>, vector<4096x128xf32>, vector<256x128xf32> -> vector<256x128xf32>
    %swap3A = arith.constant 0 : index
    %swap3A_130 = arith.constant 0 : index
    %swap3A_131 = vector.load %arg10[%swap3A, %swap3A_130] : memref<256x128xf32, #tpu.memory_space<vmem>>, vector<256x128xf32>
    tpu.vector_store %arg10[%swap3A, %swap3A_130], %dot_general3A_129 {strides = array<i32>} : memref<256x128xf32, #tpu.memory_space<vmem>>, vector<256x128xf32>,
    return
  }
  func.func @transform_0(%arg0: i32) -> (i32, i32) {
    %c0_i32 = arith.constant 0 : i32
    %c0_i32_0 = arith.constant 0 : i32
    return %arg0, %c0_i32 : i32, i32
  }
  func.func @transform_1(%arg0: i32) -> (i32, i32) {
    %c0_i32 = arith.constant 0 : i32
    %c0_i32_0 = arith.constant 0 : i32
    %c0_i32_1 = arith.constant 0 : i32
    return %c0_i32, %c0_i32_0 : i32, i32
  }
  func.func @transform_2(%arg0: i32) -> (i32, i32) {
    %c0_i32 = arith.constant 0 : i32
    %c0_i32_0 = arith.constant 0 : i32
    %c0_i32_1 = arith.constant 0 : i32
    return %c0_i32, %c0_i32_0 : i32, i32
  }
  func.func @transform_3(%arg0: i32) -> (i32, i32) {
    %c0_i32 = arith.constant 0 : i32
    %c0_i32_0 = arith.constant 0 : i32
    %c0_i32_1 = arith.constant 0 : i32
    return %c0_i32, %c0_i32_0 : i32, i32
  }
  func.func @transform_4(%arg0: i32) -> (i32, i32) {
    %c0_i32 = arith.constant 0 : i32
    %c0_i32_0 = arith.constant 0 : i32
    %c0_i32_1 = arith.constant 0 : i32
    return %c0_i32, %c0_i32_0 : i32, i32
  }
  func.func @transform_5(%arg0: i32) -> (i32, i32) {
    %c0_i32 = arith.constant 0 : i32
    %c0_i32_0 = arith.constant 0 : i32
    %c0_i32_1 = arith.constant 0 : i32
    return %c0_i32, %c0_i32_0 : i32, i32
  }
  func.func @transform_6(%arg0: i32) -> (i32, i32) {
    %c0_i32 = arith.constant 0 : i32
    %c0_i32_0 = arith.constant 0 : i32
    %c0_i32_1 = arith.constant 0 : i32
    return %c0_i32, %c0_i32_0 : i32, i32
  }
  func.func @transform_7(%arg0: i32) -> (i32, i32) {
    %c0_i32 = arith.constant 0 : i32
    %c0_i32_0 = arith.constant 0 : i32
    %c0_i32_1 = arith.constant 0 : i32
    return %c0_i32, %c0_i32_0 : i32, i32
  }
  func.func @transform_8(%arg0: i32) -> (i32, i32) {
    %c0_i32 = arith.constant 0 : i32
    %c0_i32_0 = arith.constant 0 : i32
    %c0_i32_1 = arith.constant 0 : i32
    return %c0_i32, %c0_i32_0 : i32, i32
  }
  func.func @transform_9(%arg0: i32) -> (i32, i32) {
    %c0_i32 = arith.constant 0 : i32
    %c0_i32_0 = arith.constant 0 : i32
    return %arg0, %c0_i32 : i32, i32
  }
}

module attributes {stable_mosaic.version = 14 : i64} {
  func.func @_mix_body(%arg0: memref<8192x128xf32, #tpu.memory_space<vmem>>, %arg1: memref<8192x128xf32, #tpu.memory_space<vmem>>, %arg2: memref<128x128xf32, #tpu.memory_space<vmem>>, %arg3: memref<128x128xf32, #tpu.memory_space<vmem>>, %arg4: memref<1x128xf32, #tpu.memory_space<vmem>>, %arg5: memref<1x128xf32, #tpu.memory_space<vmem>>, %arg6: memref<1x128xf32, #tpu.memory_space<vmem>>, %arg7: memref<128x128xf32, #tpu.memory_space<vmem>>, %arg8: memref<1x128xf32, #tpu.memory_space<vmem>>, %arg9: memref<1x128xf32, #tpu.memory_space<vmem>>, %arg10: memref<1x128xf32, #tpu.memory_space<vmem>>, %arg11: memref<8192x128xf32, #tpu.memory_space<vmem>>) attributes {dimension_semantics = [], scalar_prefetch = 0 : i64, scratch_operands = 0 : i64, tpu.core_type = #tpu.core_type<tc>} {
    %get3A = arith.constant 0 : index
    %get3A_0 = arith.constant 0 : index
    %get3A_1 = vector.load %arg0[%get3A, %get3A_0] : memref<8192x128xf32, #tpu.memory_space<vmem>>, vector<8192x128xf32>
    %get3A_2 = arith.constant 0 : index
    %get3A_3 = arith.constant 0 : index
    %get3A_4 = vector.load %arg2[%get3A_2, %get3A_3] : memref<128x128xf32, #tpu.memory_space<vmem>>, vector<128x128xf32>
    %dot_general3A = arith.constant dense<0.000000e+00> : vector<8192x128xf32>
    %dot_general3A_5 = tpu.matmul %get3A_1, %get3A_4, %dot_general3A {dimension_numbers = #tpu.dot_dimension_numbers<[1], [0], [0], [1], [0, 0, 1, 1], [], []>, transpose_lhs_hint = false} : vector<8192x128xf32>, vector<128x128xf32>, vector<8192x128xf32> -> vector<8192x128xf32>
    %get3A_6 = arith.constant 0 : index
    %get3A_7 = arith.constant 0 : index
    %get3A_8 = vector.load %arg1[%get3A_6, %get3A_7] : memref<8192x128xf32, #tpu.memory_space<vmem>>, vector<8192x128xf32>
    %get3A_9 = arith.constant 0 : index
    %get3A_10 = arith.constant 0 : index
    %get3A_11 = vector.load %arg3[%get3A_9, %get3A_10] : memref<128x128xf32, #tpu.memory_space<vmem>>, vector<128x128xf32>
    %dot_general3A_12 = arith.constant dense<0.000000e+00> : vector<8192x128xf32>
    %dot_general3A_13 = tpu.matmul %get3A_8, %get3A_11, %dot_general3A_12 {dimension_numbers = #tpu.dot_dimension_numbers<[1], [0], [0], [1], [0, 0, 1, 1], [], []>, transpose_lhs_hint = false} : vector<8192x128xf32>, vector<128x128xf32>, vector<8192x128xf32> -> vector<8192x128xf32>
    %add3A = arith.addf %dot_general3A_5, %dot_general3A_13 : vector<8192x128xf32>
    %get3A_14 = arith.constant 0 : index
    %get3A_15 = arith.constant 0 : index
    %get3A_16 = vector.load %arg4[%get3A_14, %get3A_15] : memref<1x128xf32, #tpu.memory_space<vmem>>, vector<1x128xf32>
    %add3A_17 = vector.broadcast %get3A_16 : vector<1x128xf32> to vector<8192x128xf32>
    %add3A_18 = arith.addf %add3A, %add3A_17 : vector<8192x128xf32>
    %get3A_19 = arith.constant 0 : index
    %get3A_20 = arith.constant 0 : index
    %get3A_21 = vector.load %arg5[%get3A_19, %get3A_20] : memref<1x128xf32, #tpu.memory_space<vmem>>, vector<1x128xf32>
    %get3A_22 = arith.constant 0 : index
    %get3A_23 = arith.constant 0 : index
    %get3A_24 = vector.load %arg6[%get3A_22, %get3A_23] : memref<1x128xf32, #tpu.memory_space<vmem>>, vector<1x128xf32>
    %reduce_sum3A = arith.constant dense<0.000000e+00> : vector<128xf32>
    %reduce_sum3A_25 = vector.multi_reduction <add>, %add3A_18, %reduce_sum3A [0] : vector<8192x128xf32> to vector<128xf32>
    %broadcast_in_dim3A = vector.shape_cast %reduce_sum3A_25 : vector<128xf32> to vector<1x128xf32>
    %div3A = arith.constant 8.192000e+03 : f32
    %div3A_26 = vector.broadcast %div3A : f32 to vector<1x128xf32>
    %div3A_27 = arith.divf %broadcast_in_dim3A, %div3A_26 : vector<1x128xf32>
    %sub3A = vector.broadcast %div3A_27 : vector<1x128xf32> to vector<8192x128xf32>
    %sub3A_28 = arith.subf %add3A_18, %sub3A : vector<8192x128xf32>
    %integer_pow3A = arith.mulf %sub3A_28, %sub3A_28 : vector<8192x128xf32>
    %reduce_sum3A_29 = arith.constant dense<0.000000e+00> : vector<128xf32>
    %reduce_sum3A_30 = vector.multi_reduction <add>, %integer_pow3A, %reduce_sum3A_29 [0] : vector<8192x128xf32> to vector<128xf32>
    %broadcast_in_dim3A_31 = vector.shape_cast %reduce_sum3A_30 : vector<128xf32> to vector<1x128xf32>
    %div3A_32 = arith.constant 8.192000e+03 : f32
    %div3A_33 = vector.broadcast %div3A_32 : f32 to vector<1x128xf32>
    %div3A_34 = arith.divf %broadcast_in_dim3A_31, %div3A_33 : vector<1x128xf32>
    %sub3A_35 = vector.broadcast %div3A_27 : vector<1x128xf32> to vector<8192x128xf32>
    %sub3A_36 = arith.subf %add3A_18, %sub3A_35 : vector<8192x128xf32>
    %add3A_37 = arith.constant 9.99999974E-6 : f32
    %add3A_38 = vector.broadcast %add3A_37 : f32 to vector<1x128xf32>
    %add3A_39 = arith.addf %div3A_34, %add3A_38 : vector<1x128xf32>
    %sqrt3A = math.sqrt %add3A_39 : vector<1x128xf32>
    %div3A_40 = vector.broadcast %sqrt3A : vector<1x128xf32> to vector<8192x128xf32>
    %div3A_41 = arith.divf %sub3A_36, %div3A_40 : vector<8192x128xf32>
    %mul3A = vector.broadcast %get3A_21 : vector<1x128xf32> to vector<8192x128xf32>
    %mul3A_42 = arith.mulf %div3A_41, %mul3A : vector<8192x128xf32>
    %add3A_43 = vector.broadcast %get3A_24 : vector<1x128xf32> to vector<8192x128xf32>
    %add3A_44 = arith.addf %mul3A_42, %add3A_43 : vector<8192x128xf32>
    %neg3A = arith.constant 0.000000e+00 : f32
    %neg3A_45 = vector.broadcast %neg3A : f32 to vector<8192x128xf32>
    %neg3A_46 = arith.subf %neg3A_45, %add3A_44 : vector<8192x128xf32>
    %exp3A = math.exp %neg3A_46 : vector<8192x128xf32>
    %add3A_47 = arith.constant 1.000000e+00 : f32
    %add3A_48 = vector.broadcast %add3A_47 : f32 to vector<8192x128xf32>
    %add3A_49 = arith.addf %add3A_48, %exp3A : vector<8192x128xf32>
    %div3A_50 = arith.constant 1.000000e+00 : f32
    %div3A_51 = vector.broadcast %div3A_50 : f32 to vector<8192x128xf32>
    %div3A_52 = arith.divf %div3A_51, %add3A_49 : vector<8192x128xf32>
    %mul3A_53 = arith.mulf %add3A_44, %div3A_52 : vector<8192x128xf32>
    %get3A_54 = arith.constant 0 : index
    %get3A_55 = arith.constant 0 : index
    %get3A_56 = vector.load %arg7[%get3A_54, %get3A_55] : memref<128x128xf32, #tpu.memory_space<vmem>>, vector<128x128xf32>
    %dot_general3A_57 = arith.constant dense<0.000000e+00> : vector<8192x128xf32>
    %dot_general3A_58 = tpu.matmul %mul3A_53, %get3A_56, %dot_general3A_57 {dimension_numbers = #tpu.dot_dimension_numbers<[1], [0], [0], [1], [0, 0, 1, 1], [], []>, transpose_lhs_hint = false} : vector<8192x128xf32>, vector<128x128xf32>, vector<8192x128xf32> -> vector<8192x128xf32>
    %get3A_59 = arith.constant 0 : index
    %get3A_60 = arith.constant 0 : index
    %get3A_61 = vector.load %arg8[%get3A_59, %get3A_60] : memref<1x128xf32, #tpu.memory_space<vmem>>, vector<1x128xf32>
    %add3A_62 = vector.broadcast %get3A_61 : vector<1x128xf32> to vector<8192x128xf32>
    %add3A_63 = arith.addf %dot_general3A_58, %add3A_62 : vector<8192x128xf32>
    %get3A_64 = arith.constant 0 : index
    %get3A_65 = arith.constant 0 : index
    %get3A_66 = vector.load %arg9[%get3A_64, %get3A_65] : memref<1x128xf32, #tpu.memory_space<vmem>>, vector<1x128xf32>
    %get3A_67 = arith.constant 0 : index
    %get3A_68 = arith.constant 0 : index
    %get3A_69 = vector.load %arg10[%get3A_67, %get3A_68] : memref<1x128xf32, #tpu.memory_space<vmem>>, vector<1x128xf32>
    %reduce_sum3A_70 = arith.constant dense<0.000000e+00> : vector<128xf32>
    %reduce_sum3A_71 = vector.multi_reduction <add>, %add3A_63, %reduce_sum3A_70 [0] : vector<8192x128xf32> to vector<128xf32>
    %broadcast_in_dim3A_72 = vector.shape_cast %reduce_sum3A_71 : vector<128xf32> to vector<1x128xf32>
    %div3A_73 = arith.constant 8.192000e+03 : f32
    %div3A_74 = vector.broadcast %div3A_73 : f32 to vector<1x128xf32>
    %div3A_75 = arith.divf %broadcast_in_dim3A_72, %div3A_74 : vector<1x128xf32>
    %sub3A_76 = vector.broadcast %div3A_75 : vector<1x128xf32> to vector<8192x128xf32>
    %sub3A_77 = arith.subf %add3A_63, %sub3A_76 : vector<8192x128xf32>
    %integer_pow3A_78 = arith.mulf %sub3A_77, %sub3A_77 : vector<8192x128xf32>
    %reduce_sum3A_79 = arith.constant dense<0.000000e+00> : vector<128xf32>
    %reduce_sum3A_80 = vector.multi_reduction <add>, %integer_pow3A_78, %reduce_sum3A_79 [0] : vector<8192x128xf32> to vector<128xf32>
    %broadcast_in_dim3A_81 = vector.shape_cast %reduce_sum3A_80 : vector<128xf32> to vector<1x128xf32>
    %div3A_82 = arith.constant 8.192000e+03 : f32
    %div3A_83 = vector.broadcast %div3A_82 : f32 to vector<1x128xf32>
    %div3A_84 = arith.divf %broadcast_in_dim3A_81, %div3A_83 : vector<1x128xf32>
    %sub3A_85 = vector.broadcast %div3A_75 : vector<1x128xf32> to vector<8192x128xf32>
    %sub3A_86 = arith.subf %add3A_63, %sub3A_85 : vector<8192x128xf32>
    %add3A_87 = arith.constant 9.99999974E-6 : f32
    %add3A_88 = vector.broadcast %add3A_87 : f32 to vector<1x128xf32>
    %add3A_89 = arith.addf %div3A_84, %add3A_88 : vector<1x128xf32>
    %sqrt3A_90 = math.sqrt %add3A_89 : vector<1x128xf32>
    %div3A_91 = vector.broadcast %sqrt3A_90 : vector<1x128xf32> to vector<8192x128xf32>
    %div3A_92 = arith.divf %sub3A_86, %div3A_91 : vector<8192x128xf32>
    %mul3A_93 = vector.broadcast %get3A_66 : vector<1x128xf32> to vector<8192x128xf32>
    %mul3A_94 = arith.mulf %div3A_92, %mul3A_93 : vector<8192x128xf32>
    %add3A_95 = vector.broadcast %get3A_69 : vector<1x128xf32> to vector<8192x128xf32>
    %add3A_96 = arith.addf %mul3A_94, %add3A_95 : vector<8192x128xf32>
    %swap3A = arith.constant 0 : index
    %swap3A_97 = arith.constant 0 : index
    %swap3A_98 = vector.load %arg11[%swap3A, %swap3A_97] : memref<8192x128xf32, #tpu.memory_space<vmem>>, vector<8192x128xf32>
    tpu.vector_store %arg11[%swap3A, %swap3A_97], %add3A_96 {strides = array<i32>} : memref<8192x128xf32, #tpu.memory_space<vmem>>, vector<8192x128xf32>,
    return
  }
}

module attributes {stable_mosaic.version = 14 : i64} {
  func.func @_mix_body(%arg0: memref<2048x128xf32, #tpu.memory_space<vmem>>, %arg1: memref<2048x128xf32, #tpu.memory_space<vmem>>, %arg2: memref<128x128xf32, #tpu.memory_space<vmem>>, %arg3: memref<128x128xf32, #tpu.memory_space<vmem>>, %arg4: memref<1x128xf32, #tpu.memory_space<vmem>>, %arg5: memref<1x128xf32, #tpu.memory_space<vmem>>, %arg6: memref<1x128xf32, #tpu.memory_space<vmem>>, %arg7: memref<128x128xf32, #tpu.memory_space<vmem>>, %arg8: memref<1x128xf32, #tpu.memory_space<vmem>>, %arg9: memref<1x128xf32, #tpu.memory_space<vmem>>, %arg10: memref<1x128xf32, #tpu.memory_space<vmem>>, %arg11: memref<2048x128xf32, #tpu.memory_space<vmem>>) attributes {dimension_semantics = [], scalar_prefetch = 0 : i64, scratch_operands = 0 : i64, tpu.core_type = #tpu.core_type<tc>} {
    %get3A = arith.constant 0 : index
    %get3A_0 = arith.constant 0 : index
    %get3A_1 = vector.load %arg0[%get3A, %get3A_0] : memref<2048x128xf32, #tpu.memory_space<vmem>>, vector<2048x128xf32>
    %get3A_2 = arith.constant 0 : index
    %get3A_3 = arith.constant 0 : index
    %get3A_4 = vector.load %arg2[%get3A_2, %get3A_3] : memref<128x128xf32, #tpu.memory_space<vmem>>, vector<128x128xf32>
    %dot_general3A = arith.constant dense<0.000000e+00> : vector<2048x128xf32>
    %dot_general3A_5 = tpu.matmul %get3A_1, %get3A_4, %dot_general3A {dimension_numbers = #tpu.dot_dimension_numbers<[1], [0], [0], [1], [0, 0, 1, 1], [], []>, transpose_lhs_hint = false} : vector<2048x128xf32>, vector<128x128xf32>, vector<2048x128xf32> -> vector<2048x128xf32>
    %get3A_6 = arith.constant 0 : index
    %get3A_7 = arith.constant 0 : index
    %get3A_8 = vector.load %arg1[%get3A_6, %get3A_7] : memref<2048x128xf32, #tpu.memory_space<vmem>>, vector<2048x128xf32>
    %get3A_9 = arith.constant 0 : index
    %get3A_10 = arith.constant 0 : index
    %get3A_11 = vector.load %arg3[%get3A_9, %get3A_10] : memref<128x128xf32, #tpu.memory_space<vmem>>, vector<128x128xf32>
    %dot_general3A_12 = arith.constant dense<0.000000e+00> : vector<2048x128xf32>
    %dot_general3A_13 = tpu.matmul %get3A_8, %get3A_11, %dot_general3A_12 {dimension_numbers = #tpu.dot_dimension_numbers<[1], [0], [0], [1], [0, 0, 1, 1], [], []>, transpose_lhs_hint = false} : vector<2048x128xf32>, vector<128x128xf32>, vector<2048x128xf32> -> vector<2048x128xf32>
    %add3A = arith.addf %dot_general3A_5, %dot_general3A_13 : vector<2048x128xf32>
    %get3A_14 = arith.constant 0 : index
    %get3A_15 = arith.constant 0 : index
    %get3A_16 = vector.load %arg4[%get3A_14, %get3A_15] : memref<1x128xf32, #tpu.memory_space<vmem>>, vector<1x128xf32>
    %add3A_17 = vector.broadcast %get3A_16 : vector<1x128xf32> to vector<2048x128xf32>
    %add3A_18 = arith.addf %add3A, %add3A_17 : vector<2048x128xf32>
    %get3A_19 = arith.constant 0 : index
    %get3A_20 = arith.constant 0 : index
    %get3A_21 = vector.load %arg5[%get3A_19, %get3A_20] : memref<1x128xf32, #tpu.memory_space<vmem>>, vector<1x128xf32>
    %get3A_22 = arith.constant 0 : index
    %get3A_23 = arith.constant 0 : index
    %get3A_24 = vector.load %arg6[%get3A_22, %get3A_23] : memref<1x128xf32, #tpu.memory_space<vmem>>, vector<1x128xf32>
    %reduce_sum3A = arith.constant dense<0.000000e+00> : vector<128xf32>
    %reduce_sum3A_25 = vector.multi_reduction <add>, %add3A_18, %reduce_sum3A [0] : vector<2048x128xf32> to vector<128xf32>
    %broadcast_in_dim3A = vector.shape_cast %reduce_sum3A_25 : vector<128xf32> to vector<1x128xf32>
    %div3A = arith.constant 2.048000e+03 : f32
    %div3A_26 = vector.broadcast %div3A : f32 to vector<1x128xf32>
    %div3A_27 = arith.divf %broadcast_in_dim3A, %div3A_26 : vector<1x128xf32>
    %sub3A = vector.broadcast %div3A_27 : vector<1x128xf32> to vector<2048x128xf32>
    %sub3A_28 = arith.subf %add3A_18, %sub3A : vector<2048x128xf32>
    %integer_pow3A = arith.mulf %sub3A_28, %sub3A_28 : vector<2048x128xf32>
    %reduce_sum3A_29 = arith.constant dense<0.000000e+00> : vector<128xf32>
    %reduce_sum3A_30 = vector.multi_reduction <add>, %integer_pow3A, %reduce_sum3A_29 [0] : vector<2048x128xf32> to vector<128xf32>
    %broadcast_in_dim3A_31 = vector.shape_cast %reduce_sum3A_30 : vector<128xf32> to vector<1x128xf32>
    %div3A_32 = arith.constant 2.048000e+03 : f32
    %div3A_33 = vector.broadcast %div3A_32 : f32 to vector<1x128xf32>
    %div3A_34 = arith.divf %broadcast_in_dim3A_31, %div3A_33 : vector<1x128xf32>
    %sub3A_35 = vector.broadcast %div3A_27 : vector<1x128xf32> to vector<2048x128xf32>
    %sub3A_36 = arith.subf %add3A_18, %sub3A_35 : vector<2048x128xf32>
    %add3A_37 = arith.constant 9.99999974E-6 : f32
    %add3A_38 = vector.broadcast %add3A_37 : f32 to vector<1x128xf32>
    %add3A_39 = arith.addf %div3A_34, %add3A_38 : vector<1x128xf32>
    %sqrt3A = math.sqrt %add3A_39 : vector<1x128xf32>
    %div3A_40 = vector.broadcast %sqrt3A : vector<1x128xf32> to vector<2048x128xf32>
    %div3A_41 = arith.divf %sub3A_36, %div3A_40 : vector<2048x128xf32>
    %mul3A = vector.broadcast %get3A_21 : vector<1x128xf32> to vector<2048x128xf32>
    %mul3A_42 = arith.mulf %div3A_41, %mul3A : vector<2048x128xf32>
    %add3A_43 = vector.broadcast %get3A_24 : vector<1x128xf32> to vector<2048x128xf32>
    %add3A_44 = arith.addf %mul3A_42, %add3A_43 : vector<2048x128xf32>
    %neg3A = arith.constant 0.000000e+00 : f32
    %neg3A_45 = vector.broadcast %neg3A : f32 to vector<2048x128xf32>
    %neg3A_46 = arith.subf %neg3A_45, %add3A_44 : vector<2048x128xf32>
    %exp3A = math.exp %neg3A_46 : vector<2048x128xf32>
    %add3A_47 = arith.constant 1.000000e+00 : f32
    %add3A_48 = vector.broadcast %add3A_47 : f32 to vector<2048x128xf32>
    %add3A_49 = arith.addf %add3A_48, %exp3A : vector<2048x128xf32>
    %div3A_50 = arith.constant 1.000000e+00 : f32
    %div3A_51 = vector.broadcast %div3A_50 : f32 to vector<2048x128xf32>
    %div3A_52 = arith.divf %div3A_51, %add3A_49 : vector<2048x128xf32>
    %mul3A_53 = arith.mulf %add3A_44, %div3A_52 : vector<2048x128xf32>
    %get3A_54 = arith.constant 0 : index
    %get3A_55 = arith.constant 0 : index
    %get3A_56 = vector.load %arg7[%get3A_54, %get3A_55] : memref<128x128xf32, #tpu.memory_space<vmem>>, vector<128x128xf32>
    %dot_general3A_57 = arith.constant dense<0.000000e+00> : vector<2048x128xf32>
    %dot_general3A_58 = tpu.matmul %mul3A_53, %get3A_56, %dot_general3A_57 {dimension_numbers = #tpu.dot_dimension_numbers<[1], [0], [0], [1], [0, 0, 1, 1], [], []>, transpose_lhs_hint = false} : vector<2048x128xf32>, vector<128x128xf32>, vector<2048x128xf32> -> vector<2048x128xf32>
    %get3A_59 = arith.constant 0 : index
    %get3A_60 = arith.constant 0 : index
    %get3A_61 = vector.load %arg8[%get3A_59, %get3A_60] : memref<1x128xf32, #tpu.memory_space<vmem>>, vector<1x128xf32>
    %add3A_62 = vector.broadcast %get3A_61 : vector<1x128xf32> to vector<2048x128xf32>
    %add3A_63 = arith.addf %dot_general3A_58, %add3A_62 : vector<2048x128xf32>
    %get3A_64 = arith.constant 0 : index
    %get3A_65 = arith.constant 0 : index
    %get3A_66 = vector.load %arg9[%get3A_64, %get3A_65] : memref<1x128xf32, #tpu.memory_space<vmem>>, vector<1x128xf32>
    %get3A_67 = arith.constant 0 : index
    %get3A_68 = arith.constant 0 : index
    %get3A_69 = vector.load %arg10[%get3A_67, %get3A_68] : memref<1x128xf32, #tpu.memory_space<vmem>>, vector<1x128xf32>
    %reduce_sum3A_70 = arith.constant dense<0.000000e+00> : vector<128xf32>
    %reduce_sum3A_71 = vector.multi_reduction <add>, %add3A_63, %reduce_sum3A_70 [0] : vector<2048x128xf32> to vector<128xf32>
    %broadcast_in_dim3A_72 = vector.shape_cast %reduce_sum3A_71 : vector<128xf32> to vector<1x128xf32>
    %div3A_73 = arith.constant 2.048000e+03 : f32
    %div3A_74 = vector.broadcast %div3A_73 : f32 to vector<1x128xf32>
    %div3A_75 = arith.divf %broadcast_in_dim3A_72, %div3A_74 : vector<1x128xf32>
    %sub3A_76 = vector.broadcast %div3A_75 : vector<1x128xf32> to vector<2048x128xf32>
    %sub3A_77 = arith.subf %add3A_63, %sub3A_76 : vector<2048x128xf32>
    %integer_pow3A_78 = arith.mulf %sub3A_77, %sub3A_77 : vector<2048x128xf32>
    %reduce_sum3A_79 = arith.constant dense<0.000000e+00> : vector<128xf32>
    %reduce_sum3A_80 = vector.multi_reduction <add>, %integer_pow3A_78, %reduce_sum3A_79 [0] : vector<2048x128xf32> to vector<128xf32>
    %broadcast_in_dim3A_81 = vector.shape_cast %reduce_sum3A_80 : vector<128xf32> to vector<1x128xf32>
    %div3A_82 = arith.constant 2.048000e+03 : f32
    %div3A_83 = vector.broadcast %div3A_82 : f32 to vector<1x128xf32>
    %div3A_84 = arith.divf %broadcast_in_dim3A_81, %div3A_83 : vector<1x128xf32>
    %sub3A_85 = vector.broadcast %div3A_75 : vector<1x128xf32> to vector<2048x128xf32>
    %sub3A_86 = arith.subf %add3A_63, %sub3A_85 : vector<2048x128xf32>
    %add3A_87 = arith.constant 9.99999974E-6 : f32
    %add3A_88 = vector.broadcast %add3A_87 : f32 to vector<1x128xf32>
    %add3A_89 = arith.addf %div3A_84, %add3A_88 : vector<1x128xf32>
    %sqrt3A_90 = math.sqrt %add3A_89 : vector<1x128xf32>
    %div3A_91 = vector.broadcast %sqrt3A_90 : vector<1x128xf32> to vector<2048x128xf32>
    %div3A_92 = arith.divf %sub3A_86, %div3A_91 : vector<2048x128xf32>
    %mul3A_93 = vector.broadcast %get3A_66 : vector<1x128xf32> to vector<2048x128xf32>
    %mul3A_94 = arith.mulf %div3A_92, %mul3A_93 : vector<2048x128xf32>
    %add3A_95 = vector.broadcast %get3A_69 : vector<1x128xf32> to vector<2048x128xf32>
    %add3A_96 = arith.addf %mul3A_94, %add3A_95 : vector<2048x128xf32>
    %swap3A = arith.constant 0 : index
    %swap3A_97 = arith.constant 0 : index
    %swap3A_98 = vector.load %arg11[%swap3A, %swap3A_97] : memref<2048x128xf32, #tpu.memory_space<vmem>>, vector<2048x128xf32>
    tpu.vector_store %arg11[%swap3A, %swap3A_97], %add3A_96 {strides = array<i32>} : memref<2048x128xf32, #tpu.memory_space<vmem>>, vector<2048x128xf32>,
    return
  }
}

</mosaic_0001>

<sc_bundles>
// kernel: kernel.18.cloned.1.call-start
scs
__scs_entry_jumppad:
0x0: {  	(pc) =	sbr.rel $0x88, $3  }
0x1: {  	(tag) =	ssettag $0x0;
	lr =	simm.s32 $0x1  }
0x2: {  	[smem:$0x3F6C] =	sst lr;
	_ =	strace $0xD0000000  }
0x3: {  	_ = 	snop  }
0x4: {  	_ = 	snop  }
0x5: {  	_ = 	snop  }
0x6: {  	_ = 	snop  }
0x7: {  	_ = 	snop  }
__scs_overlays_trampoline_lowered:
0x8: {  	[smem:$0x3F7B] =	sst s0  }
0x9: {  	[smem:$0x3F7C] =	sst s1  }
0xa: {  	[smem:$0x3F7D] =	sst s2  }
0xb: {  	[smem:$0x3F7E] =	sst s3  }
0xc: {  	[smem:$0x3F7F] =	sst s4  }
0xd: {  	[smem:$0x3F80] =	sst s5  }
0xe: {  	[smem:$0x3F81] =	sst s6  }
0xf: {  	[smem:$0x3F82] =	sst s7  }
0x10: {  	[smem:$0x3F83] =	sst s8  }
0x11: {  	[smem:$0x3F84] =	sst s9;
	s0 =	simm.s32 @!p0 $0x0  }
0x12: {  	s1 =	sld [smem:$0x3F6A];
	s0 =	simm.s32 @p0 $0x1  }
0x13: {  	[smem:$0x3F85] =	sst s0;
	s0 =	simm.s32 @!p1 $0x0  }
0x14: {  	s2 =	sld [smem:$0x3F69];
	s0 =	simm.s32 @p1 $0x1  }
0x15: {  	[smem:$0x3F86] =	sst s0;
	s0 =	simm.s32 @!p2 $0x0  }
0x16: {  	s3 =	sld [smem:$0x3FDB];
	s0 =	simm.s32 @p2 $0x1  }
0x17: {  	s4 =	simm.s32 $0x1BF5;
	[smem:$0x3F88] =	sst s0  }
0x18: {  	s0 =	sld [smem:$0x3F6B];
	_ =	swait.ge [sflag:s4], $0x0  }
0x19: {  	s7 =	sld [smem:$0x3F6C]  }
0x1a: {  	s8 =	sadd.s32 $0xFFFFE003, lr  }
0x1b: {  	s9 =	sadd.s32 $0xFFFFFEF7, lr;
	s5 =	simm.s32 $0xFFFFFFFF;
	p2 =	slt.u32 s8, $0xFFFFF086  }
0x1c: {  	p1 =	slt.u32 s9, $0xF7A;
	s5 =	simm.s32 @!p2 $0x0  }
0x1d: {  	s5 =	simm.s32 @p1 $0x1;
	p0 =	seq.s32 s7, s2  }
0x1e: {  	s7 =	smul.u32 @!p0 $0xF7A, s2;
	p2 =	seq.s32 @!p0 s5, $0x0  }
0x1f: {  	s9 =	smul.u32 $0xF7A, s1;
	s8 =	simm.s32 @!p0 $0x1BF5;
	p2 =	por !p2, p0  }
0x20: {  	[sflag:s8] =	ssyncset.s32 @!p0 $0xFFFFF086;
	s6 =	sadd.s32 @!p0 s3, s7;
	s7 =	simm.s32 @!p0 $0x108  }
0x21: {  	s3 =	sadd.s32 s3, s9;
	s6 =	sadd.s32 @!p0 $0x88, s6;
	s7 =	simm.s32 @p2 $0x1082  }
0x22: {  	[simem:s7], [sflag:s8] =	dma.local @!p0 [hbm:s6], $0xF7A  }
0x23: {  	s9 =	sor.u32 $0xD0000000, s2;
	s6 =	simm.s32 $0x108;
	_ =	swait.ge @!p0 [sflag:s8], $0x0  }
0x24: {  	s3 =	sadd.s32 $0x88, s3;
	s6 =	simm.s32 @!p1 $0x1082;
	[sflag:s4] =	ssyncset.s32 $0xFFFFF086  }
0x25: {  	[simem:s6], [sflag:s4] =	dma.local [hbm:s3], $0xF7A  }
0x26: {  	[smem:$0x3F6C] =	sst s1;
	(tag) =	ssettag s2;
	_ =	strace s9  }
0x27: {  	s1 =	sld [smem:$0x3F7C]  }
0x28: {  	s2 =	sld [smem:$0x3F7D]  }
0x29: {  	s4 =	sld [smem:$0x3F7F]  }
0x2a: {  	p0 =	seq.s32 s5, $0x0;
	s5 =	sld [smem:$0x3F80]  }
0x2b: {  	s6 =	sld [smem:$0x3F81]  }
0x2c: {  	s7 =	sld [smem:$0x3F82]  }
0x2d: {  	s3 =	simm.s32 $0x108;
	s8 =	sld [smem:$0x3F83]  }
0x2e: {  	s3 =	simm.s32 @!p0 $0x1082;
	s9 =	sld [smem:$0x3F84]  }
0x2f: {  	lr =	sadd.s32 s0, s3;
	s0 =	sld [smem:$0x3F7B]  }
0x30: {  	s3 =	sld [smem:$0x3F7E]  }
0x31: {  	[smem:$0x3F87] =	sst s10  }
0x32: {  	s10 =	sld [smem:$0x3F85];
	_ =	sdelay $0x3  }
0x33: {  	p0 =	seq.s32 s10, $0x1;
	s10 =	sld [smem:$0x3F87];
	_ =	sdelay $0x3  }
0x34: {  	[smem:$0x3F87] =	sst s10  }
0x35: {  	s10 =	sld [smem:$0x3F86];
	_ =	sdelay $0x3  }
0x36: {  	p1 =	seq.s32 s10, $0x1;
	s10 =	sld [smem:$0x3F87];
	_ =	sdelay $0x3  }
0x37: {  	[smem:$0x3F87] =	sst s10  }
0x38: {  	s10 =	sld [smem:$0x3F88]  }
0x39: {  	_ = 	snop;
	(pc) =	sbr.ind lr, $3  }
0x3a: {  	_ = 	snop  }
0x3b: {  	_ = 	snop  }
0x3c: {  	p2 =	seq.s32 s10, $0x1;
	s10 =	sld [smem:$0x3F87]  }
0x3d: {  	_ =	shalt  }
0x3e: {  	_ =	shalt  }
0x3f: {  	_ =	shalt  }
0x40: {  	_ =	shalt  }
0x41: {  	_ =	shalt  }
0x42: {  	_ =	shalt  }
0x43: {  	_ =	shalt  }
0x44: {  	_ =	shalt  }
0x45: {  	_ =	shalt  }
0x46: {  	_ =	shalt  }
0x47: {  	_ =	shalt  }
0x48: {  	_ =	shalt  }
0x49: {  	_ =	shalt  }
0x4a: {  	_ =	shalt  }
0x4b: {  	_ =	shalt  }
0x4c: {  	_ =	shalt  }
0x4d: {  	_ =	shalt  }
0x4e: {  	_ =	shalt  }
0x4f: {  	_ =	shalt  }
0x50: {  	_ =	shalt  }
0x51: {  	_ =	shalt  }
0x52: {  	_ =	shalt  }
0x53: {  	_ =	shalt  }
0x54: {  	_ =	shalt  }
0x55: {  	_ =	shalt  }
0x56: {  	_ =	shalt  }
0x57: {  	_ =	shalt  }
0x58: {  	_ =	shalt  }
0x59: {  	_ =	shalt  }
0x5a: {  	_ =	shalt  }
0x5b: {  	_ =	shalt  }
0x5c: {  	_ =	shalt  }
0x5d: {  	_ =	shalt  }
0x5e: {  	_ =	shalt  }
0x5f: {  	_ =	shalt  }
0x60: {  	_ =	shalt  }
0x61: {  	_ =	shalt  }
0x62: {  	_ =	shalt  }
0x63: {  	_ =	shalt  }
0x64: {  	_ =	shalt  }
0x65: {  	_ =	shalt  }
0x66: {  	_ =	shalt  }
0x67: {  	_ =	shalt  }
0x68: {  	_ =	shalt  }
0x69: {  	_ =	shalt  }
0x6a: {  	_ =	shalt  }
0x6b: {  	_ =	shalt  }
0x6c: {  	_ =	shalt  }
0x6d: {  	_ =	shalt  }
0x6e: {  	_ =	shalt  }
0x6f: {  	_ =	shalt  }
0x70: {  	_ =	shalt  }
0x71: {  	_ =	shalt  }
0x72: {  	_ =	shalt  }
0x73: {  	_ =	shalt  }
0x74: {  	_ =	shalt  }
0x75: {  	_ =	shalt  }
0x76: {  	_ =	shalt  }
0x77: {  	_ =	shalt  }
0x78: {  	_ =	shalt  }
0x79: {  	_ =	shalt  }
0x7a: {  	_ =	shalt  }
0x7b: {  	_ =	shalt  }
0x7c: {  	_ =	shalt  }
0x7d: {  	_ =	shalt  }
0x7e: {  	_ =	shalt  }
0x7f: {  	_ =	shalt  }
0x80: {  	_ =	shalt  }
0x81: {  	_ =	shalt  }
0x82: {  	_ =	shalt  }
0x83: {  	_ =	shalt  }
0x84: {  	_ =	shalt  }
0x85: {  	_ =	shalt  }
0x86: {  	_ =	shalt  }
0x87: {  	_ =	shalt  }
.Lfunc_end0:
.L_simem_size_0:
called_computation_lowered:
.L_overlay_start_0:
0x88: {  	s2 =	sld [smem:$0x3FD9]  }
0x89: {  	s3 =	sld [smem:$0x3FFE];
	_ =	sdelay $0x1  }
0x8a: {  	s1 =	srdreg.scid  }
0x8b: {  	s0 =	sand.u32 $0x1, s1  }
0x8c: {  	s14 =	sshll.u32 s0, $0xA;
	s2 =	sadd.s32 s3, s2  }
0x8d: {  	s2 =	sadd.s32 s2, s14  }
0x8e: {  	[smem:$0x3F93] =	sst s2  }
0x8f: {  	_ = 	snop  }
0x90: {  	s2 =	sld [smem:$0x3FD0];
	_ =	sdelay $0x2  }
0x91: {  	s15 =	simm.s32 $0xD;
	s4 =	simm.s32 $0x10  }
0x92: {  	[smem:s4], [sflag:s15] =	dma.local [hbm:s2], $0x1  }
0x93: {  	_ =	swait.eq [sflag:s15], $0x1  }
0x94: {  	[sflag:s15] =	ssyncset.done $0x0  }
0x95: {  	[sflag:s15] =	ssyncadd.s32 $0xFFFFFFFF  }
0x96: {  	s16 =	sld [smem:$0x11];
	(tm) =	ssettm $0x1  }
0x97: {  	s17 =	sld [smem:$0x3FFB];
	_ =	sdelay $0x3  }
0x98: {  	_ =	strace s17  }
0x99: {  	s3 =	sld [smem:$0x3FFC];
	_ =	sdelay $0x3  }
0x9a: {  	_ =	strace s3  }
0x9b: {  	s3 =	sld [smem:$0x3FFD];
	_ =	sdelay $0x3  }
0x9c: {  	_ =	strace s3  }
0x9d: {  	_ =	strace $0x8FFFFFFF  }
0x9e: {  	s18 =	sld [smem:$0x3FDB];
	_ =	sdelay $0x1  }
0x9f: {  	s19 =	simm.s32 $_scs_section_size  }
0xa0: {  	s5 =	simm.s32 $_size__tile_overlayer_lowered;
	s6 =	simm.s32 $_tile_overlayer_lowered  }
0xa1: {  	s22 =	simm.s32 $0x1BFF;
	s21 =	sshll.u32 s6, $0x1;
	s3 =	sadd.s32 s19, s18  }
0xa2: {  	s7 =	simm.s32 $0x0;
	s20 =	sshll.u32 s5, $0x1;
	s5 =	sadd.s32 s21, s3  }
0xa3: {  	[timem:s7], [sflag:s22] =	dma.local [hbm:s5], s20  }
0xa4: {  	_ =	swait.ge [sflag:s22], s20  }
0xa5: {  	s4 =	ssub.s32 $0x0, s20;
	[sflag:s22] =	ssyncset.done $0x0  }
0xa6: {  	[sflag:s22] =	ssyncadd.s32 s4;
	_ =	sdelay $0x1  }
0xa7: {  	s23 =	simm.s32 $0x1B8B  }
0xa8: {  	_ =	swait.ge [sflag:s23], $0x1  }
0xa9: {  	[sflag:s23] =	ssyncset.done $0x0  }
0xaa: {  	s25 =	simm.s32 $0x1B8E;
	s24 =	sld [smem:$0x3FFE];
	[sflag:s23] =	ssyncadd.s32 $0xFFFFFFFF  }
0xab: {  	s26 =	simm.s32 $execute0_lowered;
	[smem:$0x3FD2] =	sst s25  }
0xac: {  	s5 =	sshll.u32 s26, $0x1;
	_ =	strace $0x80000046;
	[dreg:$0x1] =	wrdreg $0xFFFFFFFF  }
0xad: {  	s28 =	simm.s32 $_size_execute0_lowered;
	s3 =	sadd.s32 s3, s5;
	[dreg:$0x0] =	wrdreg $0x0  }
0xae: {  	s5 =	sshll.u32 s28, $0x1;
	[dreg:$0x2] =	wrdreg s3  }
0xaf: {  	[dreg:$0x3] =	wrdreg s5  }
0xb0: {  	[dreg:$0x4] =	wrdreg $0xC0  }
0xb1: {  	_ =	task [dreg:s7], $0x5FFFF  }
0xb2: {  	[dreg:$0x1] =	wrdreg $0xFFFFFFFF  }
0xb3: {  	[dreg:$0x0] =	wrdreg $0x60  }
0xb4: {  	[dreg:$0x2] =	wrdreg s16  }
0xb5: {  	[dreg:$0x3] =	wrdreg s24  }
0xb6: {  	[dreg:$0x4] =	wrdreg $0x9  }
0xb7: {  	_ =	task.clear_ibuf [dreg:s7], $0x5FFFF;
	_ =	strace $0x90000046  }
0xb8: {  	s29 =	simm.s32 $0x9;
	_ =	strace $0x80000048  }
0xb9: {  	_ =	swait.ge [sflag:s29], $0x1  }
0xba: {  	[sflag:s29] =	ssyncadd.s32 $0xFFFFFFFF  }
0xbb: {  	_ =	strace $0x90000048  }
0xbc: {  	_ =	sfence  }
0xbd: {  	s30 =	sld [smem:$0x0];
	_ =	sdelay $0x2  }
0xbe: {  	s31 =	sshll.u32 s1, $0xD;
	s1 =	sshrl.u32 s1, $0x2  }
0xbf: {  	s3 =	sand.u32 $0x4000, s31;
	s1 =	sadd.s32 s1, s30  }
0xc0: {  	s0 =	sor.u32 s3, s0;
	s1 =	sshll.u32 s1, $0x11  }
0xc1: {  	s0 =	sor.u32 s1, s0  }
0xc2: {  	s0 =	sadd.s32 $0x8F2B, s0  }
0xc3: {  	[sflag:s0] =	ssyncadd.remote.s32 $0x1  }
0xc4: {  	_ =	sfence.sel $0xFFFF  }
0xc5: {  	[dreg:$0x0] =	wrdreg $0xFFFFFFFF;
	(pc) =	sbr.abs _section_cstart, $3  }
0xc6: {  	[dreg:$0x1] =	wrdreg $0xFFFFFFFF  }
0xc7: {  	_ =	task.clear_ibuf [dreg:s7], $0x2FFFF;
	_ =	strace $0x9FFFFFFF  }
0xc8: {  	(tm) =	ssettm $0x7FFFFFFF  }
0xc9: {  	_ =	shalt  }
tec
execute0_lowered:
.L_overlay_start_1:
0x0: {  	(tag) =	ssettag $0x1  }
0x1: {  	s1 =	rddreg [dreg:$0x0]  }
0x2: {  	s4 =	rddreg [dreg:$0x1]  }
0x3: {  	s0 =	rddreg [dreg:$0x2];
	s5 =	srdreg.scid  }
0x4: {  	s3 =	simm.s32 $0x0;
	s2 =	stileid.u32;
	s10 =	simm.s32 $0x0  }
0x5: {  	s5 =	sand.u32 $0x1, s5;
	[smem:$0x7FF] =	sst s3;
	s6 =	sshll.u32 s2, $0xD  }
0x6: {  	s8 =	sshll.u32 s2, $0x11;
	s7 =	sshll.u32 s5, $0xC;
	_ =	strace $0x80000047  }
0x7: {  	s31 =	ssub.s32 $0x2, s5;
	s8 =	sadd.s32 s8, s4;
	s5 =	sshll.u32 s5, $0x10  }
0x8: {  	s6 =	sor.u32 s7, s6;
	s9 =	sshrl.u32 s31, $0x1;
	s5 =	sadd.s32 s5, s8  }
0x9: {  	s8 =	simm.s32 $0x200;
	s6 =	sshrl.u32 s6, $0x3;
	s7 =	ssub.s32 s31, s9  }
0xa: {  	s5 =	sadd.s32 $0xD200, s5;
	s9 =	simm.s32 $0x1;
	s6 =	sadd.s32 s6, s4  }
0xb: {  	s4 =	smax.u32 s7, $0x1;
	s7 =	simm.s32 $0x2;
	s6 =	sadd.s32 $0x9200, s6  }
.LBB2_1:
0xc: {  	s11 =	sadd.s32 $0x0, s6  }
0xd: {  	[tilespmem:s3], [sflag:$0x2] =	stream.linear.gather [hbm4b:s11+s3], $0x200, $0x38;
	[tilespmem:$0x10200] =	vst v63  }
0xe: {  	_ =	swait.ge [sflag:s7], $0x200  }
0xf: {  	[sflag:s7] =	ssyncset.done $0x0  }
0x10: {  	[sflag:s7] =	ssyncadd.s32 $0xFFFFFE00  }
0x11: {  	[tilespmem:s8], [sflag:$0x1] =	stream.indirect.gather [hbm4b:s1+s8], $0x80, s3, s8, $0xb8;
	[tilespmem:$0x10200] =	vst v63  }
0x12: {  	_ =	swait.ge [sflag:s9], $0x10000  }
0x13: {  	[sflag:s9] =	ssyncset.done $0x0  }
0x14: {  	[sflag:s9] =	ssyncadd.s32 $0xFFFF0000  }
0x15: {  	[hbm4b:s5+s3] =	stream.linear.scatter [tilespmem:s8], [sflag:$0x2], $0x10000, $0x38;
	[tilespmem:$0x10200] =	vst v63  }
0x16: {  	s12 =	simm.s32 $0x40;
	_ =	swait.ge [sflag:s7], $0x10000  }
0x17: {  	s13 =	simm.s32 $0x80;
	s11 =	sadd.s32 $0x2000, s5;
	[sflag:s7] =	ssyncset.done $0x0  }
.LBB2_2:
0x18: {  	s14 =	sadd.s32 s12, s6  }
0x19: {  	[sflag:s7] =	ssyncadd.s32 $0xFFFF0000;
	s12 =	smov.u32 s13;
	s15 =	sadd.s32 $0x40, s13  }
0x1a: {  	[tilespmem:s3], [sflag:$0x2] =	stream.linear.gather [hbm4b:s14+s3], $0x200, $0x38;
	[tilespmem:$0x10200] =	vst v63  }
0x1b: {  	p0 =	sne.s32 s13, $0x1C0;
	_ =	swait.ge [sflag:s7], $0x200  }
0x1c: {  	[sflag:s7] =	ssyncset.done $0x0  }
0x1d: {  	[sflag:s7] =	ssyncadd.s32 $0xFFFFFE00  }
0x1e: {  	[tilespmem:s8], [sflag:$0x1] =	stream.indirect.gather [hbm4b:s1+s8], $0x80, s3, s8, $0xb8;
	[tilespmem:$0x10200] =	vst v63  }
0x1f: {  	_ =	swait.ge [sflag:s9], $0x10000  }
.Ltmp0:
0x20: {  	[sflag:s9] =	ssyncset.done $0x0;
	(pc) =	sbr.rel @p0 .LBB2_2-.Ltmp0, $4  }
0x21: {  	[sflag:s9] =	ssyncadd.s32 $0xFFFF0000  }
0x22: {  	[hbm4b:s11+s3] =	stream.linear.scatter [tilespmem:s8], [sflag:$0x2], $0x10000, $0x38;
	[tilespmem:$0x10200] =	vst v63  }
0x23: {  	_ =	swait.ge [sflag:s7], $0x10000  }
0x24: {  	s13 =	smov.u32 s15;
	s11 =	sadd.s32 $0x2000, s11;
	[sflag:s7] =	ssyncset.done $0x0  }
0x25: {  	s12 =	sadd.s32 s12, s6;
	[sflag:s7] =	ssyncadd.s32 $0xFFFF0000  }
0x26: {  	[tilespmem:s3], [sflag:$0x2] =	stream.linear.gather [hbm4b:s12+s3], $0x200, $0x38;
	[tilespmem:$0x10200] =	vst v63  }
0x27: {  	_ =	swait.ge [sflag:s7], $0x200  }
0x28: {  	[sflag:s7] =	ssyncset.done $0x0  }
0x29: {  	[sflag:s7] =	ssyncadd.s32 $0xFFFFFE00  }
0x2a: {  	[tilespmem:s8], [sflag:$0x1] =	stream.indirect.gather [hbm4b:s1+s8], $0x80, s3, s8, $0xb8;
	[tilespmem:$0x10200] =	vst v63  }
0x2b: {  	s10 =	sadd.s32 $0x1, s10;
	_ =	swait.ge [sflag:s9], $0x10000  }
0x2c: {  	p0 =	sne.s32 s10, s4;
	[sflag:s9] =	ssyncset.done $0x0  }
.Ltmp1:
0x2d: {  	[sflag:s9] =	ssyncadd.s32 $0xFFFF0000;
	(pc) =	sbr.rel @p0 .LBB2_1-.Ltmp1, $4  }
0x2e: {  	[hbm4b:s11+s3] =	stream.linear.scatter [tilespmem:s8], [sflag:$0x2], $0x10000, $0x38;
	[tilespmem:$0x10200] =	vst v63  }
0x2f: {  	_ =	swait.ge [sflag:s7], $0x10000  }
0x30: {  	[sflag:s7] =	ssyncset.done $0x0  }
0x31: {  	[sflag:s7] =	ssyncadd.s32 $0xFFFF0000  }
0x32: {  	_ =	sfence.sel $0x180000  }
0x33: {  	[bflag:$0x0] =	sbarrier.arrive $0xFFFF  }
0x34: {  	p0 =	sne.s32 s2, $0x0;
	_ =	strace $0x90000047  }
0x35: {  	s0 =	sadd.s32 @!p0 $0x100000, s0;
	[bflag:$0x2] =	sbarrier.arrive $0xFFFF  }
0x36: {  	[sflag:s0] =	ssyncadd.tile.s32 @!p0 $0x1;
	_ =	shalt  }
.Lfunc_end2:
_tile_overlayer_lowered:
.L_overlay_start_2:
0x37: {  	(tag) =	ssettag $0x2  }
0x38: {  	s0 =	rddreg [dreg:$0x0];
	s2 =	stileid.u32  }
0x39: {  	s1 =	rddreg [dreg:$0x1];
	p0 =	sne.s32 s2, $0x0  }
0x3a: {  	s3 =	rddreg [dreg:$0x2];
	[bflag:$0x3] =	sbarrier.arrive $0xFFFF;
	s2 =	simm.s32 @!p0 $0x1C02  }
0x3b: {  	[timem:s3], [sflag:s2] =	dma.local @!p0 [hbm:s0], s1  }
0x3c: {  	s0 =	simm.s32 @!p0 $0x2  }
0x3d: {  	_ =	swait.ge @!p0 [sflag:s0], s1  }
0x3e: {  	s1 =	ssub.s32 @!p0 $0x0, s1;
	[sflag:s0] =	ssyncset.done @!p0 $0x0  }
0x3f: {  	[sflag:s0] =	ssyncadd.s32 @!p0 s1  }
0x40: {  	[bflag:$0x3] =	sbarrier.arrive $0xFFFF  }
0x41: {  	_ =	shalt  }

// kernel: kernel.21.cloned.1.call-start
scs
__scs_entry_jumppad:
0x0: {  	(pc) =	sbr.rel $0x88, $3  }
0x1: {  	(tag) =	ssettag $0x0;
	lr =	simm.s32 $0x1  }
0x2: {  	[smem:$0x3F6C] =	sst lr;
	_ =	strace $0xD0000000  }
0x3: {  	_ = 	snop  }
0x4: {  	_ = 	snop  }
0x5: {  	_ = 	snop  }
0x6: {  	_ = 	snop  }
0x7: {  	_ = 	snop  }
__scs_overlays_trampoline_lowered:
0x8: {  	[smem:$0x3F7B] =	sst s0  }
0x9: {  	[smem:$0x3F7C] =	sst s1  }
0xa: {  	[smem:$0x3F7D] =	sst s2  }
0xb: {  	[smem:$0x3F7E] =	sst s3  }
0xc: {  	[smem:$0x3F7F] =	sst s4  }
0xd: {  	[smem:$0x3F80] =	sst s5  }
0xe: {  	[smem:$0x3F81] =	sst s6  }
0xf: {  	[smem:$0x3F82] =	sst s7  }
0x10: {  	[smem:$0x3F83] =	sst s8  }
0x11: {  	[smem:$0x3F84] =	sst s9;
	s0 =	simm.s32 @!p0 $0x0  }
0x12: {  	s1 =	sld [smem:$0x3F6A];
	s0 =	simm.s32 @p0 $0x1  }
0x13: {  	[smem:$0x3F85] =	sst s0;
	s0 =	simm.s32 @!p1 $0x0  }
0x14: {  	s2 =	sld [smem:$0x3F69];
	s0 =	simm.s32 @p1 $0x1  }
0x15: {  	[smem:$0x3F86] =	sst s0;
	s0 =	simm.s32 @!p2 $0x0  }
0x16: {  	s3 =	sld [smem:$0x3FDB];
	s0 =	simm.s32 @p2 $0x1  }
0x17: {  	s4 =	simm.s32 $0x1BF5;
	[smem:$0x3F88] =	sst s0  }
0x18: {  	s0 =	sld [smem:$0x3F6B];
	_ =	swait.ge [sflag:s4], $0x0  }
0x19: {  	s7 =	sld [smem:$0x3F6C]  }
0x1a: {  	s8 =	sadd.s32 $0xFFFFE003, lr  }
0x1b: {  	s9 =	sadd.s32 $0xFFFFFEF7, lr;
	s5 =	simm.s32 $0xFFFFFFFF;
	p2 =	slt.u32 s8, $0xFFFFF086  }
0x1c: {  	p1 =	slt.u32 s9, $0xF7A;
	s5 =	simm.s32 @!p2 $0x0  }
0x1d: {  	s5 =	simm.s32 @p1 $0x1;
	p0 =	seq.s32 s7, s2  }
0x1e: {  	s7 =	smul.u32 @!p0 $0xF7A, s2;
	p2 =	seq.s32 @!p0 s5, $0x0  }
0x1f: {  	s9 =	smul.u32 $0xF7A, s1;
	s8 =	simm.s32 @!p0 $0x1BF5;
	p2 =	por !p2, p0  }
0x20: {  	[sflag:s8] =	ssyncset.s32 @!p0 $0xFFFFF086;
	s6 =	sadd.s32 @!p0 s3, s7;
	s7 =	simm.s32 @!p0 $0x108  }
0x21: {  	s3 =	sadd.s32 s3, s9;
	s6 =	sadd.s32 @!p0 $0x88, s6;
	s7 =	simm.s32 @p2 $0x1082  }
0x22: {  	[simem:s7], [sflag:s8] =	dma.local @!p0 [hbm:s6], $0xF7A  }
0x23: {  	s9 =	sor.u32 $0xD0000000, s2;
	s6 =	simm.s32 $0x108;
	_ =	swait.ge @!p0 [sflag:s8], $0x0  }
0x24: {  	s3 =	sadd.s32 $0x88, s3;
	s6 =	simm.s32 @!p1 $0x1082;
	[sflag:s4] =	ssyncset.s32 $0xFFFFF086  }
0x25: {  	[simem:s6], [sflag:s4] =	dma.local [hbm:s3], $0xF7A  }
0x26: {  	[smem:$0x3F6C] =	sst s1;
	(tag) =	ssettag s2;
	_ =	strace s9  }
0x27: {  	s1 =	sld [smem:$0x3F7C]  }
0x28: {  	s2 =	sld [smem:$0x3F7D]  }
0x29: {  	s4 =	sld [smem:$0x3F7F]  }
0x2a: {  	p0 =	seq.s32 s5, $0x0;
	s5 =	sld [smem:$0x3F80]  }
0x2b: {  	s6 =	sld [smem:$0x3F81]  }
0x2c: {  	s7 =	sld [smem:$0x3F82]  }
0x2d: {  	s3 =	simm.s32 $0x108;
	s8 =	sld [smem:$0x3F83]  }
0x2e: {  	s3 =	simm.s32 @!p0 $0x1082;
	s9 =	sld [smem:$0x3F84]  }
0x2f: {  	lr =	sadd.s32 s0, s3;
	s0 =	sld [smem:$0x3F7B]  }
0x30: {  	s3 =	sld [smem:$0x3F7E]  }
0x31: {  	[smem:$0x3F87] =	sst s10  }
0x32: {  	s10 =	sld [smem:$0x3F85];
	_ =	sdelay $0x3  }
0x33: {  	p0 =	seq.s32 s10, $0x1;
	s10 =	sld [smem:$0x3F87];
	_ =	sdelay $0x3  }
0x34: {  	[smem:$0x3F87] =	sst s10  }
0x35: {  	s10 =	sld [smem:$0x3F86];
	_ =	sdelay $0x3  }
0x36: {  	p1 =	seq.s32 s10, $0x1;
	s10 =	sld [smem:$0x3F87];
	_ =	sdelay $0x3  }
0x37: {  	[smem:$0x3F87] =	sst s10  }
0x38: {  	s10 =	sld [smem:$0x3F88]  }
0x39: {  	_ = 	snop;
	(pc) =	sbr.ind lr, $3  }
0x3a: {  	_ = 	snop  }
0x3b: {  	_ = 	snop  }
0x3c: {  	p2 =	seq.s32 s10, $0x1;
	s10 =	sld [smem:$0x3F87]  }
0x3d: {  	_ =	shalt  }
0x3e: {  	_ =	shalt  }
0x3f: {  	_ =	shalt  }
0x40: {  	_ =	shalt  }
0x41: {  	_ =	shalt  }
0x42: {  	_ =	shalt  }
0x43: {  	_ =	shalt  }
0x44: {  	_ =	shalt  }
0x45: {  	_ =	shalt  }
0x46: {  	_ =	shalt  }
0x47: {  	_ =	shalt  }
0x48: {  	_ =	shalt  }
0x49: {  	_ =	shalt  }
0x4a: {  	_ =	shalt  }
0x4b: {  	_ =	shalt  }
0x4c: {  	_ =	shalt  }
0x4d: {  	_ =	shalt  }
0x4e: {  	_ =	shalt  }
0x4f: {  	_ =	shalt  }
0x50: {  	_ =	shalt  }
0x51: {  	_ =	shalt  }
0x52: {  	_ =	shalt  }
0x53: {  	_ =	shalt  }
0x54: {  	_ =	shalt  }
0x55: {  	_ =	shalt  }
0x56: {  	_ =	shalt  }
0x57: {  	_ =	shalt  }
0x58: {  	_ =	shalt  }
0x59: {  	_ =	shalt  }
0x5a: {  	_ =	shalt  }
0x5b: {  	_ =	shalt  }
0x5c: {  	_ =	shalt  }
0x5d: {  	_ =	shalt  }
0x5e: {  	_ =	shalt  }
0x5f: {  	_ =	shalt  }
0x60: {  	_ =	shalt  }
0x61: {  	_ =	shalt  }
0x62: {  	_ =	shalt  }
0x63: {  	_ =	shalt  }
0x64: {  	_ =	shalt  }
0x65: {  	_ =	shalt  }
0x66: {  	_ =	shalt  }
0x67: {  	_ =	shalt  }
0x68: {  	_ =	shalt  }
0x69: {  	_ =	shalt  }
0x6a: {  	_ =	shalt  }
0x6b: {  	_ =	shalt  }
0x6c: {  	_ =	shalt  }
0x6d: {  	_ =	shalt  }
0x6e: {  	_ =	shalt  }
0x6f: {  	_ =	shalt  }
0x70: {  	_ =	shalt  }
0x71: {  	_ =	shalt  }
0x72: {  	_ =	shalt  }
0x73: {  	_ =	shalt  }
0x74: {  	_ =	shalt  }
0x75: {  	_ =	shalt  }
0x76: {  	_ =	shalt  }
0x77: {  	_ =	shalt  }
0x78: {  	_ =	shalt  }
0x79: {  	_ =	shalt  }
0x7a: {  	_ =	shalt  }
0x7b: {  	_ =	shalt  }
0x7c: {  	_ =	shalt  }
0x7d: {  	_ =	shalt  }
0x7e: {  	_ =	shalt  }
0x7f: {  	_ =	shalt  }
0x80: {  	_ =	shalt  }
0x81: {  	_ =	shalt  }
0x82: {  	_ =	shalt  }
0x83: {  	_ =	shalt  }
0x84: {  	_ =	shalt  }
0x85: {  	_ =	shalt  }
0x86: {  	_ =	shalt  }
0x87: {  	_ =	shalt  }
.Lfunc_end0:
.L_simem_size_0:
called_computation.1_lowered:
.L_overlay_start_0:
0x88: {  	s2 =	sld [smem:$0x3FD9]  }
0x89: {  	s3 =	sld [smem:$0x3FFE];
	_ =	sdelay $0x1  }
0x8a: {  	s1 =	srdreg.scid  }
0x8b: {  	s0 =	sand.u32 $0x1, s1  }
0x8c: {  	s17 =	sshll.u32 s0, $0xA;
	s2 =	sadd.s32 s3, s2  }
0x8d: {  	s2 =	sadd.s32 s2, s17  }
0x8e: {  	[smem:$0x3F93] =	sst s2  }
0x8f: {  	_ = 	snop  }
0x90: {  	(tm) =	ssettm $0x1  }
0x91: {  	s18 =	sld [smem:$0x3FFB];
	_ =	sdelay $0x3  }
0x92: {  	_ =	strace s18  }
0x93: {  	s2 =	sld [smem:$0x3FFC];
	_ =	sdelay $0x3  }
0x94: {  	_ =	strace s2  }
0x95: {  	s2 =	sld [smem:$0x3FFD];
	_ =	sdelay $0x3  }
0x96: {  	_ =	strace s2  }
0x97: {  	_ =	strace $0x8FFFFFFF  }
0x98: {  	s19 =	sld [smem:$0x3FDB];
	_ =	sdelay $0x1  }
0x99: {  	s20 =	simm.s32 $_scs_section_size  }
0x9a: {  	s4 =	simm.s32 $_size__tile_overlayer_lowered;
	s5 =	simm.s32 $_tile_overlayer_lowered  }
0x9b: {  	s6 =	simm.s32 $0x1BFF;
	s21 =	sshll.u32 s5, $0x1;
	s3 =	sadd.s32 s20, s19  }
0x9c: {  	s22 =	simm.s32 $0x0;
	s4 =	sshll.u32 s4, $0x1;
	s5 =	sadd.s32 s21, s3  }
0x9d: {  	[timem:s22], [sflag:s6] =	dma.local [hbm:s5], s4  }
0x9e: {  	_ =	swait.ge [sflag:s6], s4  }
0x9f: {  	s4 =	ssub.s32 $0x0, s4;
	[sflag:s6] =	ssyncset.done $0x0  }
0xa0: {  	[sflag:s6] =	ssyncadd.s32 s4;
	_ =	sdelay $0x1  }
0xa1: {  	s23 =	simm.s32 $0x1B8B  }
0xa2: {  	_ =	swait.ge [sflag:s23], $0x1  }
0xa3: {  	[sflag:s23] =	ssyncset.done $0x0  }
0xa4: {  	[sflag:s23] =	ssyncadd.s32 $0xFFFFFFFF  }
0xa5: {  	s4 =	sld [smem:$0x0]  }
0xa6: {  	s5 =	sand.u32 $0xFFFFFFFE, s1  }
0xa7: {  	p0 =	sne.s32 s1, s5  }
0xa8: {  	s5 =	sshll.u32 @p0 s5, $0xE  }
0xa9: {  	s5 =	sadd.s32 @p0 $0x11B8D, s5;
	s6 =	sshll.u32 @p0 s4, $0x11  }
0xaa: {  	s5 =	sor.u32 @p0 s6, s5  }
0xab: {  	[sflag:s5] =	ssyncadd.remote.s32 @p0 $0x1;
	_ =	sdelay $0x1  }
0xac: {  	s5 =	simm.s32 @p0 $0x1B8D  }
0xad: {  	_ =	swait.eq @p0 [sflag:s5], $0x1  }
0xae: {  	[sflag:s5] =	ssyncadd.s32 @p0 $0xFFFFFFFF  }
0xaf: {  	s6 =	sshll.u32 @!p0 s1, $0xE  }
0xb0: {  	s6 =	sor.u32 @!p0 $0x4000, s6;
	s5 =	simm.s32 @!p0 $0x1B8D  }
0xb1: {  	s4 =	sshll.u32 @!p0 s4, $0x11;
	s6 =	sadd.s32 @!p0 $0x11B8D, s6;
	_ =	swait.eq @!p0 [sflag:s5], $0x1  }
0xb2: {  	s4 =	sor.u32 @!p0 s4, s6;
	[sflag:s5] =	ssyncadd.s32 @!p0 $0xFFFFFFFF  }
0xb3: {  	s25 =	simm.s32 $0x1B8E;
	s24 =	sld [smem:$0x3FFE];
	[sflag:s4] =	ssyncadd.remote.s32 @!p0 $0x1  }
0xb4: {  	s26 =	simm.s32 $execute0_lowered;
	[smem:$0x3FD2] =	sst s25  }
0xb5: {  	s5 =	sshll.u32 s26, $0x1;
	_ =	strace $0x80000049;
	[dreg:$0x1] =	wrdreg $0xFFFFFFFF  }
0xb6: {  	s28 =	simm.s32 $_size_execute0_lowered;
	s3 =	sadd.s32 s3, s5;
	[dreg:$0x0] =	wrdreg $0x0  }
0xb7: {  	s5 =	sshll.u32 s28, $0x1;
	[dreg:$0x2] =	wrdreg s3  }
0xb8: {  	[dreg:$0x3] =	wrdreg s5  }
0xb9: {  	[dreg:$0x4] =	wrdreg $0xC0  }
0xba: {  	_ =	task [dreg:s22], $0x5FFFF  }
0xbb: {  	[dreg:$0x1] =	wrdreg $0xFFFFFFFF  }
0xbc: {  	[dreg:$0x0] =	wrdreg $0x60  }
0xbd: {  	[dreg:$0x2] =	wrdreg s24  }
0xbe: {  	[dreg:$0x3] =	wrdreg $0xA  }
0xbf: {  	_ =	task.clear_ibuf [dreg:s22], $0x4FFFF;
	_ =	strace $0x90000049  }
0xc0: {  	s29 =	simm.s32 $0xA;
	_ =	strace $0x8000004B  }
0xc1: {  	_ =	swait.ge [sflag:s29], $0x1  }
0xc2: {  	[sflag:s29] =	ssyncadd.s32 $0xFFFFFFFF  }
0xc3: {  	_ =	strace $0x9000004B  }
0xc4: {  	_ =	sfence  }
0xc5: {  	s30 =	sld [smem:$0x0];
	_ =	sdelay $0x2  }
0xc6: {  	s31 =	sshll.u32 s1, $0xD;
	s1 =	sshrl.u32 s1, $0x2  }
0xc7: {  	s4 =	sand.u32 $0x4000, s31;
	s1 =	sadd.s32 s1, s30  }
0xc8: {  	s0 =	sor.u32 s4, s0;
	s1 =	sshll.u32 s1, $0x11  }
0xc9: {  	s0 =	sor.u32 s1, s0  }
0xca: {  	s0 =	sadd.s32 $0x8F2B, s0  }
0xcb: {  	[sflag:s0] =	ssyncadd.remote.s32 $0x1  }
0xcc: {  	_ =	sfence.sel $0xFFFF  }
0xcd: {  	[dreg:$0x0] =	wrdreg $0xFFFFFFFF;
	(pc) =	sbr.abs _section_cstart, $3  }
0xce: {  	[dreg:$0x1] =	wrdreg $0xFFFFFFFF  }
0xcf: {  	_ =	task.clear_ibuf [dreg:s22], $0x2FFFF;
	_ =	strace $0x9FFFFFFF  }
0xd0: {  	(tm) =	ssettm $0x7FFFFFFF  }
0xd1: {  	_ =	shalt  }
tec
execute0_lowered:
.L_overlay_start_1:
0x0: {  	(tag) =	ssettag $0x1  }
0x1: {  	s4 =	rddreg [dreg:$0x0]  }
0x2: {  	s0 =	rddreg [dreg:$0x1];
	s2 =	simm.s32 $0x0;
	s3 =	srdreg.scid  }
0x3: {  	s1 =	stileid.u32;
	s10 =	simm.s32 $0x0;
	[smem:$0x7FF] =	sst s2  }
0x4: {  	s5 =	sand.u32 $0x1, s3;
	s6 =	sshll.u32 s1, $0xD;
	s3 =	sadd.s32 $0x20D200, s4  }
0x5: {  	s8 =	sshll.u32 s1, $0x11;
	_ =	strace $0x8000004A;
	s7 =	sshll.u32 s5, $0xC  }
0x6: {  	s31 =	ssub.s32 $0x2, s5;
	s8 =	sadd.s32 s8, s4;
	s5 =	sshll.u32 s5, $0x10  }
0x7: {  	s6 =	sor.u32 s7, s6;
	s9 =	sshrl.u32 s31, $0x1;
	s5 =	sadd.s32 s5, s8  }
0x8: {  	s8 =	simm.s32 $0x200;
	s6 =	sshrl.u32 s6, $0x3;
	s7 =	ssub.s32 s31, s9  }
0x9: {  	s5 =	sadd.s32 $0x215200, s5;
	s9 =	simm.s32 $0x1;
	s6 =	sadd.s32 s6, s4  }
0xa: {  	s4 =	smax.u32 s7, $0x1;
	s7 =	simm.s32 $0x2;
	s6 =	sadd.s32 $0x9200, s6  }
.LBB2_1:
0xb: {  	s11 =	sadd.s32 $0x0, s6  }
0xc: {  	[tilespmem:s2], [sflag:$0x2] =	stream.linear.gather [hbm4b:s11+s2], $0x200, $0x38;
	[tilespmem:$0x10200] =	vst v63  }
0xd: {  	_ =	swait.ge [sflag:s7], $0x200  }
0xe: {  	[sflag:s7] =	ssyncset.done $0x0  }
0xf: {  	[sflag:s7] =	ssyncadd.s32 $0xFFFFFE00  }
0x10: {  	[tilespmem:s8], [sflag:$0x1] =	stream.indirect.gather [hbm4b:s3+s8], $0x80, s2, s8, $0xb8;
	[tilespmem:$0x10200] =	vst v63  }
0x11: {  	_ =	swait.ge [sflag:s9], $0x10000  }
0x12: {  	[sflag:s9] =	ssyncset.done $0x0  }
0x13: {  	[sflag:s9] =	ssyncadd.s32 $0xFFFF0000  }
0x14: {  	[hbm4b:s5+s2] =	stream.linear.scatter [tilespmem:s8], [sflag:$0x2], $0x10000, $0x38;
	[tilespmem:$0x10200] =	vst v63  }
0x15: {  	s12 =	simm.s32 $0x40;
	_ =	swait.ge [sflag:s7], $0x10000  }
0x16: {  	s13 =	simm.s32 $0x80;
	s11 =	sadd.s32 $0x2000, s5;
	[sflag:s7] =	ssyncset.done $0x0  }
.LBB2_2:
0x17: {  	s14 =	sadd.s32 s12, s6  }
0x18: {  	[sflag:s7] =	ssyncadd.s32 $0xFFFF0000;
	s12 =	smov.u32 s13;
	s15 =	sadd.s32 $0x40, s13  }
0x19: {  	[tilespmem:s2], [sflag:$0x2] =	stream.linear.gather [hbm4b:s14+s2], $0x200, $0x38;
	[tilespmem:$0x10200] =	vst v63  }
0x1a: {  	p0 =	sne.s32 s13, $0x1C0;
	_ =	swait.ge [sflag:s7], $0x200  }
0x1b: {  	[sflag:s7] =	ssyncset.done $0x0  }
0x1c: {  	[sflag:s7] =	ssyncadd.s32 $0xFFFFFE00  }
0x1d: {  	[tilespmem:s8], [sflag:$0x1] =	stream.indirect.gather [hbm4b:s3+s8], $0x80, s2, s8, $0xb8;
	[tilespmem:$0x10200] =	vst v63  }
0x1e: {  	_ =	swait.ge [sflag:s9], $0x10000  }
.Ltmp0:
0x1f: {  	[sflag:s9] =	ssyncset.done $0x0;
	(pc) =	sbr.rel @p0 .LBB2_2-.Ltmp0, $4  }
0x20: {  	[sflag:s9] =	ssyncadd.s32 $0xFFFF0000  }
0x21: {  	[hbm4b:s11+s2] =	stream.linear.scatter [tilespmem:s8], [sflag:$0x2], $0x10000, $0x38;
	[tilespmem:$0x10200] =	vst v63  }
0x22: {  	_ =	swait.ge [sflag:s7], $0x10000  }
0x23: {  	s13 =	smov.u32 s15;
	s11 =	sadd.s32 $0x2000, s11;
	[sflag:s7] =	ssyncset.done $0x0  }
0x24: {  	s12 =	sadd.s32 s12, s6;
	[sflag:s7] =	ssyncadd.s32 $0xFFFF0000  }
0x25: {  	[tilespmem:s2], [sflag:$0x2] =	stream.linear.gather [hbm4b:s12+s2], $0x200, $0x38;
	[tilespmem:$0x10200] =	vst v63  }
0x26: {  	_ =	swait.ge [sflag:s7], $0x200  }
0x27: {  	[sflag:s7] =	ssyncset.done $0x0  }
0x28: {  	[sflag:s7] =	ssyncadd.s32 $0xFFFFFE00  }
0x29: {  	[tilespmem:s8], [sflag:$0x1] =	stream.indirect.gather [hbm4b:s3+s8], $0x80, s2, s8, $0xb8;
	[tilespmem:$0x10200] =	vst v63  }
0x2a: {  	s10 =	sadd.s32 $0x1, s10;
	_ =	swait.ge [sflag:s9], $0x10000  }
0x2b: {  	p0 =	sne.s32 s10, s4;
	[sflag:s9] =	ssyncset.done $0x0  }
.Ltmp1:
0x2c: {  	[sflag:s9] =	ssyncadd.s32 $0xFFFF0000;
	(pc) =	sbr.rel @p0 .LBB2_1-.Ltmp1, $4  }
0x2d: {  	[hbm4b:s11+s2] =	stream.linear.scatter [tilespmem:s8], [sflag:$0x2], $0x10000, $0x38;
	[tilespmem:$0x10200] =	vst v63  }
0x2e: {  	_ =	swait.ge [sflag:s7], $0x10000  }
0x2f: {  	[sflag:s7] =	ssyncset.done $0x0  }
0x30: {  	[sflag:s7] =	ssyncadd.s32 $0xFFFF0000  }
0x31: {  	_ =	sfence.sel $0x180000  }
0x32: {  	[bflag:$0x0] =	sbarrier.arrive $0xFFFF  }
0x33: {  	p0 =	sne.s32 s1, $0x0;
	_ =	strace $0x9000004A  }
0x34: {  	s0 =	sadd.s32 @!p0 $0x100000, s0;
	[bflag:$0x2] =	sbarrier.arrive $0xFFFF  }
0x35: {  	[sflag:s0] =	ssyncadd.tile.s32 @!p0 $0x1;
	_ =	shalt  }
.Lfunc_end2:
_tile_overlayer_lowered:
.L_overlay_start_2:
0x36: {  	(tag) =	ssettag $0x2  }
0x37: {  	s0 =	rddreg [dreg:$0x0];
	s2 =	stileid.u32  }
0x38: {  	s1 =	rddreg [dreg:$0x1];
	p0 =	sne.s32 s2, $0x0  }
0x39: {  	s3 =	rddreg [dreg:$0x2];
	[bflag:$0x3] =	sbarrier.arrive $0xFFFF;
	s2 =	simm.s32 @!p0 $0x1C02  }
0x3a: {  	[timem:s3], [sflag:s2] =	dma.local @!p0 [hbm:s0], s1  }
0x3b: {  	s0 =	simm.s32 @!p0 $0x2  }
0x3c: {  	_ =	swait.ge @!p0 [sflag:s0], s1  }
0x3d: {  	s1 =	ssub.s32 @!p0 $0x0, s1;
	[sflag:s0] =	ssyncset.done @!p0 $0x0  }
0x3e: {  	[sflag:s0] =	ssyncadd.s32 @!p0 s1  }
0x3f: {  	[bflag:$0x3] =	sbarrier.arrive $0xFFFF  }
0x40: {  	_ =	shalt  }

// kernel: kernel.24.cloned.1.call-start
scs
__scs_entry_jumppad:
0x0: {  	(pc) =	sbr.rel $0x88, $3  }
0x1: {  	(tag) =	ssettag $0x0;
	lr =	simm.s32 $0x1  }
0x2: {  	[smem:$0x3F6C] =	sst lr;
	_ =	strace $0xD0000000  }
0x3: {  	_ = 	snop  }
0x4: {  	_ = 	snop  }
0x5: {  	_ = 	snop  }
0x6: {  	_ = 	snop  }
0x7: {  	_ = 	snop  }
__scs_overlays_trampoline_lowered:
0x8: {  	[smem:$0x3F7B] =	sst s0  }
0x9: {  	[smem:$0x3F7C] =	sst s1  }
0xa: {  	[smem:$0x3F7D] =	sst s2  }
0xb: {  	[smem:$0x3F7E] =	sst s3  }
0xc: {  	[smem:$0x3F7F] =	sst s4  }
0xd: {  	[smem:$0x3F80] =	sst s5  }
0xe: {  	[smem:$0x3F81] =	sst s6  }
0xf: {  	[smem:$0x3F82] =	sst s7  }
0x10: {  	[smem:$0x3F83] =	sst s8  }
0x11: {  	[smem:$0x3F84] =	sst s9;
	s0 =	simm.s32 @!p0 $0x0  }
0x12: {  	s1 =	sld [smem:$0x3F6A];
	s0 =	simm.s32 @p0 $0x1  }
0x13: {  	[smem:$0x3F85] =	sst s0;
	s0 =	simm.s32 @!p1 $0x0  }
0x14: {  	s2 =	sld [smem:$0x3F69];
	s0 =	simm.s32 @p1 $0x1  }
0x15: {  	[smem:$0x3F86] =	sst s0;
	s0 =	simm.s32 @!p2 $0x0  }
0x16: {  	s3 =	sld [smem:$0x3FDB];
	s0 =	simm.s32 @p2 $0x1  }
0x17: {  	s4 =	simm.s32 $0x1BF5;
	[smem:$0x3F88] =	sst s0  }
0x18: {  	s0 =	sld [smem:$0x3F6B];
	_ =	swait.ge [sflag:s4], $0x0  }
0x19: {  	s7 =	sld [smem:$0x3F6C]  }
0x1a: {  	s8 =	sadd.s32 $0xFFFFE003, lr  }
0x1b: {  	s9 =	sadd.s32 $0xFFFFFEF7, lr;
	s5 =	simm.s32 $0xFFFFFFFF;
	p2 =	slt.u32 s8, $0xFFFFF086  }
0x1c: {  	p1 =	slt.u32 s9, $0xF7A;
	s5 =	simm.s32 @!p2 $0x0  }
0x1d: {  	s5 =	simm.s32 @p1 $0x1;
	p0 =	seq.s32 s7, s2  }
0x1e: {  	s7 =	smul.u32 @!p0 $0xF7A, s2;
	p2 =	seq.s32 @!p0 s5, $0x0  }
0x1f: {  	s9 =	smul.u32 $0xF7A, s1;
	s8 =	simm.s32 @!p0 $0x1BF5;
	p2 =	por !p2, p0  }
0x20: {  	[sflag:s8] =	ssyncset.s32 @!p0 $0xFFFFF086;
	s6 =	sadd.s32 @!p0 s3, s7;
	s7 =	simm.s32 @!p0 $0x108  }
0x21: {  	s3 =	sadd.s32 s3, s9;
	s6 =	sadd.s32 @!p0 $0x88, s6;
	s7 =	simm.s32 @p2 $0x1082  }
0x22: {  	[simem:s7], [sflag:s8] =	dma.local @!p0 [hbm:s6], $0xF7A  }
0x23: {  	s9 =	sor.u32 $0xD0000000, s2;
	s6 =	simm.s32 $0x108;
	_ =	swait.ge @!p0 [sflag:s8], $0x0  }
0x24: {  	s3 =	sadd.s32 $0x88, s3;
	s6 =	simm.s32 @!p1 $0x1082;
	[sflag:s4] =	ssyncset.s32 $0xFFFFF086  }
0x25: {  	[simem:s6], [sflag:s4] =	dma.local [hbm:s3], $0xF7A  }
0x26: {  	[smem:$0x3F6C] =	sst s1;
	(tag) =	ssettag s2;
	_ =	strace s9  }
0x27: {  	s1 =	sld [smem:$0x3F7C]  }
0x28: {  	s2 =	sld [smem:$0x3F7D]  }
0x29: {  	s4 =	sld [smem:$0x3F7F]  }
0x2a: {  	p0 =	seq.s32 s5, $0x0;
	s5 =	sld [smem:$0x3F80]  }
0x2b: {  	s6 =	sld [smem:$0x3F81]  }
0x2c: {  	s7 =	sld [smem:$0x3F82]  }
0x2d: {  	s3 =	simm.s32 $0x108;
	s8 =	sld [smem:$0x3F83]  }
0x2e: {  	s3 =	simm.s32 @!p0 $0x1082;
	s9 =	sld [smem:$0x3F84]  }
0x2f: {  	lr =	sadd.s32 s0, s3;
	s0 =	sld [smem:$0x3F7B]  }
0x30: {  	s3 =	sld [smem:$0x3F7E]  }
0x31: {  	[smem:$0x3F87] =	sst s10  }
0x32: {  	s10 =	sld [smem:$0x3F85];
	_ =	sdelay $0x3  }
0x33: {  	p0 =	seq.s32 s10, $0x1;
	s10 =	sld [smem:$0x3F87];
	_ =	sdelay $0x3  }
0x34: {  	[smem:$0x3F87] =	sst s10  }
0x35: {  	s10 =	sld [smem:$0x3F86];
	_ =	sdelay $0x3  }
0x36: {  	p1 =	seq.s32 s10, $0x1;
	s10 =	sld [smem:$0x3F87];
	_ =	sdelay $0x3  }
0x37: {  	[smem:$0x3F87] =	sst s10  }
0x38: {  	s10 =	sld [smem:$0x3F88]  }
0x39: {  	_ = 	snop;
	(pc) =	sbr.ind lr, $3  }
0x3a: {  	_ = 	snop  }
0x3b: {  	_ = 	snop  }
0x3c: {  	p2 =	seq.s32 s10, $0x1;
	s10 =	sld [smem:$0x3F87]  }
0x3d: {  	_ =	shalt  }
0x3e: {  	_ =	shalt  }
0x3f: {  	_ =	shalt  }
0x40: {  	_ =	shalt  }
0x41: {  	_ =	shalt  }
0x42: {  	_ =	shalt  }
0x43: {  	_ =	shalt  }
0x44: {  	_ =	shalt  }
0x45: {  	_ =	shalt  }
0x46: {  	_ =	shalt  }
0x47: {  	_ =	shalt  }
0x48: {  	_ =	shalt  }
0x49: {  	_ =	shalt  }
0x4a: {  	_ =	shalt  }
0x4b: {  	_ =	shalt  }
0x4c: {  	_ =	shalt  }
0x4d: {  	_ =	shalt  }
0x4e: {  	_ =	shalt  }
0x4f: {  	_ =	shalt  }
0x50: {  	_ =	shalt  }
0x51: {  	_ =	shalt  }
0x52: {  	_ =	shalt  }
0x53: {  	_ =	shalt  }
0x54: {  	_ =	shalt  }
0x55: {  	_ =	shalt  }
0x56: {  	_ =	shalt  }
0x57: {  	_ =	shalt  }
0x58: {  	_ =	shalt  }
0x59: {  	_ =	shalt  }
0x5a: {  	_ =	shalt  }
0x5b: {  	_ =	shalt  }
0x5c: {  	_ =	shalt  }
0x5d: {  	_ =	shalt  }
0x5e: {  	_ =	shalt  }
0x5f: {  	_ =	shalt  }
0x60: {  	_ =	shalt  }
0x61: {  	_ =	shalt  }
0x62: {  	_ =	shalt  }
0x63: {  	_ =	shalt  }
0x64: {  	_ =	shalt  }
0x65: {  	_ =	shalt  }
0x66: {  	_ =	shalt  }
0x67: {  	_ =	shalt  }
0x68: {  	_ =	shalt  }
0x69: {  	_ =	shalt  }
0x6a: {  	_ =	shalt  }
0x6b: {  	_ =	shalt  }
0x6c: {  	_ =	shalt  }
0x6d: {  	_ =	shalt  }
0x6e: {  	_ =	shalt  }
0x6f: {  	_ =	shalt  }
0x70: {  	_ =	shalt  }
0x71: {  	_ =	shalt  }
0x72: {  	_ =	shalt  }
0x73: {  	_ =	shalt  }
0x74: {  	_ =	shalt  }
0x75: {  	_ =	shalt  }
0x76: {  	_ =	shalt  }
0x77: {  	_ =	shalt  }
0x78: {  	_ =	shalt  }
0x79: {  	_ =	shalt  }
0x7a: {  	_ =	shalt  }
0x7b: {  	_ =	shalt  }
0x7c: {  	_ =	shalt  }
0x7d: {  	_ =	shalt  }
0x7e: {  	_ =	shalt  }
0x7f: {  	_ =	shalt  }
0x80: {  	_ =	shalt  }
0x81: {  	_ =	shalt  }
0x82: {  	_ =	shalt  }
0x83: {  	_ =	shalt  }
0x84: {  	_ =	shalt  }
0x85: {  	_ =	shalt  }
0x86: {  	_ =	shalt  }
0x87: {  	_ =	shalt  }
.Lfunc_end0:
.L_simem_size_0:
called_computation.2_lowered:
.L_overlay_start_0:
0x88: {  	s2 =	sld [smem:$0x3FD9]  }
0x89: {  	s3 =	sld [smem:$0x3FFE];
	_ =	sdelay $0x1  }
0x8a: {  	s1 =	srdreg.scid  }
0x8b: {  	s0 =	sand.u32 $0x1, s1  }
0x8c: {  	s17 =	sshll.u32 s0, $0xA;
	s2 =	sadd.s32 s3, s2  }
0x8d: {  	s2 =	sadd.s32 s2, s17  }
0x8e: {  	[smem:$0x3F93] =	sst s2  }
0x8f: {  	_ = 	snop  }
0x90: {  	(tm) =	ssettm $0x1  }
0x91: {  	s18 =	sld [smem:$0x3FFB];
	_ =	sdelay $0x3  }
0x92: {  	_ =	strace s18  }
0x93: {  	s2 =	sld [smem:$0x3FFC];
	_ =	sdelay $0x3  }
0x94: {  	_ =	strace s2  }
0x95: {  	s2 =	sld [smem:$0x3FFD];
	_ =	sdelay $0x3  }
0x96: {  	_ =	strace s2  }
0x97: {  	_ =	strace $0x8FFFFFFF  }
0x98: {  	s19 =	sld [smem:$0x3FDB];
	_ =	sdelay $0x1  }
0x99: {  	s20 =	simm.s32 $_scs_section_size  }
0x9a: {  	s4 =	simm.s32 $_size__tile_overlayer_lowered;
	s5 =	simm.s32 $_tile_overlayer_lowered  }
0x9b: {  	s6 =	simm.s32 $0x1BFF;
	s21 =	sshll.u32 s5, $0x1;
	s3 =	sadd.s32 s20, s19  }
0x9c: {  	s22 =	simm.s32 $0x0;
	s4 =	sshll.u32 s4, $0x1;
	s5 =	sadd.s32 s21, s3  }
0x9d: {  	[timem:s22], [sflag:s6] =	dma.local [hbm:s5], s4  }
0x9e: {  	_ =	swait.ge [sflag:s6], s4  }
0x9f: {  	s4 =	ssub.s32 $0x0, s4;
	[sflag:s6] =	ssyncset.done $0x0  }
0xa0: {  	[sflag:s6] =	ssyncadd.s32 s4;
	_ =	sdelay $0x1  }
0xa1: {  	s23 =	simm.s32 $0x1B8B  }
0xa2: {  	_ =	swait.ge [sflag:s23], $0x1  }
0xa3: {  	[sflag:s23] =	ssyncset.done $0x0  }
0xa4: {  	[sflag:s23] =	ssyncadd.s32 $0xFFFFFFFF  }
0xa5: {  	s4 =	sld [smem:$0x0]  }
0xa6: {  	s5 =	sand.u32 $0xFFFFFFFE, s1  }
0xa7: {  	p0 =	sne.s32 s1, s5  }
0xa8: {  	s5 =	sshll.u32 @p0 s5, $0xE  }
0xa9: {  	s5 =	sadd.s32 @p0 $0x11B8D, s5;
	s6 =	sshll.u32 @p0 s4, $0x11  }
0xaa: {  	s5 =	sor.u32 @p0 s6, s5  }
0xab: {  	[sflag:s5] =	ssyncadd.remote.s32 @p0 $0x1;
	_ =	sdelay $0x1  }
0xac: {  	s5 =	simm.s32 @p0 $0x1B8D  }
0xad: {  	_ =	swait.eq @p0 [sflag:s5], $0x1  }
0xae: {  	[sflag:s5] =	ssyncadd.s32 @p0 $0xFFFFFFFF  }
0xaf: {  	s6 =	sshll.u32 @!p0 s1, $0xE  }
0xb0: {  	s6 =	sor.u32 @!p0 $0x4000, s6;
	s5 =	simm.s32 @!p0 $0x1B8D  }
0xb1: {  	s4 =	sshll.u32 @!p0 s4, $0x11;
	s6 =	sadd.s32 @!p0 $0x11B8D, s6;
	_ =	swait.eq @!p0 [sflag:s5], $0x1  }
0xb2: {  	s4 =	sor.u32 @!p0 s4, s6;
	[sflag:s5] =	ssyncadd.s32 @!p0 $0xFFFFFFFF  }
0xb3: {  	s25 =	simm.s32 $0x1B8E;
	s24 =	sld [smem:$0x3FFE];
	[sflag:s4] =	ssyncadd.remote.s32 @!p0 $0x1  }
0xb4: {  	s26 =	simm.s32 $execute0_lowered;
	[smem:$0x3FD2] =	sst s25  }
0xb5: {  	s5 =	sshll.u32 s26, $0x1;
	_ =	strace $0x8000004C;
	[dreg:$0x1] =	wrdreg $0xFFFFFFFF  }
0xb6: {  	s28 =	simm.s32 $_size_execute0_lowered;
	s3 =	sadd.s32 s3, s5;
	[dreg:$0x0] =	wrdreg $0x0  }
0xb7: {  	s5 =	sshll.u32 s28, $0x1;
	[dreg:$0x2] =	wrdreg s3  }
0xb8: {  	[dreg:$0x3] =	wrdreg s5  }
0xb9: {  	[dreg:$0x4] =	wrdreg $0xC0  }
0xba: {  	_ =	task [dreg:s22], $0x5FFFF  }
0xbb: {  	[dreg:$0x1] =	wrdreg $0xFFFFFFFF  }
0xbc: {  	[dreg:$0x0] =	wrdreg $0x60  }
0xbd: {  	[dreg:$0x2] =	wrdreg s24  }
0xbe: {  	[dreg:$0x3] =	wrdreg $0xB  }
0xbf: {  	_ =	task.clear_ibuf [dreg:s22], $0x4FFFF;
	_ =	strace $0x9000004C  }
0xc0: {  	s29 =	simm.s32 $0xB;
	_ =	strace $0x8000004E  }
0xc1: {  	_ =	swait.ge [sflag:s29], $0x1  }
0xc2: {  	[sflag:s29] =	ssyncadd.s32 $0xFFFFFFFF  }
0xc3: {  	_ =	strace $0x9000004E  }
0xc4: {  	_ =	sfence  }
0xc5: {  	s30 =	sld [smem:$0x0];
	_ =	sdelay $0x2  }
0xc6: {  	s31 =	sshll.u32 s1, $0xD;
	s1 =	sshrl.u32 s1, $0x2  }
0xc7: {  	s4 =	sand.u32 $0x4000, s31;
	s1 =	sadd.s32 s1, s30  }
0xc8: {  	s0 =	sor.u32 s4, s0;
	s1 =	sshll.u32 s1, $0x11  }
0xc9: {  	s0 =	sor.u32 s1, s0  }
0xca: {  	s0 =	sadd.s32 $0x8F2B, s0  }
0xcb: {  	[sflag:s0] =	ssyncadd.remote.s32 $0x1  }
0xcc: {  	_ =	sfence.sel $0xFFFF  }
0xcd: {  	[dreg:$0x0] =	wrdreg $0xFFFFFFFF;
	(pc) =	sbr.abs _section_cstart, $3  }
0xce: {  	[dreg:$0x1] =	wrdreg $0xFFFFFFFF  }
0xcf: {  	_ =	task.clear_ibuf [dreg:s22], $0x2FFFF;
	_ =	strace $0x9FFFFFFF  }
0xd0: {  	(tm) =	ssettm $0x7FFFFFFF  }
0xd1: {  	_ =	shalt  }
tec
execute0_lowered:
.L_overlay_start_1:
0x0: {  	(tag) =	ssettag $0x1  }
0x1: {  	s1 =	srdreg.scid  }
0x2: {  	s0 =	stileid.u32;
	s10 =	sand.u32 $0x1, s1  }
0x3: {  	s8 =	rddreg [dreg:$0x0];
	s3 =	sshll.u32 s0, $0xB;
	s4 =	sshll.u32 s10, $0xA  }
0x4: {  	s2 =	simm.s32 $0x0;
	s1 =	rddreg [dreg:$0x1];
	s9 =	sor.u32 s4, s3  }
0x5: {  	[smem:$0x7FF] =	sst s2;
	s11 =	sadd.s32 $0x415200, s8;
	s3 =	sshrl.u32 s9, $0x3  }
0x6: {  	_ =	strace $0x8000004D;
	s4 =	sadd.s32 s11, s3;
	s3 =	simm.s32 $0x2  }
0x7: {  	[tilespmem:s2], [sflag:$0x2] =	stream.linear.gather [hbm4b:s4+s2], $0x200, $0x38;
	[tilespmem:$0x10200] =	vst v63  }
0x8: {  	_ =	swait.ge [sflag:s3], $0x200  }
0x9: {  	s6 =	simm.s32 $0x200;
	[sflag:s3] =	ssyncset.done $0x0  }
0xa: {  	s7 =	simm.s32 $0x1;
	s5 =	sadd.s32 $0x416200, s8;
	[sflag:s3] =	ssyncadd.s32 $0xFFFFFE00  }
0xb: {  	[tilespmem:s6], [sflag:$0x1] =	stream.indirect.gather [hbm4b:s5+s6], $0x80, s2, s6, $0xb8;
	[tilespmem:$0x10200] =	vst v63  }
0xc: {  	_ =	swait.ge [sflag:s7], $0x10000  }
0xd: {  	s12 =	sadd.s32 $0x436200, s8;
	s29 =	sshll.u32 s9, $0x4;
	[sflag:s7] =	ssyncset.done $0x0  }
0xe: {  	s8 =	sadd.s32 s12, s29;
	[sflag:s7] =	ssyncadd.s32 $0xFFFF0000  }
0xf: {  	[hbm4b:s8+s2] =	stream.linear.scatter [tilespmem:s6], [sflag:$0x2], $0x10000, $0x38;
	[tilespmem:$0x10200] =	vst v63  }
0x10: {  	s13 =	sor.u32 $0x200, s9;
	_ =	swait.ge [sflag:s3], $0x10000  }
0x11: {  	s9 =	sshrl.u32 s13, $0x3;
	[sflag:s3] =	ssyncset.done $0x0  }
0x12: {  	s10 =	ssub.s32 $0x2, s10;
	s9 =	sadd.s32 s11, s9;
	[sflag:s3] =	ssyncadd.s32 $0xFFFF0000  }
0x13: {  	[tilespmem:s2], [sflag:$0x2] =	stream.linear.gather [hbm4b:s9+s2], $0x200, $0x38;
	[tilespmem:$0x10200] =	vst v63  }
0x14: {  	s30 =	sshrl.u32 s10, $0x1;
	_ =	swait.ge [sflag:s3], $0x200  }
0x15: {  	s11 =	ssub.s32 s10, s30;
	[sflag:s3] =	ssyncset.done $0x0  }
0x16: {  	s11 =	smax.u32 s11, $0x1;
	[sflag:s3] =	ssyncadd.s32 $0xFFFFFE00  }
0x17: {  	[tilespmem:s6], [sflag:$0x1] =	stream.indirect.gather [hbm4b:s5+s6], $0x80, s2, s6, $0xb8;
	[tilespmem:$0x10200] =	vst v63  }
0x18: {  	p0 =	sne.s32 s11, $0x1;
	_ =	swait.ge [sflag:s7], $0x10000  }
.Ltmp0:
0x19: {  	s31 =	sshll.u32 s13, $0x4;
	[sflag:s7] =	ssyncset.done $0x0;
	(pc) =	sbr.rel @!p0 .LBB2_2-.Ltmp0, $4  }
0x1a: {  	s10 =	sadd.s32 s12, s31;
	[sflag:s7] =	ssyncadd.s32 $0xFFFF0000  }
0x1b: {  	[hbm4b:s10+s2] =	stream.linear.scatter [tilespmem:s6], [sflag:$0x2], $0x10000, $0x38;
	[tilespmem:$0x10200] =	vst v63  }
0x1c: {  	_ =	swait.ge [sflag:s3], $0x10000  }
0x1d: {  	s11 =	sadd.s32 $0xFFFFFFFF, s11;
	[sflag:s3] =	ssyncset.done $0x0  }
.LBB2_1:
0x1e: {  	p0 =	sne.s32 s11, $0x1;
	s11 =	sadd.s32 $0xFFFFFFFF, s11;
	[sflag:s3] =	ssyncadd.s32 $0xFFFF0000  }
0x1f: {  	[tilespmem:s2], [sflag:$0x2] =	stream.linear.gather [hbm4b:s4+s2], $0x200, $0x38;
	[tilespmem:$0x10200] =	vst v63  }
0x20: {  	_ =	swait.ge [sflag:s3], $0x200  }
0x21: {  	[sflag:s3] =	ssyncset.done $0x0  }
0x22: {  	[sflag:s3] =	ssyncadd.s32 $0xFFFFFE00  }
0x23: {  	[tilespmem:s6], [sflag:$0x1] =	stream.indirect.gather [hbm4b:s5+s6], $0x80, s2, s6, $0xb8;
	[tilespmem:$0x10200] =	vst v63  }
0x24: {  	_ =	swait.ge [sflag:s7], $0x10000  }
0x25: {  	[sflag:s7] =	ssyncset.done $0x0  }
0x26: {  	[sflag:s7] =	ssyncadd.s32 $0xFFFF0000  }
0x27: {  	[hbm4b:s8+s2] =	stream.linear.scatter [tilespmem:s6], [sflag:$0x2], $0x10000, $0x38;
	[tilespmem:$0x10200] =	vst v63  }
0x28: {  	_ =	swait.ge [sflag:s3], $0x10000  }
0x29: {  	[sflag:s3] =	ssyncset.done $0x0  }
0x2a: {  	[sflag:s3] =	ssyncadd.s32 $0xFFFF0000  }
0x2b: {  	[tilespmem:s2], [sflag:$0x2] =	stream.linear.gather [hbm4b:s9+s2], $0x200, $0x38;
	[tilespmem:$0x10200] =	vst v63  }
0x2c: {  	_ =	swait.ge [sflag:s3], $0x200  }
0x2d: {  	[sflag:s3] =	ssyncset.done $0x0  }
0x2e: {  	[sflag:s3] =	ssyncadd.s32 $0xFFFFFE00  }
0x2f: {  	[tilespmem:s6], [sflag:$0x1] =	stream.indirect.gather [hbm4b:s5+s6], $0x80, s2, s6, $0xb8;
	[tilespmem:$0x10200] =	vst v63  }
0x30: {  	_ =	swait.ge [sflag:s7], $0x10000  }
.Ltmp1:
0x31: {  	[sflag:s7] =	ssyncset.done $0x0;
	(pc) =	sbr.rel @p0 .LBB2_1-.Ltmp1, $4  }
0x32: {  	[sflag:s7] =	ssyncadd.s32 $0xFFFF0000  }
0x33: {  	[hbm4b:s10+s2] =	stream.linear.scatter [tilespmem:s6], [sflag:$0x2], $0x10000, $0x38;
	[tilespmem:$0x10200] =	vst v63  }
0x34: {  	_ =	swait.ge [sflag:s3], $0x10000  }
0x35: {  	[sflag:s3] =	ssyncset.done $0x0  }
.LBB2_2:
0x36: {  	[sflag:s3] =	ssyncadd.s32 $0xFFFF0000  }
0x37: {  	_ =	sfence.sel $0x180000  }
0x38: {  	[bflag:$0x0] =	sbarrier.arrive $0xFFFF  }
0x39: {  	p0 =	sne.s32 s0, $0x0;
	_ =	strace $0x9000004D  }
0x3a: {  	s0 =	sadd.s32 @!p0 $0x100000, s1;
	[bflag:$0x2] =	sbarrier.arrive $0xFFFF  }
0x3b: {  	[sflag:s0] =	ssyncadd.tile.s32 @!p0 $0x1;
	_ =	shalt  }
.Lfunc_end2:
_tile_overlayer_lowered:
.L_overlay_start_2:
0x3c: {  	(tag) =	ssettag $0x2  }
0x3d: {  	s0 =	rddreg [dreg:$0x0];
	s2 =	stileid.u32  }
0x3e: {  	s1 =	rddreg [dreg:$0x1];
	p0 =	sne.s32 s2, $0x0  }
0x3f: {  	s3 =	rddreg [dreg:$0x2];
	[bflag:$0x3] =	sbarrier.arrive $0xFFFF;
	s2 =	simm.s32 @!p0 $0x1C02  }
0x40: {  	[timem:s3], [sflag:s2] =	dma.local @!p0 [hbm:s0], s1  }
0x41: {  	s0 =	simm.s32 @!p0 $0x2  }
0x42: {  	_ =	swait.ge @!p0 [sflag:s0], s1  }
0x43: {  	s1 =	ssub.s32 @!p0 $0x0, s1;
	[sflag:s0] =	ssyncset.done @!p0 $0x0  }
0x44: {  	[sflag:s0] =	ssyncadd.s32 @!p0 s1  }
0x45: {  	[bflag:$0x3] =	sbarrier.arrive $0xFFFF  }
0x46: {  	_ =	shalt  }

// kernel: kernel.27.cloned.1.call-start
scs
__scs_entry_jumppad:
0x0: {  	(pc) =	sbr.rel $0x88, $3  }
0x1: {  	(tag) =	ssettag $0x0;
	lr =	simm.s32 $0x1  }
0x2: {  	[smem:$0x3F6C] =	sst lr;
	_ =	strace $0xD0000000  }
0x3: {  	_ = 	snop  }
0x4: {  	_ = 	snop  }
0x5: {  	_ = 	snop  }
0x6: {  	_ = 	snop  }
0x7: {  	_ = 	snop  }
__scs_overlays_trampoline_lowered:
0x8: {  	[smem:$0x3F7B] =	sst s0  }
0x9: {  	[smem:$0x3F7C] =	sst s1  }
0xa: {  	[smem:$0x3F7D] =	sst s2  }
0xb: {  	[smem:$0x3F7E] =	sst s3  }
0xc: {  	[smem:$0x3F7F] =	sst s4  }
0xd: {  	[smem:$0x3F80] =	sst s5  }
0xe: {  	[smem:$0x3F81] =	sst s6  }
0xf: {  	[smem:$0x3F82] =	sst s7  }
0x10: {  	[smem:$0x3F83] =	sst s8  }
0x11: {  	[smem:$0x3F84] =	sst s9;
	s0 =	simm.s32 @!p0 $0x0  }
0x12: {  	s1 =	sld [smem:$0x3F6A];
	s0 =	simm.s32 @p0 $0x1  }
0x13: {  	[smem:$0x3F85] =	sst s0;
	s0 =	simm.s32 @!p1 $0x0  }
0x14: {  	s2 =	sld [smem:$0x3F69];
	s0 =	simm.s32 @p1 $0x1  }
0x15: {  	[smem:$0x3F86] =	sst s0;
	s0 =	simm.s32 @!p2 $0x0  }
0x16: {  	s3 =	sld [smem:$0x3FDB];
	s0 =	simm.s32 @p2 $0x1  }
0x17: {  	s4 =	simm.s32 $0x1BF5;
	[smem:$0x3F88] =	sst s0  }
0x18: {  	s0 =	sld [smem:$0x3F6B];
	_ =	swait.ge [sflag:s4], $0x0  }
0x19: {  	s7 =	sld [smem:$0x3F6C]  }
0x1a: {  	s8 =	sadd.s32 $0xFFFFE003, lr  }
0x1b: {  	s9 =	sadd.s32 $0xFFFFFEF7, lr;
	s5 =	simm.s32 $0xFFFFFFFF;
	p2 =	slt.u32 s8, $0xFFFFF086  }
0x1c: {  	p1 =	slt.u32 s9, $0xF7A;
	s5 =	simm.s32 @!p2 $0x0  }
0x1d: {  	s5 =	simm.s32 @p1 $0x1;
	p0 =	seq.s32 s7, s2  }
0x1e: {  	s7 =	smul.u32 @!p0 $0xF7A, s2;
	p2 =	seq.s32 @!p0 s5, $0x0  }
0x1f: {  	s9 =	smul.u32 $0xF7A, s1;
	s8 =	simm.s32 @!p0 $0x1BF5;
	p2 =	por !p2, p0  }
0x20: {  	[sflag:s8] =	ssyncset.s32 @!p0 $0xFFFFF086;
	s6 =	sadd.s32 @!p0 s3, s7;
	s7 =	simm.s32 @!p0 $0x108  }
0x21: {  	s3 =	sadd.s32 s3, s9;
	s6 =	sadd.s32 @!p0 $0x88, s6;
	s7 =	simm.s32 @p2 $0x1082  }
0x22: {  	[simem:s7], [sflag:s8] =	dma.local @!p0 [hbm:s6], $0xF7A  }
0x23: {  	s9 =	sor.u32 $0xD0000000, s2;
	s6 =	simm.s32 $0x108;
	_ =	swait.ge @!p0 [sflag:s8], $0x0  }
0x24: {  	s3 =	sadd.s32 $0x88, s3;
	s6 =	simm.s32 @!p1 $0x1082;
	[sflag:s4] =	ssyncset.s32 $0xFFFFF086  }
0x25: {  	[simem:s6], [sflag:s4] =	dma.local [hbm:s3], $0xF7A  }
0x26: {  	[smem:$0x3F6C] =	sst s1;
	(tag) =	ssettag s2;
	_ =	strace s9  }
0x27: {  	s1 =	sld [smem:$0x3F7C]  }
0x28: {  	s2 =	sld [smem:$0x3F7D]  }
0x29: {  	s4 =	sld [smem:$0x3F7F]  }
0x2a: {  	p0 =	seq.s32 s5, $0x0;
	s5 =	sld [smem:$0x3F80]  }
0x2b: {  	s6 =	sld [smem:$0x3F81]  }
0x2c: {  	s7 =	sld [smem:$0x3F82]  }
0x2d: {  	s3 =	simm.s32 $0x108;
	s8 =	sld [smem:$0x3F83]  }
0x2e: {  	s3 =	simm.s32 @!p0 $0x1082;
	s9 =	sld [smem:$0x3F84]  }
0x2f: {  	lr =	sadd.s32 s0, s3;
	s0 =	sld [smem:$0x3F7B]  }
0x30: {  	s3 =	sld [smem:$0x3F7E]  }
0x31: {  	[smem:$0x3F87] =	sst s10  }
0x32: {  	s10 =	sld [smem:$0x3F85];
	_ =	sdelay $0x3  }
0x33: {  	p0 =	seq.s32 s10, $0x1;
	s10 =	sld [smem:$0x3F87];
	_ =	sdelay $0x3  }
0x34: {  	[smem:$0x3F87] =	sst s10  }
0x35: {  	s10 =	sld [smem:$0x3F86];
	_ =	sdelay $0x3  }
0x36: {  	p1 =	seq.s32 s10, $0x1;
	s10 =	sld [smem:$0x3F87];
	_ =	sdelay $0x3  }
0x37: {  	[smem:$0x3F87] =	sst s10  }
0x38: {  	s10 =	sld [smem:$0x3F88]  }
0x39: {  	_ = 	snop;
	(pc) =	sbr.ind lr, $3  }
0x3a: {  	_ = 	snop  }
0x3b: {  	_ = 	snop  }
0x3c: {  	p2 =	seq.s32 s10, $0x1;
	s10 =	sld [smem:$0x3F87]  }
0x3d: {  	_ =	shalt  }
0x3e: {  	_ =	shalt  }
0x3f: {  	_ =	shalt  }
0x40: {  	_ =	shalt  }
0x41: {  	_ =	shalt  }
0x42: {  	_ =	shalt  }
0x43: {  	_ =	shalt  }
0x44: {  	_ =	shalt  }
0x45: {  	_ =	shalt  }
0x46: {  	_ =	shalt  }
0x47: {  	_ =	shalt  }
0x48: {  	_ =	shalt  }
0x49: {  	_ =	shalt  }
0x4a: {  	_ =	shalt  }
0x4b: {  	_ =	shalt  }
0x4c: {  	_ =	shalt  }
0x4d: {  	_ =	shalt  }
0x4e: {  	_ =	shalt  }
0x4f: {  	_ =	shalt  }
0x50: {  	_ =	shalt  }
0x51: {  	_ =	shalt  }
0x52: {  	_ =	shalt  }
0x53: {  	_ =	shalt  }
0x54: {  	_ =	shalt  }
0x55: {  	_ =	shalt  }
0x56: {  	_ =	shalt  }
0x57: {  	_ =	shalt  }
0x58: {  	_ =	shalt  }
0x59: {  	_ =	shalt  }
0x5a: {  	_ =	shalt  }
0x5b: {  	_ =	shalt  }
0x5c: {  	_ =	shalt  }
0x5d: {  	_ =	shalt  }
0x5e: {  	_ =	shalt  }
0x5f: {  	_ =	shalt  }
0x60: {  	_ =	shalt  }
0x61: {  	_ =	shalt  }
0x62: {  	_ =	shalt  }
0x63: {  	_ =	shalt  }
0x64: {  	_ =	shalt  }
0x65: {  	_ =	shalt  }
0x66: {  	_ =	shalt  }
0x67: {  	_ =	shalt  }
0x68: {  	_ =	shalt  }
0x69: {  	_ =	shalt  }
0x6a: {  	_ =	shalt  }
0x6b: {  	_ =	shalt  }
0x6c: {  	_ =	shalt  }
0x6d: {  	_ =	shalt  }
0x6e: {  	_ =	shalt  }
0x6f: {  	_ =	shalt  }
0x70: {  	_ =	shalt  }
0x71: {  	_ =	shalt  }
0x72: {  	_ =	shalt  }
0x73: {  	_ =	shalt  }
0x74: {  	_ =	shalt  }
0x75: {  	_ =	shalt  }
0x76: {  	_ =	shalt  }
0x77: {  	_ =	shalt  }
0x78: {  	_ =	shalt  }
0x79: {  	_ =	shalt  }
0x7a: {  	_ =	shalt  }
0x7b: {  	_ =	shalt  }
0x7c: {  	_ =	shalt  }
0x7d: {  	_ =	shalt  }
0x7e: {  	_ =	shalt  }
0x7f: {  	_ =	shalt  }
0x80: {  	_ =	shalt  }
0x81: {  	_ =	shalt  }
0x82: {  	_ =	shalt  }
0x83: {  	_ =	shalt  }
0x84: {  	_ =	shalt  }
0x85: {  	_ =	shalt  }
0x86: {  	_ =	shalt  }
0x87: {  	_ =	shalt  }
.Lfunc_end0:
.L_simem_size_0:
called_computation.3_lowered:
.L_overlay_start_0:
0x88: {  	s2 =	sld [smem:$0x3FD9]  }
0x89: {  	s3 =	sld [smem:$0x3FFE];
	_ =	sdelay $0x1  }
0x8a: {  	s1 =	srdreg.scid  }
0x8b: {  	s0 =	sand.u32 $0x1, s1  }
0x8c: {  	s17 =	sshll.u32 s0, $0xA;
	s2 =	sadd.s32 s3, s2  }
0x8d: {  	s2 =	sadd.s32 s2, s17  }
0x8e: {  	[smem:$0x3F93] =	sst s2  }
0x8f: {  	_ = 	snop  }
0x90: {  	(tm) =	ssettm $0x1  }
0x91: {  	s18 =	sld [smem:$0x3FFB];
	_ =	sdelay $0x3  }
0x92: {  	_ =	strace s18  }
0x93: {  	s2 =	sld [smem:$0x3FFC];
	_ =	sdelay $0x3  }
0x94: {  	_ =	strace s2  }
0x95: {  	s2 =	sld [smem:$0x3FFD];
	_ =	sdelay $0x3  }
0x96: {  	_ =	strace s2  }
0x97: {  	_ =	strace $0x8FFFFFFF  }
0x98: {  	s19 =	sld [smem:$0x3FDB];
	_ =	sdelay $0x1  }
0x99: {  	s20 =	simm.s32 $_scs_section_size  }
0x9a: {  	s4 =	simm.s32 $_size__tile_overlayer_lowered;
	s5 =	simm.s32 $_tile_overlayer_lowered  }
0x9b: {  	s6 =	simm.s32 $0x1BFF;
	s21 =	sshll.u32 s5, $0x1;
	s3 =	sadd.s32 s20, s19  }
0x9c: {  	s22 =	simm.s32 $0x0;
	s4 =	sshll.u32 s4, $0x1;
	s5 =	sadd.s32 s21, s3  }
0x9d: {  	[timem:s22], [sflag:s6] =	dma.local [hbm:s5], s4  }
0x9e: {  	_ =	swait.ge [sflag:s6], s4  }
0x9f: {  	s4 =	ssub.s32 $0x0, s4;
	[sflag:s6] =	ssyncset.done $0x0  }
0xa0: {  	[sflag:s6] =	ssyncadd.s32 s4;
	_ =	sdelay $0x1  }
0xa1: {  	s23 =	simm.s32 $0x1B8B  }
0xa2: {  	_ =	swait.ge [sflag:s23], $0x1  }
0xa3: {  	[sflag:s23] =	ssyncset.done $0x0  }
0xa4: {  	[sflag:s23] =	ssyncadd.s32 $0xFFFFFFFF  }
0xa5: {  	s4 =	sld [smem:$0x0]  }
0xa6: {  	s5 =	sand.u32 $0xFFFFFFFE, s1  }
0xa7: {  	p0 =	sne.s32 s1, s5  }
0xa8: {  	s5 =	sshll.u32 @p0 s5, $0xE  }
0xa9: {  	s5 =	sadd.s32 @p0 $0x11B8D, s5;
	s6 =	sshll.u32 @p0 s4, $0x11  }
0xaa: {  	s5 =	sor.u32 @p0 s6, s5  }
0xab: {  	[sflag:s5] =	ssyncadd.remote.s32 @p0 $0x1;
	_ =	sdelay $0x1  }
0xac: {  	s5 =	simm.s32 @p0 $0x1B8D  }
0xad: {  	_ =	swait.eq @p0 [sflag:s5], $0x1  }
0xae: {  	[sflag:s5] =	ssyncadd.s32 @p0 $0xFFFFFFFF  }
0xaf: {  	s6 =	sshll.u32 @!p0 s1, $0xE  }
0xb0: {  	s6 =	sor.u32 @!p0 $0x4000, s6;
	s5 =	simm.s32 @!p0 $0x1B8D  }
0xb1: {  	s4 =	sshll.u32 @!p0 s4, $0x11;
	s6 =	sadd.s32 @!p0 $0x11B8D, s6;
	_ =	swait.eq @!p0 [sflag:s5], $0x1  }
0xb2: {  	s4 =	sor.u32 @!p0 s4, s6;
	[sflag:s5] =	ssyncadd.s32 @!p0 $0xFFFFFFFF  }
0xb3: {  	s25 =	simm.s32 $0x1B8E;
	s24 =	sld [smem:$0x3FFE];
	[sflag:s4] =	ssyncadd.remote.s32 @!p0 $0x1  }
0xb4: {  	s26 =	simm.s32 $execute0_lowered;
	[smem:$0x3FD2] =	sst s25  }
0xb5: {  	s5 =	sshll.u32 s26, $0x1;
	_ =	strace $0x8000004F;
	[dreg:$0x1] =	wrdreg $0xFFFFFFFF  }
0xb6: {  	s28 =	simm.s32 $_size_execute0_lowered;
	s3 =	sadd.s32 s3, s5;
	[dreg:$0x0] =	wrdreg $0x0  }
0xb7: {  	s5 =	sshll.u32 s28, $0x1;
	[dreg:$0x2] =	wrdreg s3  }
0xb8: {  	[dreg:$0x3] =	wrdreg s5  }
0xb9: {  	[dreg:$0x4] =	wrdreg $0xC0  }
0xba: {  	_ =	task [dreg:s22], $0x5FFFF  }
0xbb: {  	[dreg:$0x1] =	wrdreg $0xFFFFFFFF  }
0xbc: {  	[dreg:$0x0] =	wrdreg $0x60  }
0xbd: {  	[dreg:$0x2] =	wrdreg s24  }
0xbe: {  	[dreg:$0x3] =	wrdreg $0xC  }
0xbf: {  	_ =	task.clear_ibuf [dreg:s22], $0x4FFFF;
	_ =	strace $0x9000004F  }
0xc0: {  	s29 =	simm.s32 $0xC;
	_ =	strace $0x80000051  }
0xc1: {  	_ =	swait.ge [sflag:s29], $0x1  }
0xc2: {  	[sflag:s29] =	ssyncadd.s32 $0xFFFFFFFF  }
0xc3: {  	_ =	strace $0x90000051  }
0xc4: {  	_ =	sfence  }
0xc5: {  	s30 =	sld [smem:$0x0];
	_ =	sdelay $0x2  }
0xc6: {  	s31 =	sshll.u32 s1, $0xD;
	s1 =	sshrl.u32 s1, $0x2  }
0xc7: {  	s4 =	sand.u32 $0x4000, s31;
	s1 =	sadd.s32 s1, s30  }
0xc8: {  	s0 =	sor.u32 s4, s0;
	s1 =	sshll.u32 s1, $0x11  }
0xc9: {  	s0 =	sor.u32 s1, s0  }
0xca: {  	s0 =	sadd.s32 $0x8F2B, s0  }
0xcb: {  	[sflag:s0] =	ssyncadd.remote.s32 $0x1  }
0xcc: {  	_ =	sfence.sel $0xFFFF  }
0xcd: {  	[dreg:$0x0] =	wrdreg $0xFFFFFFFF;
	(pc) =	sbr.abs _section_cstart, $3  }
0xce: {  	[dreg:$0x1] =	wrdreg $0xFFFFFFFF  }
0xcf: {  	_ =	task.clear_ibuf [dreg:s22], $0x2FFFF;
	_ =	strace $0x9FFFFFFF  }
0xd0: {  	(tm) =	ssettm $0x7FFFFFFF  }
0xd1: {  	_ =	shalt  }
tec
execute0_lowered:
.L_overlay_start_1:
0x0: {  	(tag) =	ssettag $0x1  }
0x1: {  	s1 =	srdreg.scid  }
0x2: {  	s0 =	stileid.u32;
	s10 =	sand.u32 $0x1, s1  }
0x3: {  	s8 =	rddreg [dreg:$0x0];
	s3 =	sshll.u32 s0, $0xB;
	s4 =	sshll.u32 s10, $0xA  }
0x4: {  	s2 =	simm.s32 $0x0;
	s1 =	rddreg [dreg:$0x1];
	s9 =	sor.u32 s4, s3  }
0x5: {  	[smem:$0x7FF] =	sst s2;
	s11 =	sadd.s32 $0x415200, s8;
	s3 =	sshrl.u32 s9, $0x3  }
0x6: {  	_ =	strace $0x80000050;
	s4 =	sadd.s32 s11, s3;
	s3 =	simm.s32 $0x2  }
0x7: {  	[tilespmem:s2], [sflag:$0x2] =	stream.linear.gather [hbm4b:s4+s2], $0x200, $0x38;
	[tilespmem:$0x10200] =	vst v63  }
0x8: {  	_ =	swait.ge [sflag:s3], $0x200  }
0x9: {  	s6 =	simm.s32 $0x200;
	[sflag:s3] =	ssyncset.done $0x0  }
0xa: {  	s7 =	simm.s32 $0x1;
	s5 =	sadd.s32 $0x4B6200, s8;
	[sflag:s3] =	ssyncadd.s32 $0xFFFFFE00  }
0xb: {  	[tilespmem:s6], [sflag:$0x1] =	stream.indirect.gather [hbm4b:s5+s6], $0x80, s2, s6, $0xb8;
	[tilespmem:$0x10200] =	vst v63  }
0xc: {  	_ =	swait.ge [sflag:s7], $0x10000  }
0xd: {  	s12 =	sadd.s32 $0x4D6200, s8;
	s29 =	sshll.u32 s9, $0x4;
	[sflag:s7] =	ssyncset.done $0x0  }
0xe: {  	s8 =	sadd.s32 s12, s29;
	[sflag:s7] =	ssyncadd.s32 $0xFFFF0000  }
0xf: {  	[hbm4b:s8+s2] =	stream.linear.scatter [tilespmem:s6], [sflag:$0x2], $0x10000, $0x38;
	[tilespmem:$0x10200] =	vst v63  }
0x10: {  	s13 =	sor.u32 $0x200, s9;
	_ =	swait.ge [sflag:s3], $0x10000  }
0x11: {  	s9 =	sshrl.u32 s13, $0x3;
	[sflag:s3] =	ssyncset.done $0x0  }
0x12: {  	s10 =	ssub.s32 $0x2, s10;
	s9 =	sadd.s32 s11, s9;
	[sflag:s3] =	ssyncadd.s32 $0xFFFF0000  }
0x13: {  	[tilespmem:s2], [sflag:$0x2] =	stream.linear.gather [hbm4b:s9+s2], $0x200, $0x38;
	[tilespmem:$0x10200] =	vst v63  }
0x14: {  	s30 =	sshrl.u32 s10, $0x1;
	_ =	swait.ge [sflag:s3], $0x200  }
0x15: {  	s11 =	ssub.s32 s10, s30;
	[sflag:s3] =	ssyncset.done $0x0  }
0x16: {  	s11 =	smax.u32 s11, $0x1;
	[sflag:s3] =	ssyncadd.s32 $0xFFFFFE00  }
0x17: {  	[tilespmem:s6], [sflag:$0x1] =	stream.indirect.gather [hbm4b:s5+s6], $0x80, s2, s6, $0xb8;
	[tilespmem:$0x10200] =	vst v63  }
0x18: {  	p0 =	sne.s32 s11, $0x1;
	_ =	swait.ge [sflag:s7], $0x10000  }
.Ltmp0:
0x19: {  	s31 =	sshll.u32 s13, $0x4;
	[sflag:s7] =	ssyncset.done $0x0;
	(pc) =	sbr.rel @!p0 .LBB2_2-.Ltmp0, $4  }
0x1a: {  	s10 =	sadd.s32 s12, s31;
	[sflag:s7] =	ssyncadd.s32 $0xFFFF0000  }
0x1b: {  	[hbm4b:s10+s2] =	stream.linear.scatter [tilespmem:s6], [sflag:$0x2], $0x10000, $0x38;
	[tilespmem:$0x10200] =	vst v63  }
0x1c: {  	_ =	swait.ge [sflag:s3], $0x10000  }
0x1d: {  	s11 =	sadd.s32 $0xFFFFFFFF, s11;
	[sflag:s3] =	ssyncset.done $0x0  }
.LBB2_1:
0x1e: {  	p0 =	sne.s32 s11, $0x1;
	s11 =	sadd.s32 $0xFFFFFFFF, s11;
	[sflag:s3] =	ssyncadd.s32 $0xFFFF0000  }
0x1f: {  	[tilespmem:s2], [sflag:$0x2] =	stream.linear.gather [hbm4b:s4+s2], $0x200, $0x38;
	[tilespmem:$0x10200] =	vst v63  }
0x20: {  	_ =	swait.ge [sflag:s3], $0x200  }
0x21: {  	[sflag:s3] =	ssyncset.done $0x0  }
0x22: {  	[sflag:s3] =	ssyncadd.s32 $0xFFFFFE00  }
0x23: {  	[tilespmem:s6], [sflag:$0x1] =	stream.indirect.gather [hbm4b:s5+s6], $0x80, s2, s6, $0xb8;
	[tilespmem:$0x10200] =	vst v63  }
0x24: {  	_ =	swait.ge [sflag:s7], $0x10000  }
0x25: {  	[sflag:s7] =	ssyncset.done $0x0  }
0x26: {  	[sflag:s7] =	ssyncadd.s32 $0xFFFF0000  }
0x27: {  	[hbm4b:s8+s2] =	stream.linear.scatter [tilespmem:s6], [sflag:$0x2], $0x10000, $0x38;
	[tilespmem:$0x10200] =	vst v63  }
0x28: {  	_ =	swait.ge [sflag:s3], $0x10000  }
0x29: {  	[sflag:s3] =	ssyncset.done $0x0  }
0x2a: {  	[sflag:s3] =	ssyncadd.s32 $0xFFFF0000  }
0x2b: {  	[tilespmem:s2], [sflag:$0x2] =	stream.linear.gather [hbm4b:s9+s2], $0x200, $0x38;
	[tilespmem:$0x10200] =	vst v63  }
0x2c: {  	_ =	swait.ge [sflag:s3], $0x200  }
0x2d: {  	[sflag:s3] =	ssyncset.done $0x0  }
0x2e: {  	[sflag:s3] =	ssyncadd.s32 $0xFFFFFE00  }
0x2f: {  	[tilespmem:s6], [sflag:$0x1] =	stream.indirect.gather [hbm4b:s5+s6], $0x80, s2, s6, $0xb8;
	[tilespmem:$0x10200] =	vst v63  }
0x30: {  	_ =	swait.ge [sflag:s7], $0x10000  }
.Ltmp1:
0x31: {  	[sflag:s7] =	ssyncset.done $0x0;
	(pc) =	sbr.rel @p0 .LBB2_1-.Ltmp1, $4  }
0x32: {  	[sflag:s7] =	ssyncadd.s32 $0xFFFF0000  }
0x33: {  	[hbm4b:s10+s2] =	stream.linear.scatter [tilespmem:s6], [sflag:$0x2], $0x10000, $0x38;
	[tilespmem:$0x10200] =	vst v63  }
0x34: {  	_ =	swait.ge [sflag:s3], $0x10000  }
0x35: {  	[sflag:s3] =	ssyncset.done $0x0  }
.LBB2_2:
0x36: {  	[sflag:s3] =	ssyncadd.s32 $0xFFFF0000  }
0x37: {  	_ =	sfence.sel $0x180000  }
0x38: {  	[bflag:$0x0] =	sbarrier.arrive $0xFFFF  }
0x39: {  	p0 =	sne.s32 s0, $0x0;
	_ =	strace $0x90000050  }
0x3a: {  	s0 =	sadd.s32 @!p0 $0x100000, s1;
	[bflag:$0x2] =	sbarrier.arrive $0xFFFF  }
0x3b: {  	[sflag:s0] =	ssyncadd.tile.s32 @!p0 $0x1;
	_ =	shalt  }
.Lfunc_end2:
_tile_overlayer_lowered:
.L_overlay_start_2:
0x3c: {  	(tag) =	ssettag $0x2  }
0x3d: {  	s0 =	rddreg [dreg:$0x0];
	s2 =	stileid.u32  }
0x3e: {  	s1 =	rddreg [dreg:$0x1];
	p0 =	sne.s32 s2, $0x0  }
0x3f: {  	s3 =	rddreg [dreg:$0x2];
	[bflag:$0x3] =	sbarrier.arrive $0xFFFF;
	s2 =	simm.s32 @!p0 $0x1C02  }
0x40: {  	[timem:s3], [sflag:s2] =	dma.local @!p0 [hbm:s0], s1  }
0x41: {  	s0 =	simm.s32 @!p0 $0x2  }
0x42: {  	_ =	swait.ge @!p0 [sflag:s0], s1  }
0x43: {  	s1 =	ssub.s32 @!p0 $0x0, s1;
	[sflag:s0] =	ssyncset.done @!p0 $0x0  }
0x44: {  	[sflag:s0] =	ssyncadd.s32 @!p0 s1  }
0x45: {  	[bflag:$0x3] =	sbarrier.arrive $0xFFFF  }
0x46: {  	_ =	shalt  }

</sc_bundles>
